<compile_context>
chip_gen: v7x
topology: tpu7x:2x2x1
jax: 0.10.2.dev20260603
libtpu: 0.0.44.dev20260713+nightly
codegen_flags: <defaults>
</compile_context>

<pallas_src>
import functools

import jax
import jax.numpy as jnp
from jax import lax
from jax.experimental import pallas as pl
from jax.experimental.pallas import tpu as pltpu
from jax.experimental.pallas import tpu_sc as plsc

_N_CORES = 2
_N_SUBCORES = 16
_LANES = 16
_NW = _N_CORES * _N_SUBCORES
_CHUNK = 256


def _funk_svd_body(n_factors, b_per_w, uid_hbm, iid_hbm, uf_hbm, if_hbm,
                   out_hbm, uid_v, iid_v, u_rows, i_rows, out_v, sem_u, sem_i):
    wid = lax.axis_index("s") * _N_CORES + lax.axis_index("c")
    base = wid * b_per_w

    pltpu.sync_copy(uid_hbm.at[pl.ds(base, b_per_w)], uid_v)
    pltpu.sync_copy(iid_hbm.at[pl.ds(base, b_per_w)], iid_v)

    lane = lax.iota(jnp.int32, _LANES)
    n_chunks = b_per_w // _CHUNK
    groups_per_chunk = _CHUNK // _LANES

    for c in range(n_chunks):
        def fire(g, carry, c=c):
            off = c * _CHUNK + g * _LANES
            uv = uid_v[pl.ds(off, _LANES)]
            iv = iid_v[pl.ds(off, _LANES)]
            for t in range(_LANES):
                dst = g * _LANES + t
                pltpu.async_copy(uf_hbm.at[pl.ds(uv[t], 1), :],
                                 u_rows.at[pl.ds(dst, 1), :],
                                 sem_u)
                pltpu.async_copy(if_hbm.at[pl.ds(iv[t], 1), :],
                                 i_rows.at[pl.ds(dst, 1), :],
                                 sem_i)
            return carry

        lax.fori_loop(0, groups_per_chunk, fire, 0)
        pltpu.make_async_copy(uf_hbm.at[pl.ds(0, _CHUNK), :],
                              u_rows, sem_u).wait()
        pltpu.make_async_copy(if_hbm.at[pl.ds(0, _CHUNK), :],
                              i_rows, sem_i).wait()

        def group(g, carry, c=c):
            rows = lane + g * _LANES
            acc = jnp.zeros((_LANES,), jnp.float32)
            for f in range(n_factors):
                fvec = jnp.full((_LANES,), f, jnp.int32)
                u = plsc.load_gather(u_rows, [rows, fvec])
                it = plsc.load_gather(i_rows, [rows, fvec])
                acc = acc + u * it
            out_v[pl.ds(c * _CHUNK + g * _LANES, _LANES)] = acc
            return carry

        lax.fori_loop(0, groups_per_chunk, group, 0)

    pltpu.sync_copy(out_v, out_hbm.at[pl.ds(base, b_per_w)])


def kernel(user_ids, item_ids, user_factors, item_factors):
    batch = user_ids.shape[0]
    n_factors = user_factors.shape[1]
    b_per_w = batch // _NW
    mesh = plsc.VectorSubcoreMesh(core_axis_name="c", subcore_axis_name="s")

    run = pl.kernel(
        functools.partial(_funk_svd_body, n_factors, b_per_w),
        out_type=jax.ShapeDtypeStruct((batch,), jnp.float32),
        mesh=mesh,
        compiler_params=pltpu.CompilerParams(needs_layout_passes=False),
        scratch_types=[
            pltpu.VMEM((b_per_w,), jnp.int32),
            pltpu.VMEM((b_per_w,), jnp.int32),
            pltpu.VMEM((_CHUNK, n_factors), jnp.float32),
            pltpu.VMEM((_CHUNK, n_factors), jnp.float32),
            pltpu.VMEM((b_per_w,), jnp.float32),
            pltpu.SemaphoreType.DMA,
            pltpu.SemaphoreType.DMA,
        ],
    )
    return run(user_ids.astype(jnp.int32), item_ids.astype(jnp.int32),
               user_factors, item_factors)

# --- scband reference (transcript-rebuilt; emitter-appended) ---
"""Pipeline reference for scband-funk-svd-11467562680500 (READ-ONLY COPY).

The authoritative reference and input builder live on the scoring server;
editing this copy changes nothing except your own understanding.
"""

import jax, jax.numpy as jnp
import numpy as np

N_USERS = 1000000
N_ITEMS = 100000
N_FACTORS = 32
BATCH = 16384
INIT_STD = 0.1

def setup_inputs(seed: int = 0) -> dict:
    key = jax.random.key(seed)
    k1, k2, k3, k4 = jax.random.split(key, 4)
    user_ids = jax.random.randint(k1, (BATCH,), 0, N_USERS, dtype=jnp.int64 if jax.config.jax_enable_x64 else jnp.int32)
    item_ids = jax.random.randint(k2, (BATCH,), 0, N_ITEMS, dtype=jnp.int64 if jax.config.jax_enable_x64 else jnp.int32)
    user_factors = jax.random.normal(k3, (N_USERS, N_FACTORS), dtype=jnp.float32) * INIT_STD
    item_factors = jax.random.normal(k4, (N_ITEMS, N_FACTORS), dtype=jnp.float32) * INIT_STD
    return {"user_ids": user_ids, "item_ids": item_ids, "user_factors": user_factors, "item_factors": item_factors}

def reference(user_ids, item_ids, user_factors, item_factors):
    # FunkSVD forward: gather user/item embeddings, elementwise product, sum over factor dim
    user_embedding = jnp.take(user_factors, user_ids, axis=0)   # [B, F]
    item_embedding = jnp.take(item_factors, item_ids, axis=0)   # [B, F]
    predictions = (user_embedding * item_embedding).sum(axis=1) # [B]
    return predictions

if __name__ == "__main__":
    import jax
    _d = setup_inputs()
    print(jax.jit(kernel)(*tuple(_d.values())))

</pallas_src>

<mosaic_0001>
#map = affine_map<(d0, d1) -> (0)>
#map1 = affine_map<(d0, d1) -> (0, 0)>
module attributes {stable_mosaic.version = 14 : i64} {
  func.func @_funk_svd_body(%arg0: i32, %arg1: i32, %arg2: memref<16384xi32, #tpu.memory_space<hbm>>, %arg3: memref<16384xi32, #tpu.memory_space<hbm>>, %arg4: memref<1000000x32xf32, #tpu.memory_space<hbm>>, %arg5: memref<100000x32xf32, #tpu.memory_space<hbm>>, %arg6: memref<16384xf32, #tpu.memory_space<hbm>>, %arg7: memref<512xi32, #tpu.memory_space<vmem>>, %arg8: memref<512xi32, #tpu.memory_space<vmem>>, %arg9: memref<256x32xf32, #tpu.memory_space<vmem>>, %arg10: memref<256x32xf32, #tpu.memory_space<vmem>>, %arg11: memref<512xf32, #tpu.memory_space<vmem>>, %arg12: memref<!tpu.dma_semaphore, #tpu.memory_space<semaphore_mem>>, %arg13: memref<!tpu.dma_semaphore, #tpu.memory_space<semaphore_mem>>) attributes {dimension_semantics = [#tpu.dimension_semantics<core_parallel>, #tpu.dimension_semantics<subcore_parallel>], iteration_bounds = array<i64: 2, 16>, scalar_prefetch = 0 : i64, scratch_operands = 7 : i64, tpu.core_type = #tpu.core_type<sc_vector_subcore>, window_params = [{transform_indices = #map}, {transform_indices = #map}, {transform_indices = #map1}, {transform_indices = #map1}, {transform_indices = #map}]} {
    %mul3A = arith.constant 2 : i32
    %mul3A_0 = arith.muli %arg1, %mul3A : i32
    %add3A = arith.addi %mul3A_0, %arg0 : i32
    %mul3A_1 = arith.constant 512 : i32
    %mul3A_2 = arith.muli %add3A, %mul3A_1 : i32
    "tpu.region"() ({
      %run_scoped3A = tpu.sem_alloc : memref<!tpu.dma_semaphore, #tpu.memory_space<semaphore_mem>>
      %dma_start3A = tpu.memref_slice %arg2[%mul3A_2] : memref<16384xi32, #tpu.memory_space<hbm>> -> memref<512xi32, #tpu.memory_space<hbm>>
      %dma_start3A_49 = tpu.memref_slice %arg2[%mul3A_2] : memref<16384xi32, #tpu.memory_space<hbm>> -> memref<512xi32, #tpu.memory_space<hbm>>
      tpu.enqueue_dma source(%dma_start3A_49 : memref<512xi32, #tpu.memory_space<hbm>>) target(%arg7 : memref<512xi32, #tpu.memory_space<vmem>>) target_semaphore(%run_scoped3A : memref<!tpu.dma_semaphore, #tpu.memory_space<semaphore_mem>>)
      %dma_wait3A_50 = tpu.memref_slice %arg2[%mul3A_2] : memref<16384xi32, #tpu.memory_space<hbm>> -> memref<512xi32, #tpu.memory_space<hbm>>
      %dma_wait3A_51 = tpu.memref_slice %arg2[%mul3A_2] : memref<16384xi32, #tpu.memory_space<hbm>> -> memref<512xi32, #tpu.memory_space<hbm>>
      tpu.wait_dma2 semaphore(%run_scoped3A : memref<!tpu.dma_semaphore, #tpu.memory_space<semaphore_mem>>) src(%dma_wait3A_51 : memref<512xi32, #tpu.memory_space<hbm>>) dst(%arg7 : memref<512xi32, #tpu.memory_space<vmem>>)
      tpu.yield
    }) : () -> ()
    "tpu.region"() ({
      %run_scoped3A = tpu.sem_alloc : memref<!tpu.dma_semaphore, #tpu.memory_space<semaphore_mem>>
      %dma_start3A = tpu.memref_slice %arg3[%mul3A_2] : memref<16384xi32, #tpu.memory_space<hbm>> -> memref<512xi32, #tpu.memory_space<hbm>>
      %dma_start3A_49 = tpu.memref_slice %arg3[%mul3A_2] : memref<16384xi32, #tpu.memory_space<hbm>> -> memref<512xi32, #tpu.memory_space<hbm>>
      tpu.enqueue_dma source(%dma_start3A_49 : memref<512xi32, #tpu.memory_space<hbm>>) target(%arg8 : memref<512xi32, #tpu.memory_space<vmem>>) target_semaphore(%run_scoped3A : memref<!tpu.dma_semaphore, #tpu.memory_space<semaphore_mem>>)
      %dma_wait3A_50 = tpu.memref_slice %arg3[%mul3A_2] : memref<16384xi32, #tpu.memory_space<hbm>> -> memref<512xi32, #tpu.memory_space<hbm>>
      %dma_wait3A_51 = tpu.memref_slice %arg3[%mul3A_2] : memref<16384xi32, #tpu.memory_space<hbm>> -> memref<512xi32, #tpu.memory_space<hbm>>
      tpu.wait_dma2 semaphore(%run_scoped3A : memref<!tpu.dma_semaphore, #tpu.memory_space<semaphore_mem>>) src(%dma_wait3A_51 : memref<512xi32, #tpu.memory_space<hbm>>) dst(%arg8 : memref<512xi32, #tpu.memory_space<vmem>>)
      tpu.yield
    }) : () -> ()
    %iota3A = tpu.iota {dimensions = array<i32: 0>} : vector<16xi32>
    %scan3A = arith.constant 0 : i32
    %scan3A_3 = arith.constant 0 : i32
    %scan3A_4 = arith.constant 16 : i32
    %scan3A_5 = arith.addi %scan3A_3, %scan3A_4 : i32
    %scan3A_6 = arith.constant 1 : i32
    scf.for %scan3A_49 = %scan3A_3 to %scan3A_5 step %scan3A_6  : i32 {
      %mul3A_50 = arith.constant 16 : i32
      %mul3A_51 = arith.muli %scan3A_49, %mul3A_50 : i32
      %add3A_52 = arith.constant 0 : i32
      %add3A_53 = arith.addi %add3A_52, %mul3A_51 : i32
      %get3A = arith.index_cast %add3A_53 : i32 to index
      %get3A_54 = tpu.vector_load %arg7[%get3A] {strides = array<i32>} : memref<512xi32, #tpu.memory_space<vmem>>, vector<16xi32>,
      %get3A_55 = arith.index_cast %add3A_53 : i32 to index
      %get3A_56 = tpu.vector_load %arg8[%get3A_55] {strides = array<i32>} : memref<512xi32, #tpu.memory_space<vmem>>, vector<16xi32>,
      %mul3A_57 = arith.constant 16 : i32
      %mul3A_58 = arith.muli %scan3A_49, %mul3A_57 : i32
      %add3A_59 = arith.constant 0 : i32
      %add3A_60 = arith.addi %mul3A_58, %add3A_59 : i32
      %slice3A = vector.extract_strided_slice %get3A_54 {offsets = [0], sizes = [1], strides = [1]} : vector<16xi32> to vector<1xi32>
      %squeeze3A = vector.extract %slice3A[0] : i32 from vector<1xi32>
      %dma_start3A = arith.constant 0 : i32
      %dma_start3A_61 = tpu.memref_slice %arg9[%add3A_60, %dma_start3A] : memref<256x32xf32, #tpu.memory_space<vmem>> -> memref<1x32xf32, #tpu.memory_space<vmem>>
      %dma_start3A_62 = arith.constant 0 : i32
      %dma_start3A_63 = tpu.memref_slice %arg4[%squeeze3A, %dma_start3A_62] : memref<1000000x32xf32, #tpu.memory_space<hbm>> -> memref<1x32xf32, #tpu.memory_space<hbm>>
      %dma_start3A_64 = arith.constant 0 : i32
      %dma_start3A_65 = tpu.memref_slice %arg9[%add3A_60, %dma_start3A_64] : memref<256x32xf32, #tpu.memory_space<vmem>> -> memref<1x32xf32, #tpu.memory_space<vmem>>
      %dma_start3A_66 = arith.constant 0 : i32
      %dma_start3A_67 = tpu.memref_slice %arg4[%squeeze3A, %dma_start3A_66] : memref<1000000x32xf32, #tpu.memory_space<hbm>> -> memref<1x32xf32, #tpu.memory_space<hbm>>
      tpu.enqueue_dma source(%dma_start3A_67 : memref<1x32xf32, #tpu.memory_space<hbm>>) target(%dma_start3A_65 : memref<1x32xf32, #tpu.memory_space<vmem>>) target_semaphore(%arg12 : memref<!tpu.dma_semaphore, #tpu.memory_space<semaphore_mem>>)
      %slice3A_68 = vector.extract_strided_slice %get3A_56 {offsets = [0], sizes = [1], strides = [1]} : vector<16xi32> to vector<1xi32>
      %squeeze3A_69 = vector.extract %slice3A_68[0] : i32 from vector<1xi32>
      %dma_start3A_70 = arith.constant 0 : i32
      %dma_start3A_71 = tpu.memref_slice %arg10[%add3A_60, %dma_start3A_70] : memref<256x32xf32, #tpu.memory_space<vmem>> -> memref<1x32xf32, #tpu.memory_space<vmem>>
      %dma_start3A_72 = arith.constant 0 : i32
      %dma_start3A_73 = tpu.memref_slice %arg5[%squeeze3A_69, %dma_start3A_72] : memref<100000x32xf32, #tpu.memory_space<hbm>> -> memref<1x32xf32, #tpu.memory_space<hbm>>
      %dma_start3A_74 = arith.constant 0 : i32
      %dma_start3A_75 = tpu.memref_slice %arg10[%add3A_60, %dma_start3A_74] : memref<256x32xf32, #tpu.memory_space<vmem>> -> memref<1x32xf32, #tpu.memory_space<vmem>>
      %dma_start3A_76 = arith.constant 0 : i32
      %dma_start3A_77 = tpu.memref_slice %arg5[%squeeze3A_69, %dma_start3A_76] : memref<100000x32xf32, #tpu.memory_space<hbm>> -> memref<1x32xf32, #tpu.memory_space<hbm>>
      tpu.enqueue_dma source(%dma_start3A_77 : memref<1x32xf32, #tpu.memory_space<hbm>>) target(%dma_start3A_75 : memref<1x32xf32, #tpu.memory_space<vmem>>) target_semaphore(%arg13 : memref<!tpu.dma_semaphore, #tpu.memory_space<semaphore_mem>>)
      %mul3A_78 = arith.constant 16 : i32
      %mul3A_79 = arith.muli %scan3A_49, %mul3A_78 : i32
      %add3A_80 = arith.constant 1 : i32
      %add3A_81 = arith.addi %mul3A_79, %add3A_80 : i32
      %slice3A_82 = vector.extract_strided_slice %get3A_54 {offsets = [1], sizes = [1], strides = [1]} : vector<16xi32> to vector<1xi32>
      %squeeze3A_83 = vector.extract %slice3A_82[0] : i32 from vector<1xi32>
      %dma_start3A_84 = arith.constant 0 : i32
      %dma_start3A_85 = tpu.memref_slice %arg9[%add3A_81, %dma_start3A_84] : memref<256x32xf32, #tpu.memory_space<vmem>> -> memref<1x32xf32, #tpu.memory_space<vmem>>
      %dma_start3A_86 = arith.constant 0 : i32
      %dma_start3A_87 = tpu.memref_slice %arg4[%squeeze3A_83, %dma_start3A_86] : memref<1000000x32xf32, #tpu.memory_space<hbm>> -> memref<1x32xf32, #tpu.memory_space<hbm>>
      %dma_start3A_88 = arith.constant 0 : i32
      %dma_start3A_89 = tpu.memref_slice %arg9[%add3A_81, %dma_start3A_88] : memref<256x32xf32, #tpu.memory_space<vmem>> -> memref<1x32xf32, #tpu.memory_space<vmem>>
      %dma_start3A_90 = arith.constant 0 : i32
      %dma_start3A_91 = tpu.memref_slice %arg4[%squeeze3A_83, %dma_start3A_90] : memref<1000000x32xf32, #tpu.memory_space<hbm>> -> memref<1x32xf32, #tpu.memory_space<hbm>>
      tpu.enqueue_dma source(%dma_start3A_91 : memref<1x32xf32, #tpu.memory_space<hbm>>) target(%dma_start3A_89 : memref<1x32xf32, #tpu.memory_space<vmem>>) target_semaphore(%arg12 : memref<!tpu.dma_semaphore, #tpu.memory_space<semaphore_mem>>)
      %slice3A_92 = vector.extract_strided_slice %get3A_56 {offsets = [1], sizes = [1], strides = [1]} : vector<16xi32> to vector<1xi32>
      %squeeze3A_93 = vector.extract %slice3A_92[0] : i32 from vector<1xi32>
      %dma_start3A_94 = arith.constant 0 : i32
      %dma_start3A_95 = tpu.memref_slice %arg10[%add3A_81, %dma_start3A_94] : memref<256x32xf32, #tpu.memory_space<vmem>> -> memref<1x32xf32, #tpu.memory_space<vmem>>
      %dma_start3A_96 = arith.constant 0 : i32
      %dma_start3A_97 = tpu.memref_slice %arg5[%squeeze3A_93, %dma_start3A_96] : memref<100000x32xf32, #tpu.memory_space<hbm>> -> memref<1x32xf32, #tpu.memory_space<hbm>>
      %dma_start3A_98 = arith.constant 0 : i32
      %dma_start3A_99 = tpu.memref_slice %arg10[%add3A_81, %dma_start3A_98] : memref<256x32xf32, #tpu.memory_space<vmem>> -> memref<1x32xf32, #tpu.memory_space<vmem>>
      %dma_start3A_100 = arith.constant 0 : i32
      %dma_start3A_101 = tpu.memref_slice %arg5[%squeeze3A_93, %dma_start3A_100] : memref<100000x32xf32, #tpu.memory_space<hbm>> -> memref<1x32xf32, #tpu.memory_space<hbm>>
      tpu.enqueue_dma source(%dma_start3A_101 : memref<1x32xf32, #tpu.memory_space<hbm>>) target(%dma_start3A_99 : memref<1x32xf32, #tpu.memory_space<vmem>>) target_semaphore(%arg13 : memref<!tpu.dma_semaphore, #tpu.memory_space<semaphore_mem>>)
      %mul3A_102 = arith.constant 16 : i32
      %mul3A_103 = arith.muli %scan3A_49, %mul3A_102 : i32
      %add3A_104 = arith.constant 2 : i32
      %add3A_105 = arith.addi %mul3A_103, %add3A_104 : i32
      %slice3A_106 = vector.extract_strided_slice %get3A_54 {offsets = [2], sizes = [1], strides = [1]} : vector<16xi32> to vector<1xi32>
      %squeeze3A_107 = vector.extract %slice3A_106[0] : i32 from vector<1xi32>
      %dma_start3A_108 = arith.constant 0 : i32
      %dma_start3A_109 = tpu.memref_slice %arg9[%add3A_105, %dma_start3A_108] : memref<256x32xf32, #tpu.memory_space<vmem>> -> memref<1x32xf32, #tpu.memory_space<vmem>>
      %dma_start3A_110 = arith.constant 0 : i32
      %dma_start3A_111 = tpu.memref_slice %arg4[%squeeze3A_107, %dma_start3A_110] : memref<1000000x32xf32, #tpu.memory_space<hbm>> -> memref<1x32xf32, #tpu.memory_space<hbm>>
      %dma_start3A_112 = arith.constant 0 : i32
      %dma_start3A_113 = tpu.memref_slice %arg9[%add3A_105, %dma_start3A_112] : memref<256x32xf32, #tpu.memory_space<vmem>> -> memref<1x32xf32, #tpu.memory_space<vmem>>
      %dma_start3A_114 = arith.constant 0 : i32
      %dma_start3A_115 = tpu.memref_slice %arg4[%squeeze3A_107, %dma_start3A_114] : memref<1000000x32xf32, #tpu.memory_space<hbm>> -> memref<1x32xf32, #tpu.memory_space<hbm>>
      tpu.enqueue_dma source(%dma_start3A_115 : memref<1x32xf32, #tpu.memory_space<hbm>>) target(%dma_start3A_113 : memref<1x32xf32, #tpu.memory_space<vmem>>) target_semaphore(%arg12 : memref<!tpu.dma_semaphore, #tpu.memory_space<semaphore_mem>>)
      %slice3A_116 = vector.extract_strided_slice %get3A_56 {offsets = [2], sizes = [1], strides = [1]} : vector<16xi32> to vector<1xi32>
      %squeeze3A_117 = vector.extract %slice3A_116[0] : i32 from vector<1xi32>
      %dma_start3A_118 = arith.constant 0 : i32
      %dma_start3A_119 = tpu.memref_slice %arg10[%add3A_105, %dma_start3A_118] : memref<256x32xf32, #tpu.memory_space<vmem>> -> memref<1x32xf32, #tpu.memory_space<vmem>>
      %dma_start3A_120 = arith.constant 0 : i32
      %dma_start3A_121 = tpu.memref_slice %arg5[%squeeze3A_117, %dma_start3A_120] : memref<100000x32xf32, #tpu.memory_space<hbm>> -> memref<1x32xf32, #tpu.memory_space<hbm>>
      %dma_start3A_122 = arith.constant 0 : i32
      %dma_start3A_123 = tpu.memref_slice %arg10[%add3A_105, %dma_start3A_122] : memref<256x32xf32, #tpu.memory_space<vmem>> -> memref<1x32xf32, #tpu.memory_space<vmem>>
      %dma_start3A_124 = arith.constant 0 : i32
      %dma_start3A_125 = tpu.memref_slice %arg5[%squeeze3A_117, %dma_start3A_124] : memref<100000x32xf32, #tpu.memory_space<hbm>> -> memref<1x32xf32, #tpu.memory_space<hbm>>
      tpu.enqueue_dma source(%dma_start3A_125 : memref<1x32xf32, #tpu.memory_space<hbm>>) target(%dma_start3A_123 : memref<1x32xf32, #tpu.memory_space<vmem>>) target_semaphore(%arg13 : memref<!tpu.dma_semaphore, #tpu.memory_space<semaphore_mem>>)
      %mul3A_126 = arith.constant 16 : i32
      %mul3A_127 = arith.muli %scan3A_49, %mul3A_126 : i32
      %add3A_128 = arith.constant 3 : i32
      %add3A_129 = arith.addi %mul3A_127, %add3A_128 : i32
      %slice3A_130 = vector.extract_strided_slice %get3A_54 {offsets = [3], sizes = [1], strides = [1]} : vector<16xi32> to vector<1xi32>
      %squeeze3A_131 = vector.extract %slice3A_130[0] : i32 from vector<1xi32>
      %dma_start3A_132 = arith.constant 0 : i32
      %dma_start3A_133 = tpu.memref_slice %arg9[%add3A_129, %dma_start3A_132] : memref<256x32xf32, #tpu.memory_space<vmem>> -> memref<1x32xf32, #tpu.memory_space<vmem>>
      %dma_start3A_134 = arith.constant 0 : i32
      %dma_start3A_135 = tpu.memref_slice %arg4[%squeeze3A_131, %dma_start3A_134] : memref<1000000x32xf32, #tpu.memory_space<hbm>> -> memref<1x32xf32, #tpu.memory_space<hbm>>
      %dma_start3A_136 = arith.constant 0 : i32
      %dma_start3A_137 = tpu.memref_slice %arg9[%add3A_129, %dma_start3A_136] : memref<256x32xf32, #tpu.memory_space<vmem>> -> memref<1x32xf32, #tpu.memory_space<vmem>>
      %dma_start3A_138 = arith.constant 0 : i32
      %dma_start3A_139 = tpu.memref_slice %arg4[%squeeze3A_131, %dma_start3A_138] : memref<1000000x32xf32, #tpu.memory_space<hbm>> -> memref<1x32xf32, #tpu.memory_space<hbm>>
      tpu.enqueue_dma source(%dma_start3A_139 : memref<1x32xf32, #tpu.memory_space<hbm>>) target(%dma_start3A_137 : memref<1x32xf32, #tpu.memory_space<vmem>>) target_semaphore(%arg12 : memref<!tpu.dma_semaphore, #tpu.memory_space<semaphore_mem>>)
      %slice3A_140 = vector.extract_strided_slice %get3A_56 {offsets = [3], sizes = [1], strides = [1]} : vector<16xi32> to vector<1xi32>
      %squeeze3A_141 = vector.extract %slice3A_140[0] : i32 from vector<1xi32>
      %dma_start3A_142 = arith.constant 0 : i32
      %dma_start3A_143 = tpu.memref_slice %arg10[%add3A_129, %dma_start3A_142] : memref<256x32xf32, #tpu.memory_space<vmem>> -> memref<1x32xf32, #tpu.memory_space<vmem>>
      %dma_start3A_144 = arith.constant 0 : i32
      %dma_start3A_145 = tpu.memref_slice %arg5[%squeeze3A_141, %dma_start3A_144] : memref<100000x32xf32, #tpu.memory_space<hbm>> -> memref<1x32xf32, #tpu.memory_space<hbm>>
      %dma_start3A_146 = arith.constant 0 : i32
      %dma_start3A_147 = tpu.memref_slice %arg10[%add3A_129, %dma_start3A_146] : memref<256x32xf32, #tpu.memory_space<vmem>> -> memref<1x32xf32, #tpu.memory_space<vmem>>
      %dma_start3A_148 = arith.constant 0 : i32
      %dma_start3A_149 = tpu.memref_slice %arg5[%squeeze3A_141, %dma_start3A_148] : memref<100000x32xf32, #tpu.memory_space<hbm>> -> memref<1x32xf32, #tpu.memory_space<hbm>>
      tpu.enqueue_dma source(%dma_start3A_149 : memref<1x32xf32, #tpu.memory_space<hbm>>) target(%dma_start3A_147 : memref<1x32xf32, #tpu.memory_space<vmem>>) target_semaphore(%arg13 : memref<!tpu.dma_semaphore, #tpu.memory_space<semaphore_mem>>)
      %mul3A_150 = arith.constant 16 : i32
      %mul3A_151 = arith.muli %scan3A_49, %mul3A_150 : i32
      %add3A_152 = arith.constant 4 : i32
      %add3A_153 = arith.addi %mul3A_151, %add3A_152 : i32
      %slice3A_154 = vector.extract_strided_slice %get3A_54 {offsets = [4], sizes = [1], strides = [1]} : vector<16xi32> to vector<1xi32>
      %squeeze3A_155 = vector.extract %slice3A_154[0] : i32 from vector<1xi32>
      %dma_start3A_156 = arith.constant 0 : i32
      %dma_start3A_157 = tpu.memref_slice %arg9[%add3A_153, %dma_start3A_156] : memref<256x32xf32, #tpu.memory_space<vmem>> -> memref<1x32xf32, #tpu.memory_space<vmem>>
      %dma_start3A_158 = arith.constant 0 : i32
      %dma_start3A_159 = tpu.memref_slice %arg4[%squeeze3A_155, %dma_start3A_158] : memref<1000000x32xf32, #tpu.memory_space<hbm>> -> memref<1x32xf32, #tpu.memory_space<hbm>>
      %dma_start3A_160 = arith.constant 0 : i32
      %dma_start3A_161 = tpu.memref_slice %arg9[%add3A_153, %dma_start3A_160] : memref<256x32xf32, #tpu.memory_space<vmem>> -> memref<1x32xf32, #tpu.memory_space<vmem>>
      %dma_start3A_162 = arith.constant 0 : i32
      %dma_start3A_163 = tpu.memref_slice %arg4[%squeeze3A_155, %dma_start3A_162] : memref<1000000x32xf32, #tpu.memory_space<hbm>> -> memref<1x32xf32, #tpu.memory_space<hbm>>
      tpu.enqueue_dma source(%dma_start3A_163 : memref<1x32xf32, #tpu.memory_space<hbm>>) target(%dma_start3A_161 : memref<1x32xf32, #tpu.memory_space<vmem>>) target_semaphore(%arg12 : memref<!tpu.dma_semaphore, #tpu.memory_space<semaphore_mem>>)
      %slice3A_164 = vector.extract_strided_slice %get3A_56 {offsets = [4], sizes = [1], strides = [1]} : vector<16xi32> to vector<1xi32>
      %squeeze3A_165 = vector.extract %slice3A_164[0] : i32 from vector<1xi32>
      %dma_start3A_166 = arith.constant 0 : i32
      %dma_start3A_167 = tpu.memref_slice %arg10[%add3A_153, %dma_start3A_166] : memref<256x32xf32, #tpu.memory_space<vmem>> -> memref<1x32xf32, #tpu.memory_space<vmem>>
      %dma_start3A_168 = arith.constant 0 : i32
      %dma_start3A_169 = tpu.memref_slice %arg5[%squeeze3A_165, %dma_start3A_168] : memref<100000x32xf32, #tpu.memory_space<hbm>> -> memref<1x32xf32, #tpu.memory_space<hbm>>
      %dma_start3A_170 = arith.constant 0 : i32
      %dma_start3A_171 = tpu.memref_slice %arg10[%add3A_153, %dma_start3A_170] : memref<256x32xf32, #tpu.memory_space<vmem>> -> memref<1x32xf32, #tpu.memory_space<vmem>>
      %dma_start3A_172 = arith.constant 0 : i32
      %dma_start3A_173 = tpu.memref_slice %arg5[%squeeze3A_165, %dma_start3A_172] : memref<100000x32xf32, #tpu.memory_space<hbm>> -> memref<1x32xf32, #tpu.memory_space<hbm>>
      tpu.enqueue_dma source(%dma_start3A_173 : memref<1x32xf32, #tpu.memory_space<hbm>>) target(%dma_start3A_171 : memref<1x32xf32, #tpu.memory_space<vmem>>) target_semaphore(%arg13 : memref<!tpu.dma_semaphore, #tpu.memory_space<semaphore_mem>>)
      %mul3A_174 = arith.constant 16 : i32
      %mul3A_175 = arith.muli %scan3A_49, %mul3A_174 : i32
      %add3A_176 = arith.constant 5 : i32
      %add3A_177 = arith.addi %mul3A_175, %add3A_176 : i32
      %slice3A_178 = vector.extract_strided_slice %get3A_54 {offsets = [5], sizes = [1], strides = [1]} : vector<16xi32> to vector<1xi32>
      %squeeze3A_179 = vector.extract %slice3A_178[0] : i32 from vector<1xi32>
      %dma_start3A_180 = arith.constant 0 : i32
      %dma_start3A_181 = tpu.memref_slice %arg9[%add3A_177, %dma_start3A_180] : memref<256x32xf32, #tpu.memory_space<vmem>> -> memref<1x32xf32, #tpu.memory_space<vmem>>
      %dma_start3A_182 = arith.constant 0 : i32
      %dma_start3A_183 = tpu.memref_slice %arg4[%squeeze3A_179, %dma_start3A_182] : memref<1000000x32xf32, #tpu.memory_space<hbm>> -> memref<1x32xf32, #tpu.memory_space<hbm>>
      %dma_start3A_184 = arith.constant 0 : i32
      %dma_start3A_185 = tpu.memref_slice %arg9[%add3A_177, %dma_start3A_184] : memref<256x32xf32, #tpu.memory_space<vmem>> -> memref<1x32xf32, #tpu.memory_space<vmem>>
      %dma_start3A_186 = arith.constant 0 : i32
      %dma_start3A_187 = tpu.memref_slice %arg4[%squeeze3A_179, %dma_start3A_186] : memref<1000000x32xf32, #tpu.memory_space<hbm>> -> memref<1x32xf32, #tpu.memory_space<hbm>>
      tpu.enqueue_dma source(%dma_start3A_187 : memref<1x32xf32, #tpu.memory_space<hbm>>) target(%dma_start3A_185 : memref<1x32xf32, #tpu.memory_space<vmem>>) target_semaphore(%arg12 : memref<!tpu.dma_semaphore, #tpu.memory_space<semaphore_mem>>)
      %slice3A_188 = vector.extract_strided_slice %get3A_56 {offsets = [5], sizes = [1], strides = [1]} : vector<16xi32> to vector<1xi32>
      %squeeze3A_189 = vector.extract %slice3A_188[0] : i32 from vector<1xi32>
      %dma_start3A_190 = arith.constant 0 : i32
      %dma_start3A_191 = tpu.memref_slice %arg10[%add3A_177, %dma_start3A_190] : memref<256x32xf32, #tpu.memory_space<vmem>> -> memref<1x32xf32, #tpu.memory_space<vmem>>
      %dma_start3A_192 = arith.constant 0 : i32
      %dma_start3A_193 = tpu.memref_slice %arg5[%squeeze3A_189, %dma_start3A_192] : memref<100000x32xf32, #tpu.memory_space<hbm>> -> memref<1x32xf32, #tpu.memory_space<hbm>>
      %dma_start3A_194 = arith.constant 0 : i32
      %dma_start3A_195 = tpu.memref_slice %arg10[%add3A_177, %dma_start3A_194] : memref<256x32xf32, #tpu.memory_space<vmem>> -> memref<1x32xf32, #tpu.memory_space<vmem>>
      %dma_start3A_196 = arith.constant 0 : i32
      %dma_start3A_197 = tpu.memref_slice %arg5[%squeeze3A_189, %dma_start3A_196] : memref<100000x32xf32, #tpu.memory_space<hbm>> -> memref<1x32xf32, #tpu.memory_space<hbm>>
      tpu.enqueue_dma source(%dma_start3A_197 : memref<1x32xf32, #tpu.memory_space<hbm>>) target(%dma_start3A_195 : memref<1x32xf32, #tpu.memory_space<vmem>>) target_semaphore(%arg13 : memref<!tpu.dma_semaphore, #tpu.memory_space<semaphore_mem>>)
      %mul3A_198 = arith.constant 16 : i32
      %mul3A_199 = arith.muli %scan3A_49, %mul3A_198 : i32
      %add3A_200 = arith.constant 6 : i32
      %add3A_201 = arith.addi %mul3A_199, %add3A_200 : i32
      %slice3A_202 = vector.extract_strided_slice %get3A_54 {offsets = [6], sizes = [1], strides = [1]} : vector<16xi32> to vector<1xi32>
      %squeeze3A_203 = vector.extract %slice3A_202[0] : i32 from vector<1xi32>
      %dma_start3A_204 = arith.constant 0 : i32
      %dma_start3A_205 = tpu.memref_slice %arg9[%add3A_201, %dma_start3A_204] : memref<256x32xf32, #tpu.memory_space<vmem>> -> memref<1x32xf32, #tpu.memory_space<vmem>>
      %dma_start3A_206 = arith.constant 0 : i32
      %dma_start3A_207 = tpu.memref_slice %arg4[%squeeze3A_203, %dma_start3A_206] : memref<1000000x32xf32, #tpu.memory_space<hbm>> -> memref<1x32xf32, #tpu.memory_space<hbm>>
      %dma_start3A_208 = arith.constant 0 : i32
      %dma_start3A_209 = tpu.memref_slice %arg9[%add3A_201, %dma_start3A_208] : memref<256x32xf32, #tpu.memory_space<vmem>> -> memref<1x32xf32, #tpu.memory_space<vmem>>
      %dma_start3A_210 = arith.constant 0 : i32
      %dma_start3A_211 = tpu.memref_slice %arg4[%squeeze3A_203, %dma_start3A_210] : memref<1000000x32xf32, #tpu.memory_space<hbm>> -> memref<1x32xf32, #tpu.memory_space<hbm>>
      tpu.enqueue_dma source(%dma_start3A_211 : memref<1x32xf32, #tpu.memory_space<hbm>>) target(%dma_start3A_209 : memref<1x32xf32, #tpu.memory_space<vmem>>) target_semaphore(%arg12 : memref<!tpu.dma_semaphore, #tpu.memory_space<semaphore_mem>>)
      %slice3A_212 = vector.extract_strided_slice %get3A_56 {offsets = [6], sizes = [1], strides = [1]} : vector<16xi32> to vector<1xi32>
      %squeeze3A_213 = vector.extract %slice3A_212[0] : i32 from vector<1xi32>
      %dma_start3A_214 = arith.constant 0 : i32
      %dma_start3A_215 = tpu.memref_slice %arg10[%add3A_201, %dma_start3A_214] : memref<256x32xf32, #tpu.memory_space<vmem>> -> memref<1x32xf32, #tpu.memory_space<vmem>>
      %dma_start3A_216 = arith.constant 0 : i32
      %dma_start3A_217 = tpu.memref_slice %arg5[%squeeze3A_213, %dma_start3A_216] : memref<100000x32xf32, #tpu.memory_space<hbm>> -> memref<1x32xf32, #tpu.memory_space<hbm>>
      %dma_start3A_218 = arith.constant 0 : i32
      %dma_start3A_219 = tpu.memref_slice %arg10[%add3A_201, %dma_start3A_218] : memref<256x32xf32, #tpu.memory_space<vmem>> -> memref<1x32xf32, #tpu.memory_space<vmem>>
      %dma_start3A_220 = arith.constant 0 : i32
      %dma_start3A_221 = tpu.memref_slice %arg5[%squeeze3A_213, %dma_start3A_220] : memref<100000x32xf32, #tpu.memory_space<hbm>> -> memref<1x32xf32, #tpu.memory_space<hbm>>
      tpu.enqueue_dma source(%dma_start3A_221 : memref<1x32xf32, #tpu.memory_space<hbm>>) target(%dma_start3A_219 : memref<1x32xf32, #tpu.memory_space<vmem>>) target_semaphore(%arg13 : memref<!tpu.dma_semaphore, #tpu.memory_space<semaphore_mem>>)
      %mul3A_222 = arith.constant 16 : i32
      %mul3A_223 = arith.muli %scan3A_49, %mul3A_222 : i32
      %add3A_224 = arith.constant 7 : i32
      %add3A_225 = arith.addi %mul3A_223, %add3A_224 : i32
      %slice3A_226 = vector.extract_strided_slice %get3A_54 {offsets = [7], sizes = [1], strides = [1]} : vector<16xi32> to vector<1xi32>
      %squeeze3A_227 = vector.extract %slice3A_226[0] : i32 from vector<1xi32>
      %dma_start3A_228 = arith.constant 0 : i32
      %dma_start3A_229 = tpu.memref_slice %arg9[%add3A_225, %dma_start3A_228] : memref<256x32xf32, #tpu.memory_space<vmem>> -> memref<1x32xf32, #tpu.memory_space<vmem>>
      %dma_start3A_230 = arith.constant 0 : i32
      %dma_start3A_231 = tpu.memref_slice %arg4[%squeeze3A_227, %dma_start3A_230] : memref<1000000x32xf32, #tpu.memory_space<hbm>> -> memref<1x32xf32, #tpu.memory_space<hbm>>
      %dma_start3A_232 = arith.constant 0 : i32
      %dma_start3A_233 = tpu.memref_slice %arg9[%add3A_225, %dma_start3A_232] : memref<256x32xf32, #tpu.memory_space<vmem>> -> memref<1x32xf32, #tpu.memory_space<vmem>>
      %dma_start3A_234 = arith.constant 0 : i32
      %dma_start3A_235 = tpu.memref_slice %arg4[%squeeze3A_227, %dma_start3A_234] : memref<1000000x32xf32, #tpu.memory_space<hbm>> -> memref<1x32xf32, #tpu.memory_space<hbm>>
      tpu.enqueue_dma source(%dma_start3A_235 : memref<1x32xf32, #tpu.memory_space<hbm>>) target(%dma_start3A_233 : memref<1x32xf32, #tpu.memory_space<vmem>>) target_semaphore(%arg12 : memref<!tpu.dma_semaphore, #tpu.memory_space<semaphore_mem>>)
      %slice3A_236 = vector.extract_strided_slice %get3A_56 {offsets = [7], sizes = [1], strides = [1]} : vector<16xi32> to vector<1xi32>
      %squeeze3A_237 = vector.extract %slice3A_236[0] : i32 from vector<1xi32>
      %dma_start3A_238 = arith.constant 0 : i32
      %dma_start3A_239 = tpu.memref_slice %arg10[%add3A_225, %dma_start3A_238] : memref<256x32xf32, #tpu.memory_space<vmem>> -> memref<1x32xf32, #tpu.memory_space<vmem>>
      %dma_start3A_240 = arith.constant 0 : i32
      %dma_start3A_241 = tpu.memref_slice %arg5[%squeeze3A_237, %dma_start3A_240] : memref<100000x32xf32, #tpu.memory_space<hbm>> -> memref<1x32xf32, #tpu.memory_space<hbm>>
      %dma_start3A_242 = arith.constant 0 : i32
      %dma_start3A_243 = tpu.memref_slice %arg10[%add3A_225, %dma_start3A_242] : memref<256x32xf32, #tpu.memory_space<vmem>> -> memref<1x32xf32, #tpu.memory_space<vmem>>
      %dma_start3A_244 = arith.constant 0 : i32
      %dma_start3A_245 = tpu.memref_slice %arg5[%squeeze3A_237, %dma_start3A_244] : memref<100000x32xf32, #tpu.memory_space<hbm>> -> memref<1x32xf32, #tpu.memory_space<hbm>>
      tpu.enqueue_dma source(%dma_start3A_245 : memref<1x32xf32, #tpu.memory_space<hbm>>) target(%dma_start3A_243 : memref<1x32xf32, #tpu.memory_space<vmem>>) target_semaphore(%arg13 : memref<!tpu.dma_semaphore, #tpu.memory_space<semaphore_mem>>)
      %mul3A_246 = arith.constant 16 : i32
      %mul3A_247 = arith.muli %scan3A_49, %mul3A_246 : i32
      %add3A_248 = arith.constant 8 : i32
      %add3A_249 = arith.addi %mul3A_247, %add3A_248 : i32
      %slice3A_250 = vector.extract_strided_slice %get3A_54 {offsets = [8], sizes = [1], strides = [1]} : vector<16xi32> to vector<1xi32>
      %squeeze3A_251 = vector.extract %slice3A_250[0] : i32 from vector<1xi32>
      %dma_start3A_252 = arith.constant 0 : i32
      %dma_start3A_253 = tpu.memref_slice %arg9[%add3A_249, %dma_start3A_252] : memref<256x32xf32, #tpu.memory_space<vmem>> -> memref<1x32xf32, #tpu.memory_space<vmem>>
      %dma_start3A_254 = arith.constant 0 : i32
      %dma_start3A_255 = tpu.memref_slice %arg4[%squeeze3A_251, %dma_start3A_254] : memref<1000000x32xf32, #tpu.memory_space<hbm>> -> memref<1x32xf32, #tpu.memory_space<hbm>>
      %dma_start3A_256 = arith.constant 0 : i32
      %dma_start3A_257 = tpu.memref_slice %arg9[%add3A_249, %dma_start3A_256] : memref<256x32xf32, #tpu.memory_space<vmem>> -> memref<1x32xf32, #tpu.memory_space<vmem>>
      %dma_start3A_258 = arith.constant 0 : i32
      %dma_start3A_259 = tpu.memref_slice %arg4[%squeeze3A_251, %dma_start3A_258] : memref<1000000x32xf32, #tpu.memory_space<hbm>> -> memref<1x32xf32, #tpu.memory_space<hbm>>
      tpu.enqueue_dma source(%dma_start3A_259 : memref<1x32xf32, #tpu.memory_space<hbm>>) target(%dma_start3A_257 : memref<1x32xf32, #tpu.memory_space<vmem>>) target_semaphore(%arg12 : memref<!tpu.dma_semaphore, #tpu.memory_space<semaphore_mem>>)
      %slice3A_260 = vector.extract_strided_slice %get3A_56 {offsets = [8], sizes = [1], strides = [1]} : vector<16xi32> to vector<1xi32>
      %squeeze3A_261 = vector.extract %slice3A_260[0] : i32 from vector<1xi32>
      %dma_start3A_262 = arith.constant 0 : i32
      %dma_start3A_263 = tpu.memref_slice %arg10[%add3A_249, %dma_start3A_262] : memref<256x32xf32, #tpu.memory_space<vmem>> -> memref<1x32xf32, #tpu.memory_space<vmem>>
      %dma_start3A_264 = arith.constant 0 : i32
      %dma_start3A_265 = tpu.memref_slice %arg5[%squeeze3A_261, %dma_start3A_264] : memref<100000x32xf32, #tpu.memory_space<hbm>> -> memref<1x32xf32, #tpu.memory_space<hbm>>
      %dma_start3A_266 = arith.constant 0 : i32
      %dma_start3A_267 = tpu.memref_slice %arg10[%add3A_249, %dma_start3A_266] : memref<256x32xf32, #tpu.memory_space<vmem>> -> memref<1x32xf32, #tpu.memory_space<vmem>>
      %dma_start3A_268 = arith.constant 0 : i32
      %dma_start3A_269 = tpu.memref_slice %arg5[%squeeze3A_261, %dma_start3A_268] : memref<100000x32xf32, #tpu.memory_space<hbm>> -> memref<1x32xf32, #tpu.memory_space<hbm>>
      tpu.enqueue_dma source(%dma_start3A_269 : memref<1x32xf32, #tpu.memory_space<hbm>>) target(%dma_start3A_267 : memref<1x32xf32, #tpu.memory_space<vmem>>) target_semaphore(%arg13 : memref<!tpu.dma_semaphore, #tpu.memory_space<semaphore_mem>>)
      %mul3A_270 = arith.constant 16 : i32
      %mul3A_271 = arith.muli %scan3A_49, %mul3A_270 : i32
      %add3A_272 = arith.constant 9 : i32
      %add3A_273 = arith.addi %mul3A_271, %add3A_272 : i32
      %slice3A_274 = vector.extract_strided_slice %get3A_54 {offsets = [9], sizes = [1], strides = [1]} : vector<16xi32> to vector<1xi32>
      %squeeze3A_275 = vector.extract %slice3A_274[0] : i32 from vector<1xi32>
      %dma_start3A_276 = arith.constant 0 : i32
      %dma_start3A_277 = tpu.memref_slice %arg9[%add3A_273, %dma_start3A_276] : memref<256x32xf32, #tpu.memory_space<vmem>> -> memref<1x32xf32, #tpu.memory_space<vmem>>
      %dma_start3A_278 = arith.constant 0 : i32
      %dma_start3A_279 = tpu.memref_slice %arg4[%squeeze3A_275, %dma_start3A_278] : memref<1000000x32xf32, #tpu.memory_space<hbm>> -> memref<1x32xf32, #tpu.memory_space<hbm>>
      %dma_start3A_280 = arith.constant 0 : i32
      %dma_start3A_281 = tpu.memref_slice %arg9[%add3A_273, %dma_start3A_280] : memref<256x32xf32, #tpu.memory_space<vmem>> -> memref<1x32xf32, #tpu.memory_space<vmem>>
      %dma_start3A_282 = arith.constant 0 : i32
      %dma_start3A_283 = tpu.memref_slice %arg4[%squeeze3A_275, %dma_start3A_282] : memref<1000000x32xf32, #tpu.memory_space<hbm>> -> memref<1x32xf32, #tpu.memory_space<hbm>>
      tpu.enqueue_dma source(%dma_start3A_283 : memref<1x32xf32, #tpu.memory_space<hbm>>) target(%dma_start3A_281 : memref<1x32xf32, #tpu.memory_space<vmem>>) target_semaphore(%arg12 : memref<!tpu.dma_semaphore, #tpu.memory_space<semaphore_mem>>)
      %slice3A_284 = vector.extract_strided_slice %get3A_56 {offsets = [9], sizes = [1], strides = [1]} : vector<16xi32> to vector<1xi32>
      %squeeze3A_285 = vector.extract %slice3A_284[0] : i32 from vector<1xi32>
      %dma_start3A_286 = arith.constant 0 : i32
      %dma_start3A_287 = tpu.memref_slice %arg10[%add3A_273, %dma_start3A_286] : memref<256x32xf32, #tpu.memory_space<vmem>> -> memref<1x32xf32, #tpu.memory_space<vmem>>
      %dma_start3A_288 = arith.constant 0 : i32
      %dma_start3A_289 = tpu.memref_slice %arg5[%squeeze3A_285, %dma_start3A_288] : memref<100000x32xf32, #tpu.memory_space<hbm>> -> memref<1x32xf32, #tpu.memory_space<hbm>>
      %dma_start3A_290 = arith.constant 0 : i32
      %dma_start3A_291 = tpu.memref_slice %arg10[%add3A_273, %dma_start3A_290] : memref<256x32xf32, #tpu.memory_space<vmem>> -> memref<1x32xf32, #tpu.memory_space<vmem>>
      %dma_start3A_292 = arith.constant 0 : i32
      %dma_start3A_293 = tpu.memref_slice %arg5[%squeeze3A_285, %dma_start3A_292] : memref<100000x32xf32, #tpu.memory_space<hbm>> -> memref<1x32xf32, #tpu.memory_space<hbm>>
      tpu.enqueue_dma source(%dma_start3A_293 : memref<1x32xf32, #tpu.memory_space<hbm>>) target(%dma_start3A_291 : memref<1x32xf32, #tpu.memory_space<vmem>>) target_semaphore(%arg13 : memref<!tpu.dma_semaphore, #tpu.memory_space<semaphore_mem>>)
      %mul3A_294 = arith.constant 16 : i32
      %mul3A_295 = arith.muli %scan3A_49, %mul3A_294 : i32
      %add3A_296 = arith.constant 10 : i32
      %add3A_297 = arith.addi %mul3A_295, %add3A_296 : i32
      %slice3A_298 = vector.extract_strided_slice %get3A_54 {offsets = [10], sizes = [1], strides = [1]} : vector<16xi32> to vector<1xi32>
      %squeeze3A_299 = vector.extract %slice3A_298[0] : i32 from vector<1xi32>
      %dma_start3A_300 = arith.constant 0 : i32
      %dma_start3A_301 = tpu.memref_slice %arg9[%add3A_297, %dma_start3A_300] : memref<256x32xf32, #tpu.memory_space<vmem>> -> memref<1x32xf32, #tpu.memory_space<vmem>>
      %dma_start3A_302 = arith.constant 0 : i32
      %dma_start3A_303 = tpu.memref_slice %arg4[%squeeze3A_299, %dma_start3A_302] : memref<1000000x32xf32, #tpu.memory_space<hbm>> -> memref<1x32xf32, #tpu.memory_space<hbm>>
      %dma_start3A_304 = arith.constant 0 : i32
      %dma_start3A_305 = tpu.memref_slice %arg9[%add3A_297, %dma_start3A_304] : memref<256x32xf32, #tpu.memory_space<vmem>> -> memref<1x32xf32, #tpu.memory_space<vmem>>
      %dma_start3A_306 = arith.constant 0 : i32
      %dma_start3A_307 = tpu.memref_slice %arg4[%squeeze3A_299, %dma_start3A_306] : memref<1000000x32xf32, #tpu.memory_space<hbm>> -> memref<1x32xf32, #tpu.memory_space<hbm>>
      tpu.enqueue_dma source(%dma_start3A_307 : memref<1x32xf32, #tpu.memory_space<hbm>>) target(%dma_start3A_305 : memref<1x32xf32, #tpu.memory_space<vmem>>) target_semaphore(%arg12 : memref<!tpu.dma_semaphore, #tpu.memory_space<semaphore_mem>>)
      %slice3A_308 = vector.extract_strided_slice %get3A_56 {offsets = [10], sizes = [1], strides = [1]} : vector<16xi32> to vector<1xi32>
      %squeeze3A_309 = vector.extract %slice3A_308[0] : i32 from vector<1xi32>
      %dma_start3A_310 = arith.constant 0 : i32
      %dma_start3A_311 = tpu.memref_slice %arg10[%add3A_297, %dma_start3A_310] : memref<256x32xf32, #tpu.memory_space<vmem>> -> memref<1x32xf32, #tpu.memory_space<vmem>>
      %dma_start3A_312 = arith.constant 0 : i32
      %dma_start3A_313 = tpu.memref_slice %arg5[%squeeze3A_309, %dma_start3A_312] : memref<100000x32xf32, #tpu.memory_space<hbm>> -> memref<1x32xf32, #tpu.memory_space<hbm>>
      %dma_start3A_314 = arith.constant 0 : i32
      %dma_start3A_315 = tpu.memref_slice %arg10[%add3A_297, %dma_start3A_314] : memref<256x32xf32, #tpu.memory_space<vmem>> -> memref<1x32xf32, #tpu.memory_space<vmem>>
      %dma_start3A_316 = arith.constant 0 : i32
      %dma_start3A_317 = tpu.memref_slice %arg5[%squeeze3A_309, %dma_start3A_316] : memref<100000x32xf32, #tpu.memory_space<hbm>> -> memref<1x32xf32, #tpu.memory_space<hbm>>
      tpu.enqueue_dma source(%dma_start3A_317 : memref<1x32xf32, #tpu.memory_space<hbm>>) target(%dma_start3A_315 : memref<1x32xf32, #tpu.memory_space<vmem>>) target_semaphore(%arg13 : memref<!tpu.dma_semaphore, #tpu.memory_space<semaphore_mem>>)
      %mul3A_318 = arith.constant 16 : i32
      %mul3A_319 = arith.muli %scan3A_49, %mul3A_318 : i32
      %add3A_320 = arith.constant 11 : i32
      %add3A_321 = arith.addi %mul3A_319, %add3A_320 : i32
      %slice3A_322 = vector.extract_strided_slice %get3A_54 {offsets = [11], sizes = [1], strides = [1]} : vector<16xi32> to vector<1xi32>
      %squeeze3A_323 = vector.extract %slice3A_322[0] : i32 from vector<1xi32>
      %dma_start3A_324 = arith.constant 0 : i32
      %dma_start3A_325 = tpu.memref_slice %arg9[%add3A_321, %dma_start3A_324] : memref<256x32xf32, #tpu.memory_space<vmem>> -> memref<1x32xf32, #tpu.memory_space<vmem>>
      %dma_start3A_326 = arith.constant 0 : i32
      %dma_start3A_327 = tpu.memref_slice %arg4[%squeeze3A_323, %dma_start3A_326] : memref<1000000x32xf32, #tpu.memory_space<hbm>> -> memref<1x32xf32, #tpu.memory_space<hbm>>
      %dma_start3A_328 = arith.constant 0 : i32
      %dma_start3A_329 = tpu.memref_slice %arg9[%add3A_321, %dma_start3A_328] : memref<256x32xf32, #tpu.memory_space<vmem>> -> memref<1x32xf32, #tpu.memory_space<vmem>>
      %dma_start3A_330 = arith.constant 0 : i32
      %dma_start3A_331 = tpu.memref_slice %arg4[%squeeze3A_323, %dma_start3A_330] : memref<1000000x32xf32, #tpu.memory_space<hbm>> -> memref<1x32xf32, #tpu.memory_space<hbm>>
      tpu.enqueue_dma source(%dma_start3A_331 : memref<1x32xf32, #tpu.memory_space<hbm>>) target(%dma_start3A_329 : memref<1x32xf32, #tpu.memory_space<vmem>>) target_semaphore(%arg12 : memref<!tpu.dma_semaphore, #tpu.memory_space<semaphore_mem>>)
      %slice3A_332 = vector.extract_strided_slice %get3A_56 {offsets = [11], sizes = [1], strides = [1]} : vector<16xi32> to vector<1xi32>
      %squeeze3A_333 = vector.extract %slice3A_332[0] : i32 from vector<1xi32>
      %dma_start3A_334 = arith.constant 0 : i32
      %dma_start3A_335 = tpu.memref_slice %arg10[%add3A_321, %dma_start3A_334] : memref<256x32xf32, #tpu.memory_space<vmem>> -> memref<1x32xf32, #tpu.memory_space<vmem>>
      %dma_start3A_336 = arith.constant 0 : i32
      %dma_start3A_337 = tpu.memref_slice %arg5[%squeeze3A_333, %dma_start3A_336] : memref<100000x32xf32, #tpu.memory_space<hbm>> -> memref<1x32xf32, #tpu.memory_space<hbm>>
      %dma_start3A_338 = arith.constant 0 : i32
      %dma_start3A_339 = tpu.memref_slice %arg10[%add3A_321, %dma_start3A_338] : memref<256x32xf32, #tpu.memory_space<vmem>> -> memref<1x32xf32, #tpu.memory_space<vmem>>
      %dma_start3A_340 = arith.constant 0 : i32
      %dma_start3A_341 = tpu.memref_slice %arg5[%squeeze3A_333, %dma_start3A_340] : memref<100000x32xf32, #tpu.memory_space<hbm>> -> memref<1x32xf32, #tpu.memory_space<hbm>>
      tpu.enqueue_dma source(%dma_start3A_341 : memref<1x32xf32, #tpu.memory_space<hbm>>) target(%dma_start3A_339 : memref<1x32xf32, #tpu.memory_space<vmem>>) target_semaphore(%arg13 : memref<!tpu.dma_semaphore, #tpu.memory_space<semaphore_mem>>)
      %mul3A_342 = arith.constant 16 : i32
      %mul3A_343 = arith.muli %scan3A_49, %mul3A_342 : i32
      %add3A_344 = arith.constant 12 : i32
      %add3A_345 = arith.addi %mul3A_343, %add3A_344 : i32
      %slice3A_346 = vector.extract_strided_slice %get3A_54 {offsets = [12], sizes = [1], strides = [1]} : vector<16xi32> to vector<1xi32>
      %squeeze3A_347 = vector.extract %slice3A_346[0] : i32 from vector<1xi32>
      %dma_start3A_348 = arith.constant 0 : i32
      %dma_start3A_349 = tpu.memref_slice %arg9[%add3A_345, %dma_start3A_348] : memref<256x32xf32, #tpu.memory_space<vmem>> -> memref<1x32xf32, #tpu.memory_space<vmem>>
      %dma_start3A_350 = arith.constant 0 : i32
      %dma_start3A_351 = tpu.memref_slice %arg4[%squeeze3A_347, %dma_start3A_350] : memref<1000000x32xf32, #tpu.memory_space<hbm>> -> memref<1x32xf32, #tpu.memory_space<hbm>>
      %dma_start3A_352 = arith.constant 0 : i32
      %dma_start3A_353 = tpu.memref_slice %arg9[%add3A_345, %dma_start3A_352] : memref<256x32xf32, #tpu.memory_space<vmem>> -> memref<1x32xf32, #tpu.memory_space<vmem>>
      %dma_start3A_354 = arith.constant 0 : i32
      %dma_start3A_355 = tpu.memref_slice %arg4[%squeeze3A_347, %dma_start3A_354] : memref<1000000x32xf32, #tpu.memory_space<hbm>> -> memref<1x32xf32, #tpu.memory_space<hbm>>
      tpu.enqueue_dma source(%dma_start3A_355 : memref<1x32xf32, #tpu.memory_space<hbm>>) target(%dma_start3A_353 : memref<1x32xf32, #tpu.memory_space<vmem>>) target_semaphore(%arg12 : memref<!tpu.dma_semaphore, #tpu.memory_space<semaphore_mem>>)
      %slice3A_356 = vector.extract_strided_slice %get3A_56 {offsets = [12], sizes = [1], strides = [1]} : vector<16xi32> to vector<1xi32>
      %squeeze3A_357 = vector.extract %slice3A_356[0] : i32 from vector<1xi32>
      %dma_start3A_358 = arith.constant 0 : i32
      %dma_start3A_359 = tpu.memref_slice %arg10[%add3A_345, %dma_start3A_358] : memref<256x32xf32, #tpu.memory_space<vmem>> -> memref<1x32xf32, #tpu.memory_space<vmem>>
      %dma_start3A_360 = arith.constant 0 : i32
      %dma_start3A_361 = tpu.memref_slice %arg5[%squeeze3A_357, %dma_start3A_360] : memref<100000x32xf32, #tpu.memory_space<hbm>> -> memref<1x32xf32, #tpu.memory_space<hbm>>
      %dma_start3A_362 = arith.constant 0 : i32
      %dma_start3A_363 = tpu.memref_slice %arg10[%add3A_345, %dma_start3A_362] : memref<256x32xf32, #tpu.memory_space<vmem>> -> memref<1x32xf32, #tpu.memory_space<vmem>>
      %dma_start3A_364 = arith.constant 0 : i32
      %dma_start3A_365 = tpu.memref_slice %arg5[%squeeze3A_357, %dma_start3A_364] : memref<100000x32xf32, #tpu.memory_space<hbm>> -> memref<1x32xf32, #tpu.memory_space<hbm>>
      tpu.enqueue_dma source(%dma_start3A_365 : memref<1x32xf32, #tpu.memory_space<hbm>>) target(%dma_start3A_363 : memref<1x32xf32, #tpu.memory_space<vmem>>) target_semaphore(%arg13 : memref<!tpu.dma_semaphore, #tpu.memory_space<semaphore_mem>>)
      %mul3A_366 = arith.constant 16 : i32
      %mul3A_367 = arith.muli %scan3A_49, %mul3A_366 : i32
      %add3A_368 = arith.constant 13 : i32
      %add3A_369 = arith.addi %mul3A_367, %add3A_368 : i32
      %slice3A_370 = vector.extract_strided_slice %get3A_54 {offsets = [13], sizes = [1], strides = [1]} : vector<16xi32> to vector<1xi32>
      %squeeze3A_371 = vector.extract %slice3A_370[0] : i32 from vector<1xi32>
      %dma_start3A_372 = arith.constant 0 : i32
      %dma_start3A_373 = tpu.memref_slice %arg9[%add3A_369, %dma_start3A_372] : memref<256x32xf32, #tpu.memory_space<vmem>> -> memref<1x32xf32, #tpu.memory_space<vmem>>
      %dma_start3A_374 = arith.constant 0 : i32
      %dma_start3A_375 = tpu.memref_slice %arg4[%squeeze3A_371, %dma_start3A_374] : memref<1000000x32xf32, #tpu.memory_space<hbm>> -> memref<1x32xf32, #tpu.memory_space<hbm>>
      %dma_start3A_376 = arith.constant 0 : i32
      %dma_start3A_377 = tpu.memref_slice %arg9[%add3A_369, %dma_start3A_376] : memref<256x32xf32, #tpu.memory_space<vmem>> -> memref<1x32xf32, #tpu.memory_space<vmem>>
      %dma_start3A_378 = arith.constant 0 : i32
      %dma_start3A_379 = tpu.memref_slice %arg4[%squeeze3A_371, %dma_start3A_378] : memref<1000000x32xf32, #tpu.memory_space<hbm>> -> memref<1x32xf32, #tpu.memory_space<hbm>>
      tpu.enqueue_dma source(%dma_start3A_379 : memref<1x32xf32, #tpu.memory_space<hbm>>) target(%dma_start3A_377 : memref<1x32xf32, #tpu.memory_space<vmem>>) target_semaphore(%arg12 : memref<!tpu.dma_semaphore, #tpu.memory_space<semaphore_mem>>)
      %slice3A_380 = vector.extract_strided_slice %get3A_56 {offsets = [13], sizes = [1], strides = [1]} : vector<16xi32> to vector<1xi32>
      %squeeze3A_381 = vector.extract %slice3A_380[0] : i32 from vector<1xi32>
      %dma_start3A_382 = arith.constant 0 : i32
      %dma_start3A_383 = tpu.memref_slice %arg10[%add3A_369, %dma_start3A_382] : memref<256x32xf32, #tpu.memory_space<vmem>> -> memref<1x32xf32, #tpu.memory_space<vmem>>
      %dma_start3A_384 = arith.constant 0 : i32
      %dma_start3A_385 = tpu.memref_slice %arg5[%squeeze3A_381, %dma_start3A_384] : memref<100000x32xf32, #tpu.memory_space<hbm>> -> memref<1x32xf32, #tpu.memory_space<hbm>>
      %dma_start3A_386 = arith.constant 0 : i32
      %dma_start3A_387 = tpu.memref_slice %arg10[%add3A_369, %dma_start3A_386] : memref<256x32xf32, #tpu.memory_space<vmem>> -> memref<1x32xf32, #tpu.memory_space<vmem>>
      %dma_start3A_388 = arith.constant 0 : i32
      %dma_start3A_389 = tpu.memref_slice %arg5[%squeeze3A_381, %dma_start3A_388] : memref<100000x32xf32, #tpu.memory_space<hbm>> -> memref<1x32xf32, #tpu.memory_space<hbm>>
      tpu.enqueue_dma source(%dma_start3A_389 : memref<1x32xf32, #tpu.memory_space<hbm>>) target(%dma_start3A_387 : memref<1x32xf32, #tpu.memory_space<vmem>>) target_semaphore(%arg13 : memref<!tpu.dma_semaphore, #tpu.memory_space<semaphore_mem>>)
      %mul3A_390 = arith.constant 16 : i32
      %mul3A_391 = arith.muli %scan3A_49, %mul3A_390 : i32
      %add3A_392 = arith.constant 14 : i32
      %add3A_393 = arith.addi %mul3A_391, %add3A_392 : i32
      %slice3A_394 = vector.extract_strided_slice %get3A_54 {offsets = [14], sizes = [1], strides = [1]} : vector<16xi32> to vector<1xi32>
      %squeeze3A_395 = vector.extract %slice3A_394[0] : i32 from vector<1xi32>
      %dma_start3A_396 = arith.constant 0 : i32
      %dma_start3A_397 = tpu.memref_slice %arg9[%add3A_393, %dma_start3A_396] : memref<256x32xf32, #tpu.memory_space<vmem>> -> memref<1x32xf32, #tpu.memory_space<vmem>>
      %dma_start3A_398 = arith.constant 0 : i32
      %dma_start3A_399 = tpu.memref_slice %arg4[%squeeze3A_395, %dma_start3A_398] : memref<1000000x32xf32, #tpu.memory_space<hbm>> -> memref<1x32xf32, #tpu.memory_space<hbm>>
      %dma_start3A_400 = arith.constant 0 : i32
      %dma_start3A_401 = tpu.memref_slice %arg9[%add3A_393, %dma_start3A_400] : memref<256x32xf32, #tpu.memory_space<vmem>> -> memref<1x32xf32, #tpu.memory_space<vmem>>
      %dma_start3A_402 = arith.constant 0 : i32
      %dma_start3A_403 = tpu.memref_slice %arg4[%squeeze3A_395, %dma_start3A_402] : memref<1000000x32xf32, #tpu.memory_space<hbm>> -> memref<1x32xf32, #tpu.memory_space<hbm>>
      tpu.enqueue_dma source(%dma_start3A_403 : memref<1x32xf32, #tpu.memory_space<hbm>>) target(%dma_start3A_401 : memref<1x32xf32, #tpu.memory_space<vmem>>) target_semaphore(%arg12 : memref<!tpu.dma_semaphore, #tpu.memory_space<semaphore_mem>>)
      %slice3A_404 = vector.extract_strided_slice %get3A_56 {offsets = [14], sizes = [1], strides = [1]} : vector<16xi32> to vector<1xi32>
      %squeeze3A_405 = vector.extract %slice3A_404[0] : i32 from vector<1xi32>
      %dma_start3A_406 = arith.constant 0 : i32
      %dma_start3A_407 = tpu.memref_slice %arg10[%add3A_393, %dma_start3A_406] : memref<256x32xf32, #tpu.memory_space<vmem>> -> memref<1x32xf32, #tpu.memory_space<vmem>>
      %dma_start3A_408 = arith.constant 0 : i32
      %dma_start3A_409 = tpu.memref_slice %arg5[%squeeze3A_405, %dma_start3A_408] : memref<100000x32xf32, #tpu.memory_space<hbm>> -> memref<1x32xf32, #tpu.memory_space<hbm>>
      %dma_start3A_410 = arith.constant 0 : i32
      %dma_start3A_411 = tpu.memref_slice %arg10[%add3A_393, %dma_start3A_410] : memref<256x32xf32, #tpu.memory_space<vmem>> -> memref<1x32xf32, #tpu.memory_space<vmem>>
      %dma_start3A_412 = arith.constant 0 : i32
      %dma_start3A_413 = tpu.memref_slice %arg5[%squeeze3A_405, %dma_start3A_412] : memref<100000x32xf32, #tpu.memory_space<hbm>> -> memref<1x32xf32, #tpu.memory_space<hbm>>
      tpu.enqueue_dma source(%dma_start3A_413 : memref<1x32xf32, #tpu.memory_space<hbm>>) target(%dma_start3A_411 : memref<1x32xf32, #tpu.memory_space<vmem>>) target_semaphore(%arg13 : memref<!tpu.dma_semaphore, #tpu.memory_space<semaphore_mem>>)
      %mul3A_414 = arith.constant 16 : i32
      %mul3A_415 = arith.muli %scan3A_49, %mul3A_414 : i32
      %add3A_416 = arith.constant 15 : i32
      %add3A_417 = arith.addi %mul3A_415, %add3A_416 : i32
      %slice3A_418 = vector.extract_strided_slice %get3A_54 {offsets = [15], sizes = [1], strides = [1]} : vector<16xi32> to vector<1xi32>
      %squeeze3A_419 = vector.extract %slice3A_418[0] : i32 from vector<1xi32>
      %dma_start3A_420 = arith.constant 0 : i32
      %dma_start3A_421 = tpu.memref_slice %arg9[%add3A_417, %dma_start3A_420] : memref<256x32xf32, #tpu.memory_space<vmem>> -> memref<1x32xf32, #tpu.memory_space<vmem>>
      %dma_start3A_422 = arith.constant 0 : i32
      %dma_start3A_423 = tpu.memref_slice %arg4[%squeeze3A_419, %dma_start3A_422] : memref<1000000x32xf32, #tpu.memory_space<hbm>> -> memref<1x32xf32, #tpu.memory_space<hbm>>
      %dma_start3A_424 = arith.constant 0 : i32
      %dma_start3A_425 = tpu.memref_slice %arg9[%add3A_417, %dma_start3A_424] : memref<256x32xf32, #tpu.memory_space<vmem>> -> memref<1x32xf32, #tpu.memory_space<vmem>>
      %dma_start3A_426 = arith.constant 0 : i32
      %dma_start3A_427 = tpu.memref_slice %arg4[%squeeze3A_419, %dma_start3A_426] : memref<1000000x32xf32, #tpu.memory_space<hbm>> -> memref<1x32xf32, #tpu.memory_space<hbm>>
      tpu.enqueue_dma source(%dma_start3A_427 : memref<1x32xf32, #tpu.memory_space<hbm>>) target(%dma_start3A_425 : memref<1x32xf32, #tpu.memory_space<vmem>>) target_semaphore(%arg12 : memref<!tpu.dma_semaphore, #tpu.memory_space<semaphore_mem>>)
      %slice3A_428 = vector.extract_strided_slice %get3A_56 {offsets = [15], sizes = [1], strides = [1]} : vector<16xi32> to vector<1xi32>
      %squeeze3A_429 = vector.extract %slice3A_428[0] : i32 from vector<1xi32>
      %dma_start3A_430 = arith.constant 0 : i32
      %dma_start3A_431 = tpu.memref_slice %arg10[%add3A_417, %dma_start3A_430] : memref<256x32xf32, #tpu.memory_space<vmem>> -> memref<1x32xf32, #tpu.memory_space<vmem>>
      %dma_start3A_432 = arith.constant 0 : i32
      %dma_start3A_433 = tpu.memref_slice %arg5[%squeeze3A_429, %dma_start3A_432] : memref<100000x32xf32, #tpu.memory_space<hbm>> -> memref<1x32xf32, #tpu.memory_space<hbm>>
      %dma_start3A_434 = arith.constant 0 : i32
      %dma_start3A_435 = tpu.memref_slice %arg10[%add3A_417, %dma_start3A_434] : memref<256x32xf32, #tpu.memory_space<vmem>> -> memref<1x32xf32, #tpu.memory_space<vmem>>
      %dma_start3A_436 = arith.constant 0 : i32
      %dma_start3A_437 = tpu.memref_slice %arg5[%squeeze3A_429, %dma_start3A_436] : memref<100000x32xf32, #tpu.memory_space<hbm>> -> memref<1x32xf32, #tpu.memory_space<hbm>>
      tpu.enqueue_dma source(%dma_start3A_437 : memref<1x32xf32, #tpu.memory_space<hbm>>) target(%dma_start3A_435 : memref<1x32xf32, #tpu.memory_space<vmem>>) target_semaphore(%arg13 : memref<!tpu.dma_semaphore, #tpu.memory_space<semaphore_mem>>)
    }
    %scan3A_7 = arith.constant 16 : i32
    %dma_wait3A = arith.constant 0 : i32
    %dma_wait3A_8 = arith.constant 0 : i32
    %dma_wait3A_9 = tpu.memref_slice %arg4[%dma_wait3A, %dma_wait3A_8] : memref<1000000x32xf32, #tpu.memory_space<hbm>> -> memref<256x32xf32, #tpu.memory_space<hbm>>
    %dma_wait3A_10 = arith.constant 0 : i32
    %dma_wait3A_11 = arith.constant 0 : i32
    %dma_wait3A_12 = tpu.memref_slice %arg4[%dma_wait3A_10, %dma_wait3A_11] : memref<1000000x32xf32, #tpu.memory_space<hbm>> -> memref<256x32xf32, #tpu.memory_space<hbm>>
    tpu.wait_dma2 semaphore(%arg12 : memref<!tpu.dma_semaphore, #tpu.memory_space<semaphore_mem>>) src(%dma_wait3A_12 : memref<256x32xf32, #tpu.memory_space<hbm>>) dst(%arg9 : memref<256x32xf32, #tpu.memory_space<vmem>>)
    %dma_wait3A_13 = arith.constant 0 : i32
    %dma_wait3A_14 = arith.constant 0 : i32
    %dma_wait3A_15 = tpu.memref_slice %arg5[%dma_wait3A_13, %dma_wait3A_14] : memref<100000x32xf32, #tpu.memory_space<hbm>> -> memref<256x32xf32, #tpu.memory_space<hbm>>
    %dma_wait3A_16 = arith.constant 0 : i32
    %dma_wait3A_17 = arith.constant 0 : i32
    %dma_wait3A_18 = tpu.memref_slice %arg5[%dma_wait3A_16, %dma_wait3A_17] : memref<100000x32xf32, #tpu.memory_space<hbm>> -> memref<256x32xf32, #tpu.memory_space<hbm>>
    tpu.wait_dma2 semaphore(%arg13 : memref<!tpu.dma_semaphore, #tpu.memory_space<semaphore_mem>>) src(%dma_wait3A_18 : memref<256x32xf32, #tpu.memory_space<hbm>>) dst(%arg10 : memref<256x32xf32, #tpu.memory_space<vmem>>)
    %scan3A_19 = arith.constant 0 : i32
    %scan3A_20 = arith.constant 0 : i32
    %scan3A_21 = arith.constant 16 : i32
    %scan3A_22 = arith.addi %scan3A_20, %scan3A_21 : i32
    %scan3A_23 = arith.constant 1 : i32
    scf.for %scan3A_49 = %scan3A_20 to %scan3A_22 step %scan3A_23  : i32 {
      %mul3A_50 = arith.constant 16 : i32
      %mul3A_51 = arith.muli %scan3A_49, %mul3A_50 : i32
      %add3A_52 = vector.broadcast %mul3A_51 : i32 to vector<16xi32>
      %add3A_53 = arith.addi %iota3A, %add3A_52 : vector<16xi32>
      %broadcast_in_dim3A = arith.constant 0.000000e+00 : f32
      %broadcast_in_dim3A_54 = vector.broadcast %broadcast_in_dim3A : f32 to vector<16xf32>
      %broadcast_in_dim3A_55 = arith.constant 0 : i32
      %broadcast_in_dim3A_56 = vector.broadcast %broadcast_in_dim3A_55 : i32 to vector<16xi32>
      %gather3A = tpu.vector_load_idx %arg9[%add3A_53, %broadcast_in_dim3A_56] : memref<256x32xf32, #tpu.memory_space<vmem>>[vector<16xi32>, vector<16xi32>], vector<16xf32>,
      %gather3A_57 = tpu.vector_load_idx %arg10[%add3A_53, %broadcast_in_dim3A_56] : memref<256x32xf32, #tpu.memory_space<vmem>>[vector<16xi32>, vector<16xi32>], vector<16xf32>,
      %mul3A_58 = arith.mulf %gather3A, %gather3A_57 : vector<16xf32>
      %add3A_59 = arith.addf %broadcast_in_dim3A_54, %mul3A_58 : vector<16xf32>
      %broadcast_in_dim3A_60 = arith.constant 1 : i32
      %broadcast_in_dim3A_61 = vector.broadcast %broadcast_in_dim3A_60 : i32 to vector<16xi32>
      %gather3A_62 = tpu.vector_load_idx %arg9[%add3A_53, %broadcast_in_dim3A_61] : memref<256x32xf32, #tpu.memory_space<vmem>>[vector<16xi32>, vector<16xi32>], vector<16xf32>,
      %gather3A_63 = tpu.vector_load_idx %arg10[%add3A_53, %broadcast_in_dim3A_61] : memref<256x32xf32, #tpu.memory_space<vmem>>[vector<16xi32>, vector<16xi32>], vector<16xf32>,
      %mul3A_64 = arith.mulf %gather3A_62, %gather3A_63 : vector<16xf32>
      %add3A_65 = arith.addf %add3A_59, %mul3A_64 : vector<16xf32>
      %broadcast_in_dim3A_66 = arith.constant 2 : i32
      %broadcast_in_dim3A_67 = vector.broadcast %broadcast_in_dim3A_66 : i32 to vector<16xi32>
      %gather3A_68 = tpu.vector_load_idx %arg9[%add3A_53, %broadcast_in_dim3A_67] : memref<256x32xf32, #tpu.memory_space<vmem>>[vector<16xi32>, vector<16xi32>], vector<16xf32>,
      %gather3A_69 = tpu.vector_load_idx %arg10[%add3A_53, %broadcast_in_dim3A_67] : memref<256x32xf32, #tpu.memory_space<vmem>>[vector<16xi32>, vector<16xi32>], vector<16xf32>,
      %mul3A_70 = arith.mulf %gather3A_68, %gather3A_69 : vector<16xf32>
      %add3A_71 = arith.addf %add3A_65, %mul3A_70 : vector<16xf32>
      %broadcast_in_dim3A_72 = arith.constant 3 : i32
      %broadcast_in_dim3A_73 = vector.broadcast %broadcast_in_dim3A_72 : i32 to vector<16xi32>
      %gather3A_74 = tpu.vector_load_idx %arg9[%add3A_53, %broadcast_in_dim3A_73] : memref<256x32xf32, #tpu.memory_space<vmem>>[vector<16xi32>, vector<16xi32>], vector<16xf32>,
      %gather3A_75 = tpu.vector_load_idx %arg10[%add3A_53, %broadcast_in_dim3A_73] : memref<256x32xf32, #tpu.memory_space<vmem>>[vector<16xi32>, vector<16xi32>], vector<16xf32>,
      %mul3A_76 = arith.mulf %gather3A_74, %gather3A_75 : vector<16xf32>
      %add3A_77 = arith.addf %add3A_71, %mul3A_76 : vector<16xf32>
      %broadcast_in_dim3A_78 = arith.constant 4 : i32
      %broadcast_in_dim3A_79 = vector.broadcast %broadcast_in_dim3A_78 : i32 to vector<16xi32>
      %gather3A_80 = tpu.vector_load_idx %arg9[%add3A_53, %broadcast_in_dim3A_79] : memref<256x32xf32, #tpu.memory_space<vmem>>[vector<16xi32>, vector<16xi32>], vector<16xf32>,
      %gather3A_81 = tpu.vector_load_idx %arg10[%add3A_53, %broadcast_in_dim3A_79] : memref<256x32xf32, #tpu.memory_space<vmem>>[vector<16xi32>, vector<16xi32>], vector<16xf32>,
      %mul3A_82 = arith.mulf %gather3A_80, %gather3A_81 : vector<16xf32>
      %add3A_83 = arith.addf %add3A_77, %mul3A_82 : vector<16xf32>
      %broadcast_in_dim3A_84 = arith.constant 5 : i32
      %broadcast_in_dim3A_85 = vector.broadcast %broadcast_in_dim3A_84 : i32 to vector<16xi32>
      %gather3A_86 = tpu.vector_load_idx %arg9[%add3A_53, %broadcast_in_dim3A_85] : memref<256x32xf32, #tpu.memory_space<vmem>>[vector<16xi32>, vector<16xi32>], vector<16xf32>,
      %gather3A_87 = tpu.vector_load_idx %arg10[%add3A_53, %broadcast_in_dim3A_85] : memref<256x32xf32, #tpu.memory_space<vmem>>[vector<16xi32>, vector<16xi32>], vector<16xf32>,
      %mul3A_88 = arith.mulf %gather3A_86, %gather3A_87 : vector<16xf32>
      %add3A_89 = arith.addf %add3A_83, %mul3A_88 : vector<16xf32>
      %broadcast_in_dim3A_90 = arith.constant 6 : i32
      %broadcast_in_dim3A_91 = vector.broadcast %broadcast_in_dim3A_90 : i32 to vector<16xi32>
      %gather3A_92 = tpu.vector_load_idx %arg9[%add3A_53, %broadcast_in_dim3A_91] : memref<256x32xf32, #tpu.memory_space<vmem>>[vector<16xi32>, vector<16xi32>], vector<16xf32>,
      %gather3A_93 = tpu.vector_load_idx %arg10[%add3A_53, %broadcast_in_dim3A_91] : memref<256x32xf32, #tpu.memory_space<vmem>>[vector<16xi32>, vector<16xi32>], vector<16xf32>,
      %mul3A_94 = arith.mulf %gather3A_92, %gather3A_93 : vector<16xf32>
      %add3A_95 = arith.addf %add3A_89, %mul3A_94 : vector<16xf32>
      %broadcast_in_dim3A_96 = arith.constant 7 : i32
      %broadcast_in_dim3A_97 = vector.broadcast %broadcast_in_dim3A_96 : i32 to vector<16xi32>
      %gather3A_98 = tpu.vector_load_idx %arg9[%add3A_53, %broadcast_in_dim3A_97] : memref<256x32xf32, #tpu.memory_space<vmem>>[vector<16xi32>, vector<16xi32>], vector<16xf32>,
      %gather3A_99 = tpu.vector_load_idx %arg10[%add3A_53, %broadcast_in_dim3A_97] : memref<256x32xf32, #tpu.memory_space<vmem>>[vector<16xi32>, vector<16xi32>], vector<16xf32>,
      %mul3A_100 = arith.mulf %gather3A_98, %gather3A_99 : vector<16xf32>
      %add3A_101 = arith.addf %add3A_95, %mul3A_100 : vector<16xf32>
      %broadcast_in_dim3A_102 = arith.constant 8 : i32
      %broadcast_in_dim3A_103 = vector.broadcast %broadcast_in_dim3A_102 : i32 to vector<16xi32>
      %gather3A_104 = tpu.vector_load_idx %arg9[%add3A_53, %broadcast_in_dim3A_103] : memref<256x32xf32, #tpu.memory_space<vmem>>[vector<16xi32>, vector<16xi32>], vector<16xf32>,
      %gather3A_105 = tpu.vector_load_idx %arg10[%add3A_53, %broadcast_in_dim3A_103] : memref<256x32xf32, #tpu.memory_space<vmem>>[vector<16xi32>, vector<16xi32>], vector<16xf32>,
      %mul3A_106 = arith.mulf %gather3A_104, %gather3A_105 : vector<16xf32>
      %add3A_107 = arith.addf %add3A_101, %mul3A_106 : vector<16xf32>
      %broadcast_in_dim3A_108 = arith.constant 9 : i32
      %broadcast_in_dim3A_109 = vector.broadcast %broadcast_in_dim3A_108 : i32 to vector<16xi32>
      %gather3A_110 = tpu.vector_load_idx %arg9[%add3A_53, %broadcast_in_dim3A_109] : memref<256x32xf32, #tpu.memory_space<vmem>>[vector<16xi32>, vector<16xi32>], vector<16xf32>,
      %gather3A_111 = tpu.vector_load_idx %arg10[%add3A_53, %broadcast_in_dim3A_109] : memref<256x32xf32, #tpu.memory_space<vmem>>[vector<16xi32>, vector<16xi32>], vector<16xf32>,
      %mul3A_112 = arith.mulf %gather3A_110, %gather3A_111 : vector<16xf32>
      %add3A_113 = arith.addf %add3A_107, %mul3A_112 : vector<16xf32>
      %broadcast_in_dim3A_114 = arith.constant 10 : i32
      %broadcast_in_dim3A_115 = vector.broadcast %broadcast_in_dim3A_114 : i32 to vector<16xi32>
      %gather3A_116 = tpu.vector_load_idx %arg9[%add3A_53, %broadcast_in_dim3A_115] : memref<256x32xf32, #tpu.memory_space<vmem>>[vector<16xi32>, vector<16xi32>], vector<16xf32>,
      %gather3A_117 = tpu.vector_load_idx %arg10[%add3A_53, %broadcast_in_dim3A_115] : memref<256x32xf32, #tpu.memory_space<vmem>>[vector<16xi32>, vector<16xi32>], vector<16xf32>,
      %mul3A_118 = arith.mulf %gather3A_116, %gather3A_117 : vector<16xf32>
      %add3A_119 = arith.addf %add3A_113, %mul3A_118 : vector<16xf32>
      %broadcast_in_dim3A_120 = arith.constant 11 : i32
      %broadcast_in_dim3A_121 = vector.broadcast %broadcast_in_dim3A_120 : i32 to vector<16xi32>
      %gather3A_122 = tpu.vector_load_idx %arg9[%add3A_53, %broadcast_in_dim3A_121] : memref<256x32xf32, #tpu.memory_space<vmem>>[vector<16xi32>, vector<16xi32>], vector<16xf32>,
      %gather3A_123 = tpu.vector_load_idx %arg10[%add3A_53, %broadcast_in_dim3A_121] : memref<256x32xf32, #tpu.memory_space<vmem>>[vector<16xi32>, vector<16xi32>], vector<16xf32>,
      %mul3A_124 = arith.mulf %gather3A_122, %gather3A_123 : vector<16xf32>
      %add3A_125 = arith.addf %add3A_119, %mul3A_124 : vector<16xf32>
      %broadcast_in_dim3A_126 = arith.constant 12 : i32
      %broadcast_in_dim3A_127 = vector.broadcast %broadcast_in_dim3A_126 : i32 to vector<16xi32>
      %gather3A_128 = tpu.vector_load_idx %arg9[%add3A_53, %broadcast_in_dim3A_127] : memref<256x32xf32, #tpu.memory_space<vmem>>[vector<16xi32>, vector<16xi32>], vector<16xf32>,
      %gather3A_129 = tpu.vector_load_idx %arg10[%add3A_53, %broadcast_in_dim3A_127] : memref<256x32xf32, #tpu.memory_space<vmem>>[vector<16xi32>, vector<16xi32>], vector<16xf32>,
      %mul3A_130 = arith.mulf %gather3A_128, %gather3A_129 : vector<16xf32>
      %add3A_131 = arith.addf %add3A_125, %mul3A_130 : vector<16xf32>
      %broadcast_in_dim3A_132 = arith.constant 13 : i32
      %broadcast_in_dim3A_133 = vector.broadcast %broadcast_in_dim3A_132 : i32 to vector<16xi32>
      %gather3A_134 = tpu.vector_load_idx %arg9[%add3A_53, %broadcast_in_dim3A_133] : memref<256x32xf32, #tpu.memory_space<vmem>>[vector<16xi32>, vector<16xi32>], vector<16xf32>,
      %gather3A_135 = tpu.vector_load_idx %arg10[%add3A_53, %broadcast_in_dim3A_133] : memref<256x32xf32, #tpu.memory_space<vmem>>[vector<16xi32>, vector<16xi32>], vector<16xf32>,
      %mul3A_136 = arith.mulf %gather3A_134, %gather3A_135 : vector<16xf32>
      %add3A_137 = arith.addf %add3A_131, %mul3A_136 : vector<16xf32>
      %broadcast_in_dim3A_138 = arith.constant 14 : i32
      %broadcast_in_dim3A_139 = vector.broadcast %broadcast_in_dim3A_138 : i32 to vector<16xi32>
      %gather3A_140 = tpu.vector_load_idx %arg9[%add3A_53, %broadcast_in_dim3A_139] : memref<256x32xf32, #tpu.memory_space<vmem>>[vector<16xi32>, vector<16xi32>], vector<16xf32>,
      %gather3A_141 = tpu.vector_load_idx %arg10[%add3A_53, %broadcast_in_dim3A_139] : memref<256x32xf32, #tpu.memory_space<vmem>>[vector<16xi32>, vector<16xi32>], vector<16xf32>,
      %mul3A_142 = arith.mulf %gather3A_140, %gather3A_141 : vector<16xf32>
      %add3A_143 = arith.addf %add3A_137, %mul3A_142 : vector<16xf32>
      %broadcast_in_dim3A_144 = arith.constant 15 : i32
      %broadcast_in_dim3A_145 = vector.broadcast %broadcast_in_dim3A_144 : i32 to vector<16xi32>
      %gather3A_146 = tpu.vector_load_idx %arg9[%add3A_53, %broadcast_in_dim3A_145] : memref<256x32xf32, #tpu.memory_space<vmem>>[vector<16xi32>, vector<16xi32>], vector<16xf32>,
      %gather3A_147 = tpu.vector_load_idx %arg10[%add3A_53, %broadcast_in_dim3A_145] : memref<256x32xf32, #tpu.memory_space<vmem>>[vector<16xi32>, vector<16xi32>], vector<16xf32>,
      %mul3A_148 = arith.mulf %gather3A_146, %gather3A_147 : vector<16xf32>
      %add3A_149 = arith.addf %add3A_143, %mul3A_148 : vector<16xf32>
      %broadcast_in_dim3A_150 = arith.constant 16 : i32
      %broadcast_in_dim3A_151 = vector.broadcast %broadcast_in_dim3A_150 : i32 to vector<16xi32>
      %gather3A_152 = tpu.vector_load_idx %arg9[%add3A_53, %broadcast_in_dim3A_151] : memref<256x32xf32, #tpu.memory_space<vmem>>[vector<16xi32>, vector<16xi32>], vector<16xf32>,
      %gather3A_153 = tpu.vector_load_idx %arg10[%add3A_53, %broadcast_in_dim3A_151] : memref<256x32xf32, #tpu.memory_space<vmem>>[vector<16xi32>, vector<16xi32>], vector<16xf32>,
      %mul3A_154 = arith.mulf %gather3A_152, %gather3A_153 : vector<16xf32>
      %add3A_155 = arith.addf %add3A_149, %mul3A_154 : vector<16xf32>
      %broadcast_in_dim3A_156 = arith.constant 17 : i32
      %broadcast_in_dim3A_157 = vector.broadcast %broadcast_in_dim3A_156 : i32 to vector<16xi32>
      %gather3A_158 = tpu.vector_load_idx %arg9[%add3A_53, %broadcast_in_dim3A_157] : memref<256x32xf32, #tpu.memory_space<vmem>>[vector<16xi32>, vector<16xi32>], vector<16xf32>,
      %gather3A_159 = tpu.vector_load_idx %arg10[%add3A_53, %broadcast_in_dim3A_157] : memref<256x32xf32, #tpu.memory_space<vmem>>[vector<16xi32>, vector<16xi32>], vector<16xf32>,
      %mul3A_160 = arith.mulf %gather3A_158, %gather3A_159 : vector<16xf32>
      %add3A_161 = arith.addf %add3A_155, %mul3A_160 : vector<16xf32>
      %broadcast_in_dim3A_162 = arith.constant 18 : i32
      %broadcast_in_dim3A_163 = vector.broadcast %broadcast_in_dim3A_162 : i32 to vector<16xi32>
      %gather3A_164 = tpu.vector_load_idx %arg9[%add3A_53, %broadcast_in_dim3A_163] : memref<256x32xf32, #tpu.memory_space<vmem>>[vector<16xi32>, vector<16xi32>], vector<16xf32>,
      %gather3A_165 = tpu.vector_load_idx %arg10[%add3A_53, %broadcast_in_dim3A_163] : memref<256x32xf32, #tpu.memory_space<vmem>>[vector<16xi32>, vector<16xi32>], vector<16xf32>,
      %mul3A_166 = arith.mulf %gather3A_164, %gather3A_165 : vector<16xf32>
      %add3A_167 = arith.addf %add3A_161, %mul3A_166 : vector<16xf32>
      %broadcast_in_dim3A_168 = arith.constant 19 : i32
      %broadcast_in_dim3A_169 = vector.broadcast %broadcast_in_dim3A_168 : i32 to vector<16xi32>
      %gather3A_170 = tpu.vector_load_idx %arg9[%add3A_53, %broadcast_in_dim3A_169] : memref<256x32xf32, #tpu.memory_space<vmem>>[vector<16xi32>, vector<16xi32>], vector<16xf32>,
      %gather3A_171 = tpu.vector_load_idx %arg10[%add3A_53, %broadcast_in_dim3A_169] : memref<256x32xf32, #tpu.memory_space<vmem>>[vector<16xi32>, vector<16xi32>], vector<16xf32>,
      %mul3A_172 = arith.mulf %gather3A_170, %gather3A_171 : vector<16xf32>
      %add3A_173 = arith.addf %add3A_167, %mul3A_172 : vector<16xf32>
      %broadcast_in_dim3A_174 = arith.constant 20 : i32
      %broadcast_in_dim3A_175 = vector.broadcast %broadcast_in_dim3A_174 : i32 to vector<16xi32>
      %gather3A_176 = tpu.vector_load_idx %arg9[%add3A_53, %broadcast_in_dim3A_175] : memref<256x32xf32, #tpu.memory_space<vmem>>[vector<16xi32>, vector<16xi32>], vector<16xf32>,
      %gather3A_177 = tpu.vector_load_idx %arg10[%add3A_53, %broadcast_in_dim3A_175] : memref<256x32xf32, #tpu.memory_space<vmem>>[vector<16xi32>, vector<16xi32>], vector<16xf32>,
      %mul3A_178 = arith.mulf %gather3A_176, %gather3A_177 : vector<16xf32>
      %add3A_179 = arith.addf %add3A_173, %mul3A_178 : vector<16xf32>
      %broadcast_in_dim3A_180 = arith.constant 21 : i32
      %broadcast_in_dim3A_181 = vector.broadcast %broadcast_in_dim3A_180 : i32 to vector<16xi32>
      %gather3A_182 = tpu.vector_load_idx %arg9[%add3A_53, %broadcast_in_dim3A_181] : memref<256x32xf32, #tpu.memory_space<vmem>>[vector<16xi32>, vector<16xi32>], vector<16xf32>,
      %gather3A_183 = tpu.vector_load_idx %arg10[%add3A_53, %broadcast_in_dim3A_181] : memref<256x32xf32, #tpu.memory_space<vmem>>[vector<16xi32>, vector<16xi32>], vector<16xf32>,
      %mul3A_184 = arith.mulf %gather3A_182, %gather3A_183 : vector<16xf32>
      %add3A_185 = arith.addf %add3A_179, %mul3A_184 : vector<16xf32>
      %broadcast_in_dim3A_186 = arith.constant 22 : i32
      %broadcast_in_dim3A_187 = vector.broadcast %broadcast_in_dim3A_186 : i32 to vector<16xi32>
      %gather3A_188 = tpu.vector_load_idx %arg9[%add3A_53, %broadcast_in_dim3A_187] : memref<256x32xf32, #tpu.memory_space<vmem>>[vector<16xi32>, vector<16xi32>], vector<16xf32>,
      %gather3A_189 = tpu.vector_load_idx %arg10[%add3A_53, %broadcast_in_dim3A_187] : memref<256x32xf32, #tpu.memory_space<vmem>>[vector<16xi32>, vector<16xi32>], vector<16xf32>,
      %mul3A_190 = arith.mulf %gather3A_188, %gather3A_189 : vector<16xf32>
      %add3A_191 = arith.addf %add3A_185, %mul3A_190 : vector<16xf32>
      %broadcast_in_dim3A_192 = arith.constant 23 : i32
      %broadcast_in_dim3A_193 = vector.broadcast %broadcast_in_dim3A_192 : i32 to vector<16xi32>
      %gather3A_194 = tpu.vector_load_idx %arg9[%add3A_53, %broadcast_in_dim3A_193] : memref<256x32xf32, #tpu.memory_space<vmem>>[vector<16xi32>, vector<16xi32>], vector<16xf32>,
      %gather3A_195 = tpu.vector_load_idx %arg10[%add3A_53, %broadcast_in_dim3A_193] : memref<256x32xf32, #tpu.memory_space<vmem>>[vector<16xi32>, vector<16xi32>], vector<16xf32>,
      %mul3A_196 = arith.mulf %gather3A_194, %gather3A_195 : vector<16xf32>
      %add3A_197 = arith.addf %add3A_191, %mul3A_196 : vector<16xf32>
      %broadcast_in_dim3A_198 = arith.constant 24 : i32
      %broadcast_in_dim3A_199 = vector.broadcast %broadcast_in_dim3A_198 : i32 to vector<16xi32>
      %gather3A_200 = tpu.vector_load_idx %arg9[%add3A_53, %broadcast_in_dim3A_199] : memref<256x32xf32, #tpu.memory_space<vmem>>[vector<16xi32>, vector<16xi32>], vector<16xf32>,
      %gather3A_201 = tpu.vector_load_idx %arg10[%add3A_53, %broadcast_in_dim3A_199] : memref<256x32xf32, #tpu.memory_space<vmem>>[vector<16xi32>, vector<16xi32>], vector<16xf32>,
      %mul3A_202 = arith.mulf %gather3A_200, %gather3A_201 : vector<16xf32>
      %add3A_203 = arith.addf %add3A_197, %mul3A_202 : vector<16xf32>
      %broadcast_in_dim3A_204 = arith.constant 25 : i32
      %broadcast_in_dim3A_205 = vector.broadcast %broadcast_in_dim3A_204 : i32 to vector<16xi32>
      %gather3A_206 = tpu.vector_load_idx %arg9[%add3A_53, %broadcast_in_dim3A_205] : memref<256x32xf32, #tpu.memory_space<vmem>>[vector<16xi32>, vector<16xi32>], vector<16xf32>,
      %gather3A_207 = tpu.vector_load_idx %arg10[%add3A_53, %broadcast_in_dim3A_205] : memref<256x32xf32, #tpu.memory_space<vmem>>[vector<16xi32>, vector<16xi32>], vector<16xf32>,
      %mul3A_208 = arith.mulf %gather3A_206, %gather3A_207 : vector<16xf32>
      %add3A_209 = arith.addf %add3A_203, %mul3A_208 : vector<16xf32>
      %broadcast_in_dim3A_210 = arith.constant 26 : i32
      %broadcast_in_dim3A_211 = vector.broadcast %broadcast_in_dim3A_210 : i32 to vector<16xi32>
      %gather3A_212 = tpu.vector_load_idx %arg9[%add3A_53, %broadcast_in_dim3A_211] : memref<256x32xf32, #tpu.memory_space<vmem>>[vector<16xi32>, vector<16xi32>], vector<16xf32>,
      %gather3A_213 = tpu.vector_load_idx %arg10[%add3A_53, %broadcast_in_dim3A_211] : memref<256x32xf32, #tpu.memory_space<vmem>>[vector<16xi32>, vector<16xi32>], vector<16xf32>,
      %mul3A_214 = arith.mulf %gather3A_212, %gather3A_213 : vector<16xf32>
      %add3A_215 = arith.addf %add3A_209, %mul3A_214 : vector<16xf32>
      %broadcast_in_dim3A_216 = arith.constant 27 : i32
      %broadcast_in_dim3A_217 = vector.broadcast %broadcast_in_dim3A_216 : i32 to vector<16xi32>
      %gather3A_218 = tpu.vector_load_idx %arg9[%add3A_53, %broadcast_in_dim3A_217] : memref<256x32xf32, #tpu.memory_space<vmem>>[vector<16xi32>, vector<16xi32>], vector<16xf32>,
      %gather3A_219 = tpu.vector_load_idx %arg10[%add3A_53, %broadcast_in_dim3A_217] : memref<256x32xf32, #tpu.memory_space<vmem>>[vector<16xi32>, vector<16xi32>], vector<16xf32>,
      %mul3A_220 = arith.mulf %gather3A_218, %gather3A_219 : vector<16xf32>
      %add3A_221 = arith.addf %add3A_215, %mul3A_220 : vector<16xf32>
      %broadcast_in_dim3A_222 = arith.constant 28 : i32
      %broadcast_in_dim3A_223 = vector.broadcast %broadcast_in_dim3A_222 : i32 to vector<16xi32>
      %gather3A_224 = tpu.vector_load_idx %arg9[%add3A_53, %broadcast_in_dim3A_223] : memref<256x32xf32, #tpu.memory_space<vmem>>[vector<16xi32>, vector<16xi32>], vector<16xf32>,
      %gather3A_225 = tpu.vector_load_idx %arg10[%add3A_53, %broadcast_in_dim3A_223] : memref<256x32xf32, #tpu.memory_space<vmem>>[vector<16xi32>, vector<16xi32>], vector<16xf32>,
      %mul3A_226 = arith.mulf %gather3A_224, %gather3A_225 : vector<16xf32>
      %add3A_227 = arith.addf %add3A_221, %mul3A_226 : vector<16xf32>
      %broadcast_in_dim3A_228 = arith.constant 29 : i32
      %broadcast_in_dim3A_229 = vector.broadcast %broadcast_in_dim3A_228 : i32 to vector<16xi32>
      %gather3A_230 = tpu.vector_load_idx %arg9[%add3A_53, %broadcast_in_dim3A_229] : memref<256x32xf32, #tpu.memory_space<vmem>>[vector<16xi32>, vector<16xi32>], vector<16xf32>,
      %gather3A_231 = tpu.vector_load_idx %arg10[%add3A_53, %broadcast_in_dim3A_229] : memref<256x32xf32, #tpu.memory_space<vmem>>[vector<16xi32>, vector<16xi32>], vector<16xf32>,
      %mul3A_232 = arith.mulf %gather3A_230, %gather3A_231 : vector<16xf32>
      %add3A_233 = arith.addf %add3A_227, %mul3A_232 : vector<16xf32>
      %broadcast_in_dim3A_234 = arith.constant 30 : i32
      %broadcast_in_dim3A_235 = vector.broadcast %broadcast_in_dim3A_234 : i32 to vector<16xi32>
      %gather3A_236 = tpu.vector_load_idx %arg9[%add3A_53, %broadcast_in_dim3A_235] : memref<256x32xf32, #tpu.memory_space<vmem>>[vector<16xi32>, vector<16xi32>], vector<16xf32>,
      %gather3A_237 = tpu.vector_load_idx %arg10[%add3A_53, %broadcast_in_dim3A_235] : memref<256x32xf32, #tpu.memory_space<vmem>>[vector<16xi32>, vector<16xi32>], vector<16xf32>,
      %mul3A_238 = arith.mulf %gather3A_236, %gather3A_237 : vector<16xf32>
      %add3A_239 = arith.addf %add3A_233, %mul3A_238 : vector<16xf32>
      %broadcast_in_dim3A_240 = arith.constant 31 : i32
      %broadcast_in_dim3A_241 = vector.broadcast %broadcast_in_dim3A_240 : i32 to vector<16xi32>
      %gather3A_242 = tpu.vector_load_idx %arg9[%add3A_53, %broadcast_in_dim3A_241] : memref<256x32xf32, #tpu.memory_space<vmem>>[vector<16xi32>, vector<16xi32>], vector<16xf32>,
      %gather3A_243 = tpu.vector_load_idx %arg10[%add3A_53, %broadcast_in_dim3A_241] : memref<256x32xf32, #tpu.memory_space<vmem>>[vector<16xi32>, vector<16xi32>], vector<16xf32>,
      %mul3A_244 = arith.mulf %gather3A_242, %gather3A_243 : vector<16xf32>
      %add3A_245 = arith.addf %add3A_239, %mul3A_244 : vector<16xf32>
      %mul3A_246 = arith.constant 16 : i32
      %mul3A_247 = arith.muli %scan3A_49, %mul3A_246 : i32
      %add3A_248 = arith.constant 0 : i32
      %add3A_249 = arith.addi %add3A_248, %mul3A_247 : i32
      %swap3A = arith.index_cast %add3A_249 : i32 to index
      %swap3A_250 = tpu.vector_load %arg11[%swap3A] {strides = array<i32>} : memref<512xf32, #tpu.memory_space<vmem>>, vector<16xf32>,
      tpu.vector_store %arg11[%swap3A], %add3A_245 {strides = array<i32>} : memref<512xf32, #tpu.memory_space<vmem>>, vector<16xf32>,
    }
    %scan3A_24 = arith.constant 16 : i32
    %scan3A_25 = arith.constant 0 : i32
    %scan3A_26 = arith.constant 0 : i32
    %scan3A_27 = arith.constant 16 : i32
    %scan3A_28 = arith.addi %scan3A_26, %scan3A_27 : i32
    %scan3A_29 = arith.constant 1 : i32
    scf.for %scan3A_49 = %scan3A_26 to %scan3A_28 step %scan3A_29  : i32 {
      %mul3A_50 = arith.constant 16 : i32
      %mul3A_51 = arith.muli %scan3A_49, %mul3A_50 : i32
      %add3A_52 = arith.constant 256 : i32
      %add3A_53 = arith.addi %add3A_52, %mul3A_51 : i32
      %get3A = arith.index_cast %add3A_53 : i32 to index
      %get3A_54 = tpu.vector_load %arg7[%get3A] {strides = array<i32>} : memref<512xi32, #tpu.memory_space<vmem>>, vector<16xi32>,
      %get3A_55 = arith.index_cast %add3A_53 : i32 to index
      %get3A_56 = tpu.vector_load %arg8[%get3A_55] {strides = array<i32>} : memref<512xi32, #tpu.memory_space<vmem>>, vector<16xi32>,
      %mul3A_57 = arith.constant 16 : i32
      %mul3A_58 = arith.muli %scan3A_49, %mul3A_57 : i32
      %add3A_59 = arith.constant 0 : i32
      %add3A_60 = arith.addi %mul3A_58, %add3A_59 : i32
      %slice3A = vector.extract_strided_slice %get3A_54 {offsets = [0], sizes = [1], strides = [1]} : vector<16xi32> to vector<1xi32>
      %squeeze3A = vector.extract %slice3A[0] : i32 from vector<1xi32>
      %dma_start3A = arith.constant 0 : i32
      %dma_start3A_61 = tpu.memref_slice %arg9[%add3A_60, %dma_start3A] : memref<256x32xf32, #tpu.memory_space<vmem>> -> memref<1x32xf32, #tpu.memory_space<vmem>>
      %dma_start3A_62 = arith.constant 0 : i32
      %dma_start3A_63 = tpu.memref_slice %arg4[%squeeze3A, %dma_start3A_62] : memref<1000000x32xf32, #tpu.memory_space<hbm>> -> memref<1x32xf32, #tpu.memory_space<hbm>>
      %dma_start3A_64 = arith.constant 0 : i32
      %dma_start3A_65 = tpu.memref_slice %arg9[%add3A_60, %dma_start3A_64] : memref<256x32xf32, #tpu.memory_space<vmem>> -> memref<1x32xf32, #tpu.memory_space<vmem>>
      %dma_start3A_66 = arith.constant 0 : i32
      %dma_start3A_67 = tpu.memref_slice %arg4[%squeeze3A, %dma_start3A_66] : memref<1000000x32xf32, #tpu.memory_space<hbm>> -> memref<1x32xf32, #tpu.memory_space<hbm>>
      tpu.enqueue_dma source(%dma_start3A_67 : memref<1x32xf32, #tpu.memory_space<hbm>>) target(%dma_start3A_65 : memref<1x32xf32, #tpu.memory_space<vmem>>) target_semaphore(%arg12 : memref<!tpu.dma_semaphore, #tpu.memory_space<semaphore_mem>>)
      %slice3A_68 = vector.extract_strided_slice %get3A_56 {offsets = [0], sizes = [1], strides = [1]} : vector<16xi32> to vector<1xi32>
      %squeeze3A_69 = vector.extract %slice3A_68[0] : i32 from vector<1xi32>
      %dma_start3A_70 = arith.constant 0 : i32
      %dma_start3A_71 = tpu.memref_slice %arg10[%add3A_60, %dma_start3A_70] : memref<256x32xf32, #tpu.memory_space<vmem>> -> memref<1x32xf32, #tpu.memory_space<vmem>>
      %dma_start3A_72 = arith.constant 0 : i32
      %dma_start3A_73 = tpu.memref_slice %arg5[%squeeze3A_69, %dma_start3A_72] : memref<100000x32xf32, #tpu.memory_space<hbm>> -> memref<1x32xf32, #tpu.memory_space<hbm>>
      %dma_start3A_74 = arith.constant 0 : i32
      %dma_start3A_75 = tpu.memref_slice %arg10[%add3A_60, %dma_start3A_74] : memref<256x32xf32, #tpu.memory_space<vmem>> -> memref<1x32xf32, #tpu.memory_space<vmem>>
      %dma_start3A_76 = arith.constant 0 : i32
      %dma_start3A_77 = tpu.memref_slice %arg5[%squeeze3A_69, %dma_start3A_76] : memref<100000x32xf32, #tpu.memory_space<hbm>> -> memref<1x32xf32, #tpu.memory_space<hbm>>
      tpu.enqueue_dma source(%dma_start3A_77 : memref<1x32xf32, #tpu.memory_space<hbm>>) target(%dma_start3A_75 : memref<1x32xf32, #tpu.memory_space<vmem>>) target_semaphore(%arg13 : memref<!tpu.dma_semaphore, #tpu.memory_space<semaphore_mem>>)
      %mul3A_78 = arith.constant 16 : i32
      %mul3A_79 = arith.muli %scan3A_49, %mul3A_78 : i32
      %add3A_80 = arith.constant 1 : i32
      %add3A_81 = arith.addi %mul3A_79, %add3A_80 : i32
      %slice3A_82 = vector.extract_strided_slice %get3A_54 {offsets = [1], sizes = [1], strides = [1]} : vector<16xi32> to vector<1xi32>
      %squeeze3A_83 = vector.extract %slice3A_82[0] : i32 from vector<1xi32>
      %dma_start3A_84 = arith.constant 0 : i32
      %dma_start3A_85 = tpu.memref_slice %arg9[%add3A_81, %dma_start3A_84] : memref<256x32xf32, #tpu.memory_space<vmem>> -> memref<1x32xf32, #tpu.memory_space<vmem>>
      %dma_start3A_86 = arith.constant 0 : i32
      %dma_start3A_87 = tpu.memref_slice %arg4[%squeeze3A_83, %dma_start3A_86] : memref<1000000x32xf32, #tpu.memory_space<hbm>> -> memref<1x32xf32, #tpu.memory_space<hbm>>
      %dma_start3A_88 = arith.constant 0 : i32
      %dma_start3A_89 = tpu.memref_slice %arg9[%add3A_81, %dma_start3A_88] : memref<256x32xf32, #tpu.memory_space<vmem>> -> memref<1x32xf32, #tpu.memory_space<vmem>>
      %dma_start3A_90 = arith.constant 0 : i32
      %dma_start3A_91 = tpu.memref_slice %arg4[%squeeze3A_83, %dma_start3A_90] : memref<1000000x32xf32, #tpu.memory_space<hbm>> -> memref<1x32xf32, #tpu.memory_space<hbm>>
      tpu.enqueue_dma source(%dma_start3A_91 : memref<1x32xf32, #tpu.memory_space<hbm>>) target(%dma_start3A_89 : memref<1x32xf32, #tpu.memory_space<vmem>>) target_semaphore(%arg12 : memref<!tpu.dma_semaphore, #tpu.memory_space<semaphore_mem>>)
      %slice3A_92 = vector.extract_strided_slice %get3A_56 {offsets = [1], sizes = [1], strides = [1]} : vector<16xi32> to vector<1xi32>
      %squeeze3A_93 = vector.extract %slice3A_92[0] : i32 from vector<1xi32>
      %dma_start3A_94 = arith.constant 0 : i32
      %dma_start3A_95 = tpu.memref_slice %arg10[%add3A_81, %dma_start3A_94] : memref<256x32xf32, #tpu.memory_space<vmem>> -> memref<1x32xf32, #tpu.memory_space<vmem>>
      %dma_start3A_96 = arith.constant 0 : i32
      %dma_start3A_97 = tpu.memref_slice %arg5[%squeeze3A_93, %dma_start3A_96] : memref<100000x32xf32, #tpu.memory_space<hbm>> -> memref<1x32xf32, #tpu.memory_space<hbm>>
      %dma_start3A_98 = arith.constant 0 : i32
      %dma_start3A_99 = tpu.memref_slice %arg10[%add3A_81, %dma_start3A_98] : memref<256x32xf32, #tpu.memory_space<vmem>> -> memref<1x32xf32, #tpu.memory_space<vmem>>
      %dma_start3A_100 = arith.constant 0 : i32
      %dma_start3A_101 = tpu.memref_slice %arg5[%squeeze3A_93, %dma_start3A_100] : memref<100000x32xf32, #tpu.memory_space<hbm>> -> memref<1x32xf32, #tpu.memory_space<hbm>>
      tpu.enqueue_dma source(%dma_start3A_101 : memref<1x32xf32, #tpu.memory_space<hbm>>) target(%dma_start3A_99 : memref<1x32xf32, #tpu.memory_space<vmem>>) target_semaphore(%arg13 : memref<!tpu.dma_semaphore, #tpu.memory_space<semaphore_mem>>)
      %mul3A_102 = arith.constant 16 : i32
      %mul3A_103 = arith.muli %scan3A_49, %mul3A_102 : i32
      %add3A_104 = arith.constant 2 : i32
      %add3A_105 = arith.addi %mul3A_103, %add3A_104 : i32
      %slice3A_106 = vector.extract_strided_slice %get3A_54 {offsets = [2], sizes = [1], strides = [1]} : vector<16xi32> to vector<1xi32>
      %squeeze3A_107 = vector.extract %slice3A_106[0] : i32 from vector<1xi32>
      %dma_start3A_108 = arith.constant 0 : i32
      %dma_start3A_109 = tpu.memref_slice %arg9[%add3A_105, %dma_start3A_108] : memref<256x32xf32, #tpu.memory_space<vmem>> -> memref<1x32xf32, #tpu.memory_space<vmem>>
      %dma_start3A_110 = arith.constant 0 : i32
      %dma_start3A_111 = tpu.memref_slice %arg4[%squeeze3A_107, %dma_start3A_110] : memref<1000000x32xf32, #tpu.memory_space<hbm>> -> memref<1x32xf32, #tpu.memory_space<hbm>>
      %dma_start3A_112 = arith.constant 0 : i32
      %dma_start3A_113 = tpu.memref_slice %arg9[%add3A_105, %dma_start3A_112] : memref<256x32xf32, #tpu.memory_space<vmem>> -> memref<1x32xf32, #tpu.memory_space<vmem>>
      %dma_start3A_114 = arith.constant 0 : i32
      %dma_start3A_115 = tpu.memref_slice %arg4[%squeeze3A_107, %dma_start3A_114] : memref<1000000x32xf32, #tpu.memory_space<hbm>> -> memref<1x32xf32, #tpu.memory_space<hbm>>
      tpu.enqueue_dma source(%dma_start3A_115 : memref<1x32xf32, #tpu.memory_space<hbm>>) target(%dma_start3A_113 : memref<1x32xf32, #tpu.memory_space<vmem>>) target_semaphore(%arg12 : memref<!tpu.dma_semaphore, #tpu.memory_space<semaphore_mem>>)
      %slice3A_116 = vector.extract_strided_slice %get3A_56 {offsets = [2], sizes = [1], strides = [1]} : vector<16xi32> to vector<1xi32>
      %squeeze3A_117 = vector.extract %slice3A_116[0] : i32 from vector<1xi32>
      %dma_start3A_118 = arith.constant 0 : i32
      %dma_start3A_119 = tpu.memref_slice %arg10[%add3A_105, %dma_start3A_118] : memref<256x32xf32, #tpu.memory_space<vmem>> -> memref<1x32xf32, #tpu.memory_space<vmem>>
      %dma_start3A_120 = arith.constant 0 : i32
      %dma_start3A_121 = tpu.memref_slice %arg5[%squeeze3A_117, %dma_start3A_120] : memref<100000x32xf32, #tpu.memory_space<hbm>> -> memref<1x32xf32, #tpu.memory_space<hbm>>
      %dma_start3A_122 = arith.constant 0 : i32
      %dma_start3A_123 = tpu.memref_slice %arg10[%add3A_105, %dma_start3A_122] : memref<256x32xf32, #tpu.memory_space<vmem>> -> memref<1x32xf32, #tpu.memory_space<vmem>>
      %dma_start3A_124 = arith.constant 0 : i32
      %dma_start3A_125 = tpu.memref_slice %arg5[%squeeze3A_117, %dma_start3A_124] : memref<100000x32xf32, #tpu.memory_space<hbm>> -> memref<1x32xf32, #tpu.memory_space<hbm>>
      tpu.enqueue_dma source(%dma_start3A_125 : memref<1x32xf32, #tpu.memory_space<hbm>>) target(%dma_start3A_123 : memref<1x32xf32, #tpu.memory_space<vmem>>) target_semaphore(%arg13 : memref<!tpu.dma_semaphore, #tpu.memory_space<semaphore_mem>>)
      %mul3A_126 = arith.constant 16 : i32
      %mul3A_127 = arith.muli %scan3A_49, %mul3A_126 : i32
      %add3A_128 = arith.constant 3 : i32
      %add3A_129 = arith.addi %mul3A_127, %add3A_128 : i32
      %slice3A_130 = vector.extract_strided_slice %get3A_54 {offsets = [3], sizes = [1], strides = [1]} : vector<16xi32> to vector<1xi32>
      %squeeze3A_131 = vector.extract %slice3A_130[0] : i32 from vector<1xi32>
      %dma_start3A_132 = arith.constant 0 : i32
      %dma_start3A_133 = tpu.memref_slice %arg9[%add3A_129, %dma_start3A_132] : memref<256x32xf32, #tpu.memory_space<vmem>> -> memref<1x32xf32, #tpu.memory_space<vmem>>
      %dma_start3A_134 = arith.constant 0 : i32
      %dma_start3A_135 = tpu.memref_slice %arg4[%squeeze3A_131, %dma_start3A_134] : memref<1000000x32xf32, #tpu.memory_space<hbm>> -> memref<1x32xf32, #tpu.memory_space<hbm>>
      %dma_start3A_136 = arith.constant 0 : i32
      %dma_start3A_137 = tpu.memref_slice %arg9[%add3A_129, %dma_start3A_136] : memref<256x32xf32, #tpu.memory_space<vmem>> -> memref<1x32xf32, #tpu.memory_space<vmem>>
      %dma_start3A_138 = arith.constant 0 : i32
      %dma_start3A_139 = tpu.memref_slice %arg4[%squeeze3A_131, %dma_start3A_138] : memref<1000000x32xf32, #tpu.memory_space<hbm>> -> memref<1x32xf32, #tpu.memory_space<hbm>>
      tpu.enqueue_dma source(%dma_start3A_139 : memref<1x32xf32, #tpu.memory_space<hbm>>) target(%dma_start3A_137 : memref<1x32xf32, #tpu.memory_space<vmem>>) target_semaphore(%arg12 : memref<!tpu.dma_semaphore, #tpu.memory_space<semaphore_mem>>)
      %slice3A_140 = vector.extract_strided_slice %get3A_56 {offsets = [3], sizes = [1], strides = [1]} : vector<16xi32> to vector<1xi32>
      %squeeze3A_141 = vector.extract %slice3A_140[0] : i32 from vector<1xi32>
      %dma_start3A_142 = arith.constant 0 : i32
      %dma_start3A_143 = tpu.memref_slice %arg10[%add3A_129, %dma_start3A_142] : memref<256x32xf32, #tpu.memory_space<vmem>> -> memref<1x32xf32, #tpu.memory_space<vmem>>
      %dma_start3A_144 = arith.constant 0 : i32
      %dma_start3A_145 = tpu.memref_slice %arg5[%squeeze3A_141, %dma_start3A_144] : memref<100000x32xf32, #tpu.memory_space<hbm>> -> memref<1x32xf32, #tpu.memory_space<hbm>>
      %dma_start3A_146 = arith.constant 0 : i32
      %dma_start3A_147 = tpu.memref_slice %arg10[%add3A_129, %dma_start3A_146] : memref<256x32xf32, #tpu.memory_space<vmem>> -> memref<1x32xf32, #tpu.memory_space<vmem>>
      %dma_start3A_148 = arith.constant 0 : i32
      %dma_start3A_149 = tpu.memref_slice %arg5[%squeeze3A_141, %dma_start3A_148] : memref<100000x32xf32, #tpu.memory_space<hbm>> -> memref<1x32xf32, #tpu.memory_space<hbm>>
      tpu.enqueue_dma source(%dma_start3A_149 : memref<1x32xf32, #tpu.memory_space<hbm>>) target(%dma_start3A_147 : memref<1x32xf32, #tpu.memory_space<vmem>>) target_semaphore(%arg13 : memref<!tpu.dma_semaphore, #tpu.memory_space<semaphore_mem>>)
      %mul3A_150 = arith.constant 16 : i32
      %mul3A_151 = arith.muli %scan3A_49, %mul3A_150 : i32
      %add3A_152 = arith.constant 4 : i32
      %add3A_153 = arith.addi %mul3A_151, %add3A_152 : i32
      %slice3A_154 = vector.extract_strided_slice %get3A_54 {offsets = [4], sizes = [1], strides = [1]} : vector<16xi32> to vector<1xi32>
      %squeeze3A_155 = vector.extract %slice3A_154[0] : i32 from vector<1xi32>
      %dma_start3A_156 = arith.constant 0 : i32
      %dma_start3A_157 = tpu.memref_slice %arg9[%add3A_153, %dma_start3A_156] : memref<256x32xf32, #tpu.memory_space<vmem>> -> memref<1x32xf32, #tpu.memory_space<vmem>>
      %dma_start3A_158 = arith.constant 0 : i32
      %dma_start3A_159 = tpu.memref_slice %arg4[%squeeze3A_155, %dma_start3A_158] : memref<1000000x32xf32, #tpu.memory_space<hbm>> -> memref<1x32xf32, #tpu.memory_space<hbm>>
      %dma_start3A_160 = arith.constant 0 : i32
      %dma_start3A_161 = tpu.memref_slice %arg9[%add3A_153, %dma_start3A_160] : memref<256x32xf32, #tpu.memory_space<vmem>> -> memref<1x32xf32, #tpu.memory_space<vmem>>
      %dma_start3A_162 = arith.constant 0 : i32
      %dma_start3A_163 = tpu.memref_slice %arg4[%squeeze3A_155, %dma_start3A_162] : memref<1000000x32xf32, #tpu.memory_space<hbm>> -> memref<1x32xf32, #tpu.memory_space<hbm>>
      tpu.enqueue_dma source(%dma_start3A_163 : memref<1x32xf32, #tpu.memory_space<hbm>>) target(%dma_start3A_161 : memref<1x32xf32, #tpu.memory_space<vmem>>) target_semaphore(%arg12 : memref<!tpu.dma_semaphore, #tpu.memory_space<semaphore_mem>>)
      %slice3A_164 = vector.extract_strided_slice %get3A_56 {offsets = [4], sizes = [1], strides = [1]} : vector<16xi32> to vector<1xi32>
      %squeeze3A_165 = vector.extract %slice3A_164[0] : i32 from vector<1xi32>
      %dma_start3A_166 = arith.constant 0 : i32
      %dma_start3A_167 = tpu.memref_slice %arg10[%add3A_153, %dma_start3A_166] : memref<256x32xf32, #tpu.memory_space<vmem>> -> memref<1x32xf32, #tpu.memory_space<vmem>>
      %dma_start3A_168 = arith.constant 0 : i32
      %dma_start3A_169 = tpu.memref_slice %arg5[%squeeze3A_165, %dma_start3A_168] : memref<100000x32xf32, #tpu.memory_space<hbm>> -> memref<1x32xf32, #tpu.memory_space<hbm>>
      %dma_start3A_170 = arith.constant 0 : i32
      %dma_start3A_171 = tpu.memref_slice %arg10[%add3A_153, %dma_start3A_170] : memref<256x32xf32, #tpu.memory_space<vmem>> -> memref<1x32xf32, #tpu.memory_space<vmem>>
      %dma_start3A_172 = arith.constant 0 : i32
      %dma_start3A_173 = tpu.memref_slice %arg5[%squeeze3A_165, %dma_start3A_172] : memref<100000x32xf32, #tpu.memory_space<hbm>> -> memref<1x32xf32, #tpu.memory_space<hbm>>
      tpu.enqueue_dma source(%dma_start3A_173 : memref<1x32xf32, #tpu.memory_space<hbm>>) target(%dma_start3A_171 : memref<1x32xf32, #tpu.memory_space<vmem>>) target_semaphore(%arg13 : memref<!tpu.dma_semaphore, #tpu.memory_space<semaphore_mem>>)
      %mul3A_174 = arith.constant 16 : i32
      %mul3A_175 = arith.muli %scan3A_49, %mul3A_174 : i32
      %add3A_176 = arith.constant 5 : i32
      %add3A_177 = arith.addi %mul3A_175, %add3A_176 : i32
      %slice3A_178 = vector.extract_strided_slice %get3A_54 {offsets = [5], sizes = [1], strides = [1]} : vector<16xi32> to vector<1xi32>
      %squeeze3A_179 = vector.extract %slice3A_178[0] : i32 from vector<1xi32>
      %dma_start3A_180 = arith.constant 0 : i32
      %dma_start3A_181 = tpu.memref_slice %arg9[%add3A_177, %dma_start3A_180] : memref<256x32xf32, #tpu.memory_space<vmem>> -> memref<1x32xf32, #tpu.memory_space<vmem>>
      %dma_start3A_182 = arith.constant 0 : i32
      %dma_start3A_183 = tpu.memref_slice %arg4[%squeeze3A_179, %dma_start3A_182] : memref<1000000x32xf32, #tpu.memory_space<hbm>> -> memref<1x32xf32, #tpu.memory_space<hbm>>
      %dma_start3A_184 = arith.constant 0 : i32
      %dma_start3A_185 = tpu.memref_slice %arg9[%add3A_177, %dma_start3A_184] : memref<256x32xf32, #tpu.memory_space<vmem>> -> memref<1x32xf32, #tpu.memory_space<vmem>>
      %dma_start3A_186 = arith.constant 0 : i32
      %dma_start3A_187 = tpu.memref_slice %arg4[%squeeze3A_179, %dma_start3A_186] : memref<1000000x32xf32, #tpu.memory_space<hbm>> -> memref<1x32xf32, #tpu.memory_space<hbm>>
      tpu.enqueue_dma source(%dma_start3A_187 : memref<1x32xf32, #tpu.memory_space<hbm>>) target(%dma_start3A_185 : memref<1x32xf32, #tpu.memory_space<vmem>>) target_semaphore(%arg12 : memref<!tpu.dma_semaphore, #tpu.memory_space<semaphore_mem>>)
      %slice3A_188 = vector.extract_strided_slice %get3A_56 {offsets = [5], sizes = [1], strides = [1]} : vector<16xi32> to vector<1xi32>
      %squeeze3A_189 = vector.extract %slice3A_188[0] : i32 from vector<1xi32>
      %dma_start3A_190 = arith.constant 0 : i32
      %dma_start3A_191 = tpu.memref_slice %arg10[%add3A_177, %dma_start3A_190] : memref<256x32xf32, #tpu.memory_space<vmem>> -> memref<1x32xf32, #tpu.memory_space<vmem>>
      %dma_start3A_192 = arith.constant 0 : i32
      %dma_start3A_193 = tpu.memref_slice %arg5[%squeeze3A_189, %dma_start3A_192] : memref<100000x32xf32, #tpu.memory_space<hbm>> -> memref<1x32xf32, #tpu.memory_space<hbm>>
      %dma_start3A_194 = arith.constant 0 : i32
      %dma_start3A_195 = tpu.memref_slice %arg10[%add3A_177, %dma_start3A_194] : memref<256x32xf32, #tpu.memory_space<vmem>> -> memref<1x32xf32, #tpu.memory_space<vmem>>
      %dma_start3A_196 = arith.constant 0 : i32
      %dma_start3A_197 = tpu.memref_slice %arg5[%squeeze3A_189, %dma_start3A_196] : memref<100000x32xf32, #tpu.memory_space<hbm>> -> memref<1x32xf32, #tpu.memory_space<hbm>>
      tpu.enqueue_dma source(%dma_start3A_197 : memref<1x32xf32, #tpu.memory_space<hbm>>) target(%dma_start3A_195 : memref<1x32xf32, #tpu.memory_space<vmem>>) target_semaphore(%arg13 : memref<!tpu.dma_semaphore, #tpu.memory_space<semaphore_mem>>)
      %mul3A_198 = arith.constant 16 : i32
      %mul3A_199 = arith.muli %scan3A_49, %mul3A_198 : i32
      %add3A_200 = arith.constant 6 : i32
      %add3A_201 = arith.addi %mul3A_199, %add3A_200 : i32
      %slice3A_202 = vector.extract_strided_slice %get3A_54 {offsets = [6], sizes = [1], strides = [1]} : vector<16xi32> to vector<1xi32>
      %squeeze3A_203 = vector.extract %slice3A_202[0] : i32 from vector<1xi32>
      %dma_start3A_204 = arith.constant 0 : i32
      %dma_start3A_205 = tpu.memref_slice %arg9[%add3A_201, %dma_start3A_204] : memref<256x32xf32, #tpu.memory_space<vmem>> -> memref<1x32xf32, #tpu.memory_space<vmem>>
      %dma_start3A_206 = arith.constant 0 : i32
      %dma_start3A_207 = tpu.memref_slice %arg4[%squeeze3A_203, %dma_start3A_206] : memref<1000000x32xf32, #tpu.memory_space<hbm>> -> memref<1x32xf32, #tpu.memory_space<hbm>>
      %dma_start3A_208 = arith.constant 0 : i32
      %dma_start3A_209 = tpu.memref_slice %arg9[%add3A_201, %dma_start3A_208] : memref<256x32xf32, #tpu.memory_space<vmem>> -> memref<1x32xf32, #tpu.memory_space<vmem>>
      %dma_start3A_210 = arith.constant 0 : i32
      %dma_start3A_211 = tpu.memref_slice %arg4[%squeeze3A_203, %dma_start3A_210] : memref<1000000x32xf32, #tpu.memory_space<hbm>> -> memref<1x32xf32, #tpu.memory_space<hbm>>
      tpu.enqueue_dma source(%dma_start3A_211 : memref<1x32xf32, #tpu.memory_space<hbm>>) target(%dma_start3A_209 : memref<1x32xf32, #tpu.memory_space<vmem>>) target_semaphore(%arg12 : memref<!tpu.dma_semaphore, #tpu.memory_space<semaphore_mem>>)
      %slice3A_212 = vector.extract_strided_slice %get3A_56 {offsets = [6], sizes = [1], strides = [1]} : vector<16xi32> to vector<1xi32>
      %squeeze3A_213 = vector.extract %slice3A_212[0] : i32 from vector<1xi32>
      %dma_start3A_214 = arith.constant 0 : i32
      %dma_start3A_215 = tpu.memref_slice %arg10[%add3A_201, %dma_start3A_214] : memref<256x32xf32, #tpu.memory_space<vmem>> -> memref<1x32xf32, #tpu.memory_space<vmem>>
      %dma_start3A_216 = arith.constant 0 : i32
      %dma_start3A_217 = tpu.memref_slice %arg5[%squeeze3A_213, %dma_start3A_216] : memref<100000x32xf32, #tpu.memory_space<hbm>> -> memref<1x32xf32, #tpu.memory_space<hbm>>
      %dma_start3A_218 = arith.constant 0 : i32
      %dma_start3A_219 = tpu.memref_slice %arg10[%add3A_201, %dma_start3A_218] : memref<256x32xf32, #tpu.memory_space<vmem>> -> memref<1x32xf32, #tpu.memory_space<vmem>>
      %dma_start3A_220 = arith.constant 0 : i32
      %dma_start3A_221 = tpu.memref_slice %arg5[%squeeze3A_213, %dma_start3A_220] : memref<100000x32xf32, #tpu.memory_space<hbm>> -> memref<1x32xf32, #tpu.memory_space<hbm>>
      tpu.enqueue_dma source(%dma_start3A_221 : memref<1x32xf32, #tpu.memory_space<hbm>>) target(%dma_start3A_219 : memref<1x32xf32, #tpu.memory_space<vmem>>) target_semaphore(%arg13 : memref<!tpu.dma_semaphore, #tpu.memory_space<semaphore_mem>>)
      %mul3A_222 = arith.constant 16 : i32
      %mul3A_223 = arith.muli %scan3A_49, %mul3A_222 : i32
      %add3A_224 = arith.constant 7 : i32
      %add3A_225 = arith.addi %mul3A_223, %add3A_224 : i32
      %slice3A_226 = vector.extract_strided_slice %get3A_54 {offsets = [7], sizes = [1], strides = [1]} : vector<16xi32> to vector<1xi32>
      %squeeze3A_227 = vector.extract %slice3A_226[0] : i32 from vector<1xi32>
      %dma_start3A_228 = arith.constant 0 : i32
      %dma_start3A_229 = tpu.memref_slice %arg9[%add3A_225, %dma_start3A_228] : memref<256x32xf32, #tpu.memory_space<vmem>> -> memref<1x32xf32, #tpu.memory_space<vmem>>
      %dma_start3A_230 = arith.constant 0 : i32
      %dma_start3A_231 = tpu.memref_slice %arg4[%squeeze3A_227, %dma_start3A_230] : memref<1000000x32xf32, #tpu.memory_space<hbm>> -> memref<1x32xf32, #tpu.memory_space<hbm>>
      %dma_start3A_232 = arith.constant 0 : i32
      %dma_start3A_233 = tpu.memref_slice %arg9[%add3A_225, %dma_start3A_232] : memref<256x32xf32, #tpu.memory_space<vmem>> -> memref<1x32xf32, #tpu.memory_space<vmem>>
      %dma_start3A_234 = arith.constant 0 : i32
      %dma_start3A_235 = tpu.memref_slice %arg4[%squeeze3A_227, %dma_start3A_234] : memref<1000000x32xf32, #tpu.memory_space<hbm>> -> memref<1x32xf32, #tpu.memory_space<hbm>>
      tpu.enqueue_dma source(%dma_start3A_235 : memref<1x32xf32, #tpu.memory_space<hbm>>) target(%dma_start3A_233 : memref<1x32xf32, #tpu.memory_space<vmem>>) target_semaphore(%arg12 : memref<!tpu.dma_semaphore, #tpu.memory_space<semaphore_mem>>)
      %slice3A_236 = vector.extract_strided_slice %get3A_56 {offsets = [7], sizes = [1], strides = [1]} : vector<16xi32> to vector<1xi32>
      %squeeze3A_237 = vector.extract %slice3A_236[0] : i32 from vector<1xi32>
      %dma_start3A_238 = arith.constant 0 : i32
      %dma_start3A_239 = tpu.memref_slice %arg10[%add3A_225, %dma_start3A_238] : memref<256x32xf32, #tpu.memory_space<vmem>> -> memref<1x32xf32, #tpu.memory_space<vmem>>
      %dma_start3A_240 = arith.constant 0 : i32
      %dma_start3A_241 = tpu.memref_slice %arg5[%squeeze3A_237, %dma_start3A_240] : memref<100000x32xf32, #tpu.memory_space<hbm>> -> memref<1x32xf32, #tpu.memory_space<hbm>>
      %dma_start3A_242 = arith.constant 0 : i32
      %dma_start3A_243 = tpu.memref_slice %arg10[%add3A_225, %dma_start3A_242] : memref<256x32xf32, #tpu.memory_space<vmem>> -> memref<1x32xf32, #tpu.memory_space<vmem>>
      %dma_start3A_244 = arith.constant 0 : i32
      %dma_start3A_245 = tpu.memref_slice %arg5[%squeeze3A_237, %dma_start3A_244] : memref<100000x32xf32, #tpu.memory_space<hbm>> -> memref<1x32xf32, #tpu.memory_space<hbm>>
      tpu.enqueue_dma source(%dma_start3A_245 : memref<1x32xf32, #tpu.memory_space<hbm>>) target(%dma_start3A_243 : memref<1x32xf32, #tpu.memory_space<vmem>>) target_semaphore(%arg13 : memref<!tpu.dma_semaphore, #tpu.memory_space<semaphore_mem>>)
      %mul3A_246 = arith.constant 16 : i32
      %mul3A_247 = arith.muli %scan3A_49, %mul3A_246 : i32
      %add3A_248 = arith.constant 8 : i32
      %add3A_249 = arith.addi %mul3A_247, %add3A_248 : i32
      %slice3A_250 = vector.extract_strided_slice %get3A_54 {offsets = [8], sizes = [1], strides = [1]} : vector<16xi32> to vector<1xi32>
      %squeeze3A_251 = vector.extract %slice3A_250[0] : i32 from vector<1xi32>
      %dma_start3A_252 = arith.constant 0 : i32
      %dma_start3A_253 = tpu.memref_slice %arg9[%add3A_249, %dma_start3A_252] : memref<256x32xf32, #tpu.memory_space<vmem>> -> memref<1x32xf32, #tpu.memory_space<vmem>>
      %dma_start3A_254 = arith.constant 0 : i32
      %dma_start3A_255 = tpu.memref_slice %arg4[%squeeze3A_251, %dma_start3A_254] : memref<1000000x32xf32, #tpu.memory_space<hbm>> -> memref<1x32xf32, #tpu.memory_space<hbm>>
      %dma_start3A_256 = arith.constant 0 : i32
      %dma_start3A_257 = tpu.memref_slice %arg9[%add3A_249, %dma_start3A_256] : memref<256x32xf32, #tpu.memory_space<vmem>> -> memref<1x32xf32, #tpu.memory_space<vmem>>
      %dma_start3A_258 = arith.constant 0 : i32
      %dma_start3A_259 = tpu.memref_slice %arg4[%squeeze3A_251, %dma_start3A_258] : memref<1000000x32xf32, #tpu.memory_space<hbm>> -> memref<1x32xf32, #tpu.memory_space<hbm>>
      tpu.enqueue_dma source(%dma_start3A_259 : memref<1x32xf32, #tpu.memory_space<hbm>>) target(%dma_start3A_257 : memref<1x32xf32, #tpu.memory_space<vmem>>) target_semaphore(%arg12 : memref<!tpu.dma_semaphore, #tpu.memory_space<semaphore_mem>>)
      %slice3A_260 = vector.extract_strided_slice %get3A_56 {offsets = [8], sizes = [1], strides = [1]} : vector<16xi32> to vector<1xi32>
      %squeeze3A_261 = vector.extract %slice3A_260[0] : i32 from vector<1xi32>
      %dma_start3A_262 = arith.constant 0 : i32
      %dma_start3A_263 = tpu.memref_slice %arg10[%add3A_249, %dma_start3A_262] : memref<256x32xf32, #tpu.memory_space<vmem>> -> memref<1x32xf32, #tpu.memory_space<vmem>>
      %dma_start3A_264 = arith.constant 0 : i32
      %dma_start3A_265 = tpu.memref_slice %arg5[%squeeze3A_261, %dma_start3A_264] : memref<100000x32xf32, #tpu.memory_space<hbm>> -> memref<1x32xf32, #tpu.memory_space<hbm>>
      %dma_start3A_266 = arith.constant 0 : i32
      %dma_start3A_267 = tpu.memref_slice %arg10[%add3A_249, %dma_start3A_266] : memref<256x32xf32, #tpu.memory_space<vmem>> -> memref<1x32xf32, #tpu.memory_space<vmem>>
      %dma_start3A_268 = arith.constant 0 : i32
      %dma_start3A_269 = tpu.memref_slice %arg5[%squeeze3A_261, %dma_start3A_268] : memref<100000x32xf32, #tpu.memory_space<hbm>> -> memref<1x32xf32, #tpu.memory_space<hbm>>
      tpu.enqueue_dma source(%dma_start3A_269 : memref<1x32xf32, #tpu.memory_space<hbm>>) target(%dma_start3A_267 : memref<1x32xf32, #tpu.memory_space<vmem>>) target_semaphore(%arg13 : memref<!tpu.dma_semaphore, #tpu.memory_space<semaphore_mem>>)
      %mul3A_270 = arith.constant 16 : i32
      %mul3A_271 = arith.muli %scan3A_49, %mul3A_270 : i32
      %add3A_272 = arith.constant 9 : i32
      %add3A_273 = arith.addi %mul3A_271, %add3A_272 : i32
      %slice3A_274 = vector.extract_strided_slice %get3A_54 {offsets = [9], sizes = [1], strides = [1]} : vector<16xi32> to vector<1xi32>
      %squeeze3A_275 = vector.extract %slice3A_274[0] : i32 from vector<1xi32>
      %dma_start3A_276 = arith.constant 0 : i32
      %dma_start3A_277 = tpu.memref_slice %arg9[%add3A_273, %dma_start3A_276] : memref<256x32xf32, #tpu.memory_space<vmem>> -> memref<1x32xf32, #tpu.memory_space<vmem>>
      %dma_start3A_278 = arith.constant 0 : i32
      %dma_start3A_279 = tpu.memref_slice %arg4[%squeeze3A_275, %dma_start3A_278] : memref<1000000x32xf32, #tpu.memory_space<hbm>> -> memref<1x32xf32, #tpu.memory_space<hbm>>
      %dma_start3A_280 = arith.constant 0 : i32
      %dma_start3A_281 = tpu.memref_slice %arg9[%add3A_273, %dma_start3A_280] : memref<256x32xf32, #tpu.memory_space<vmem>> -> memref<1x32xf32, #tpu.memory_space<vmem>>
      %dma_start3A_282 = arith.constant 0 : i32
      %dma_start3A_283 = tpu.memref_slice %arg4[%squeeze3A_275, %dma_start3A_282] : memref<1000000x32xf32, #tpu.memory_space<hbm>> -> memref<1x32xf32, #tpu.memory_space<hbm>>
      tpu.enqueue_dma source(%dma_start3A_283 : memref<1x32xf32, #tpu.memory_space<hbm>>) target(%dma_start3A_281 : memref<1x32xf32, #tpu.memory_space<vmem>>) target_semaphore(%arg12 : memref<!tpu.dma_semaphore, #tpu.memory_space<semaphore_mem>>)
      %slice3A_284 = vector.extract_strided_slice %get3A_56 {offsets = [9], sizes = [1], strides = [1]} : vector<16xi32> to vector<1xi32>
      %squeeze3A_285 = vector.extract %slice3A_284[0] : i32 from vector<1xi32>
      %dma_start3A_286 = arith.constant 0 : i32
      %dma_start3A_287 = tpu.memref_slice %arg10[%add3A_273, %dma_start3A_286] : memref<256x32xf32, #tpu.memory_space<vmem>> -> memref<1x32xf32, #tpu.memory_space<vmem>>
      %dma_start3A_288 = arith.constant 0 : i32
      %dma_start3A_289 = tpu.memref_slice %arg5[%squeeze3A_285, %dma_start3A_288] : memref<100000x32xf32, #tpu.memory_space<hbm>> -> memref<1x32xf32, #tpu.memory_space<hbm>>
      %dma_start3A_290 = arith.constant 0 : i32
      %dma_start3A_291 = tpu.memref_slice %arg10[%add3A_273, %dma_start3A_290] : memref<256x32xf32, #tpu.memory_space<vmem>> -> memref<1x32xf32, #tpu.memory_space<vmem>>
      %dma_start3A_292 = arith.constant 0 : i32
      %dma_start3A_293 = tpu.memref_slice %arg5[%squeeze3A_285, %dma_start3A_292] : memref<100000x32xf32, #tpu.memory_space<hbm>> -> memref<1x32xf32, #tpu.memory_space<hbm>>
      tpu.enqueue_dma source(%dma_start3A_293 : memref<1x32xf32, #tpu.memory_space<hbm>>) target(%dma_start3A_291 : memref<1x32xf32, #tpu.memory_space<vmem>>) target_semaphore(%arg13 : memref<!tpu.dma_semaphore, #tpu.memory_space<semaphore_mem>>)
      %mul3A_294 = arith.constant 16 : i32
      %mul3A_295 = arith.muli %scan3A_49, %mul3A_294 : i32
      %add3A_296 = arith.constant 10 : i32
      %add3A_297 = arith.addi %mul3A_295, %add3A_296 : i32
      %slice3A_298 = vector.extract_strided_slice %get3A_54 {offsets = [10], sizes = [1], strides = [1]} : vector<16xi32> to vector<1xi32>
      %squeeze3A_299 = vector.extract %slice3A_298[0] : i32 from vector<1xi32>
      %dma_start3A_300 = arith.constant 0 : i32
      %dma_start3A_301 = tpu.memref_slice %arg9[%add3A_297, %dma_start3A_300] : memref<256x32xf32, #tpu.memory_space<vmem>> -> memref<1x32xf32, #tpu.memory_space<vmem>>
      %dma_start3A_302 = arith.constant 0 : i32
      %dma_start3A_303 = tpu.memref_slice %arg4[%squeeze3A_299, %dma_start3A_302] : memref<1000000x32xf32, #tpu.memory_space<hbm>> -> memref<1x32xf32, #tpu.memory_space<hbm>>
      %dma_start3A_304 = arith.constant 0 : i32
      %dma_start3A_305 = tpu.memref_slice %arg9[%add3A_297, %dma_start3A_304] : memref<256x32xf32, #tpu.memory_space<vmem>> -> memref<1x32xf32, #tpu.memory_space<vmem>>
      %dma_start3A_306 = arith.constant 0 : i32
      %dma_start3A_307 = tpu.memref_slice %arg4[%squeeze3A_299, %dma_start3A_306] : memref<1000000x32xf32, #tpu.memory_space<hbm>> -> memref<1x32xf32, #tpu.memory_space<hbm>>
      tpu.enqueue_dma source(%dma_start3A_307 : memref<1x32xf32, #tpu.memory_space<hbm>>) target(%dma_start3A_305 : memref<1x32xf32, #tpu.memory_space<vmem>>) target_semaphore(%arg12 : memref<!tpu.dma_semaphore, #tpu.memory_space<semaphore_mem>>)
      %slice3A_308 = vector.extract_strided_slice %get3A_56 {offsets = [10], sizes = [1], strides = [1]} : vector<16xi32> to vector<1xi32>
      %squeeze3A_309 = vector.extract %slice3A_308[0] : i32 from vector<1xi32>
      %dma_start3A_310 = arith.constant 0 : i32
      %dma_start3A_311 = tpu.memref_slice %arg10[%add3A_297, %dma_start3A_310] : memref<256x32xf32, #tpu.memory_space<vmem>> -> memref<1x32xf32, #tpu.memory_space<vmem>>
      %dma_start3A_312 = arith.constant 0 : i32
      %dma_start3A_313 = tpu.memref_slice %arg5[%squeeze3A_309, %dma_start3A_312] : memref<100000x32xf32, #tpu.memory_space<hbm>> -> memref<1x32xf32, #tpu.memory_space<hbm>>
      %dma_start3A_314 = arith.constant 0 : i32
      %dma_start3A_315 = tpu.memref_slice %arg10[%add3A_297, %dma_start3A_314] : memref<256x32xf32, #tpu.memory_space<vmem>> -> memref<1x32xf32, #tpu.memory_space<vmem>>
      %dma_start3A_316 = arith.constant 0 : i32
      %dma_start3A_317 = tpu.memref_slice %arg5[%squeeze3A_309, %dma_start3A_316] : memref<100000x32xf32, #tpu.memory_space<hbm>> -> memref<1x32xf32, #tpu.memory_space<hbm>>
      tpu.enqueue_dma source(%dma_start3A_317 : memref<1x32xf32, #tpu.memory_space<hbm>>) target(%dma_start3A_315 : memref<1x32xf32, #tpu.memory_space<vmem>>) target_semaphore(%arg13 : memref<!tpu.dma_semaphore, #tpu.memory_space<semaphore_mem>>)
      %mul3A_318 = arith.constant 16 : i32
      %mul3A_319 = arith.muli %scan3A_49, %mul3A_318 : i32
      %add3A_320 = arith.constant 11 : i32
      %add3A_321 = arith.addi %mul3A_319, %add3A_320 : i32
      %slice3A_322 = vector.extract_strided_slice %get3A_54 {offsets = [11], sizes = [1], strides = [1]} : vector<16xi32> to vector<1xi32>
      %squeeze3A_323 = vector.extract %slice3A_322[0] : i32 from vector<1xi32>
      %dma_start3A_324 = arith.constant 0 : i32
      %dma_start3A_325 = tpu.memref_slice %arg9[%add3A_321, %dma_start3A_324] : memref<256x32xf32, #tpu.memory_space<vmem>> -> memref<1x32xf32, #tpu.memory_space<vmem>>
      %dma_start3A_326 = arith.constant 0 : i32
      %dma_start3A_327 = tpu.memref_slice %arg4[%squeeze3A_323, %dma_start3A_326] : memref<1000000x32xf32, #tpu.memory_space<hbm>> -> memref<1x32xf32, #tpu.memory_space<hbm>>
      %dma_start3A_328 = arith.constant 0 : i32
      %dma_start3A_329 = tpu.memref_slice %arg9[%add3A_321, %dma_start3A_328] : memref<256x32xf32, #tpu.memory_space<vmem>> -> memref<1x32xf32, #tpu.memory_space<vmem>>
      %dma_start3A_330 = arith.constant 0 : i32
      %dma_start3A_331 = tpu.memref_slice %arg4[%squeeze3A_323, %dma_start3A_330] : memref<1000000x32xf32, #tpu.memory_space<hbm>> -> memref<1x32xf32, #tpu.memory_space<hbm>>
      tpu.enqueue_dma source(%dma_start3A_331 : memref<1x32xf32, #tpu.memory_space<hbm>>) target(%dma_start3A_329 : memref<1x32xf32, #tpu.memory_space<vmem>>) target_semaphore(%arg12 : memref<!tpu.dma_semaphore, #tpu.memory_space<semaphore_mem>>)
      %slice3A_332 = vector.extract_strided_slice %get3A_56 {offsets = [11], sizes = [1], strides = [1]} : vector<16xi32> to vector<1xi32>
      %squeeze3A_333 = vector.extract %slice3A_332[0] : i32 from vector<1xi32>
      %dma_start3A_334 = arith.constant 0 : i32
      %dma_start3A_335 = tpu.memref_slice %arg10[%add3A_321, %dma_start3A_334] : memref<256x32xf32, #tpu.memory_space<vmem>> -> memref<1x32xf32, #tpu.memory_space<vmem>>
      %dma_start3A_336 = arith.constant 0 : i32
      %dma_start3A_337 = tpu.memref_slice %arg5[%squeeze3A_333, %dma_start3A_336] : memref<100000x32xf32, #tpu.memory_space<hbm>> -> memref<1x32xf32, #tpu.memory_space<hbm>>
      %dma_start3A_338 = arith.constant 0 : i32
      %dma_start3A_339 = tpu.memref_slice %arg10[%add3A_321, %dma_start3A_338] : memref<256x32xf32, #tpu.memory_space<vmem>> -> memref<1x32xf32, #tpu.memory_space<vmem>>
      %dma_start3A_340 = arith.constant 0 : i32
      %dma_start3A_341 = tpu.memref_slice %arg5[%squeeze3A_333, %dma_start3A_340] : memref<100000x32xf32, #tpu.memory_space<hbm>> -> memref<1x32xf32, #tpu.memory_space<hbm>>
      tpu.enqueue_dma source(%dma_start3A_341 : memref<1x32xf32, #tpu.memory_space<hbm>>) target(%dma_start3A_339 : memref<1x32xf32, #tpu.memory_space<vmem>>) target_semaphore(%arg13 : memref<!tpu.dma_semaphore, #tpu.memory_space<semaphore_mem>>)
      %mul3A_342 = arith.constant 16 : i32
      %mul3A_343 = arith.muli %scan3A_49, %mul3A_342 : i32
      %add3A_344 = arith.constant 12 : i32
      %add3A_345 = arith.addi %mul3A_343, %add3A_344 : i32
      %slice3A_346 = vector.extract_strided_slice %get3A_54 {offsets = [12], sizes = [1], strides = [1]} : vector<16xi32> to vector<1xi32>
      %squeeze3A_347 = vector.extract %slice3A_346[0] : i32 from vector<1xi32>
      %dma_start3A_348 = arith.constant 0 : i32
      %dma_start3A_349 = tpu.memref_slice %arg9[%add3A_345, %dma_start3A_348] : memref<256x32xf32, #tpu.memory_space<vmem>> -> memref<1x32xf32, #tpu.memory_space<vmem>>
      %dma_start3A_350 = arith.constant 0 : i32
      %dma_start3A_351 = tpu.memref_slice %arg4[%squeeze3A_347, %dma_start3A_350] : memref<1000000x32xf32, #tpu.memory_space<hbm>> -> memref<1x32xf32, #tpu.memory_space<hbm>>
      %dma_start3A_352 = arith.constant 0 : i32
      %dma_start3A_353 = tpu.memref_slice %arg9[%add3A_345, %dma_start3A_352] : memref<256x32xf32, #tpu.memory_space<vmem>> -> memref<1x32xf32, #tpu.memory_space<vmem>>
      %dma_start3A_354 = arith.constant 0 : i32
      %dma_start3A_355 = tpu.memref_slice %arg4[%squeeze3A_347, %dma_start3A_354] : memref<1000000x32xf32, #tpu.memory_space<hbm>> -> memref<1x32xf32, #tpu.memory_space<hbm>>
      tpu.enqueue_dma source(%dma_start3A_355 : memref<1x32xf32, #tpu.memory_space<hbm>>) target(%dma_start3A_353 : memref<1x32xf32, #tpu.memory_space<vmem>>) target_semaphore(%arg12 : memref<!tpu.dma_semaphore, #tpu.memory_space<semaphore_mem>>)
      %slice3A_356 = vector.extract_strided_slice %get3A_56 {offsets = [12], sizes = [1], strides = [1]} : vector<16xi32> to vector<1xi32>
      %squeeze3A_357 = vector.extract %slice3A_356[0] : i32 from vector<1xi32>
      %dma_start3A_358 = arith.constant 0 : i32
      %dma_start3A_359 = tpu.memref_slice %arg10[%add3A_345, %dma_start3A_358] : memref<256x32xf32, #tpu.memory_space<vmem>> -> memref<1x32xf32, #tpu.memory_space<vmem>>
      %dma_start3A_360 = arith.constant 0 : i32
      %dma_start3A_361 = tpu.memref_slice %arg5[%squeeze3A_357, %dma_start3A_360] : memref<100000x32xf32, #tpu.memory_space<hbm>> -> memref<1x32xf32, #tpu.memory_space<hbm>>
      %dma_start3A_362 = arith.constant 0 : i32
      %dma_start3A_363 = tpu.memref_slice %arg10[%add3A_345, %dma_start3A_362] : memref<256x32xf32, #tpu.memory_space<vmem>> -> memref<1x32xf32, #tpu.memory_space<vmem>>
      %dma_start3A_364 = arith.constant 0 : i32
      %dma_start3A_365 = tpu.memref_slice %arg5[%squeeze3A_357, %dma_start3A_364] : memref<100000x32xf32, #tpu.memory_space<hbm>> -> memref<1x32xf32, #tpu.memory_space<hbm>>
      tpu.enqueue_dma source(%dma_start3A_365 : memref<1x32xf32, #tpu.memory_space<hbm>>) target(%dma_start3A_363 : memref<1x32xf32, #tpu.memory_space<vmem>>) target_semaphore(%arg13 : memref<!tpu.dma_semaphore, #tpu.memory_space<semaphore_mem>>)
      %mul3A_366 = arith.constant 16 : i32
      %mul3A_367 = arith.muli %scan3A_49, %mul3A_366 : i32
      %add3A_368 = arith.constant 13 : i32
      %add3A_369 = arith.addi %mul3A_367, %add3A_368 : i32
      %slice3A_370 = vector.extract_strided_slice %get3A_54 {offsets = [13], sizes = [1], strides = [1]} : vector<16xi32> to vector<1xi32>
      %squeeze3A_371 = vector.extract %slice3A_370[0] : i32 from vector<1xi32>
      %dma_start3A_372 = arith.constant 0 : i32
      %dma_start3A_373 = tpu.memref_slice %arg9[%add3A_369, %dma_start3A_372] : memref<256x32xf32, #tpu.memory_space<vmem>> -> memref<1x32xf32, #tpu.memory_space<vmem>>
      %dma_start3A_374 = arith.constant 0 : i32
      %dma_start3A_375 = tpu.memref_slice %arg4[%squeeze3A_371, %dma_start3A_374] : memref<1000000x32xf32, #tpu.memory_space<hbm>> -> memref<1x32xf32, #tpu.memory_space<hbm>>
      %dma_start3A_376 = arith.constant 0 : i32
      %dma_start3A_377 = tpu.memref_slice %arg9[%add3A_369, %dma_start3A_376] : memref<256x32xf32, #tpu.memory_space<vmem>> -> memref<1x32xf32, #tpu.memory_space<vmem>>
      %dma_start3A_378 = arith.constant 0 : i32
      %dma_start3A_379 = tpu.memref_slice %arg4[%squeeze3A_371, %dma_start3A_378] : memref<1000000x32xf32, #tpu.memory_space<hbm>> -> memref<1x32xf32, #tpu.memory_space<hbm>>
      tpu.enqueue_dma source(%dma_start3A_379 : memref<1x32xf32, #tpu.memory_space<hbm>>) target(%dma_start3A_377 : memref<1x32xf32, #tpu.memory_space<vmem>>) target_semaphore(%arg12 : memref<!tpu.dma_semaphore, #tpu.memory_space<semaphore_mem>>)
      %slice3A_380 = vector.extract_strided_slice %get3A_56 {offsets = [13], sizes = [1], strides = [1]} : vector<16xi32> to vector<1xi32>
      %squeeze3A_381 = vector.extract %slice3A_380[0] : i32 from vector<1xi32>
      %dma_start3A_382 = arith.constant 0 : i32
      %dma_start3A_383 = tpu.memref_slice %arg10[%add3A_369, %dma_start3A_382] : memref<256x32xf32, #tpu.memory_space<vmem>> -> memref<1x32xf32, #tpu.memory_space<vmem>>
      %dma_start3A_384 = arith.constant 0 : i32
      %dma_start3A_385 = tpu.memref_slice %arg5[%squeeze3A_381, %dma_start3A_384] : memref<100000x32xf32, #tpu.memory_space<hbm>> -> memref<1x32xf32, #tpu.memory_space<hbm>>
      %dma_start3A_386 = arith.constant 0 : i32
      %dma_start3A_387 = tpu.memref_slice %arg10[%add3A_369, %dma_start3A_386] : memref<256x32xf32, #tpu.memory_space<vmem>> -> memref<1x32xf32, #tpu.memory_space<vmem>>
      %dma_start3A_388 = arith.constant 0 : i32
      %dma_start3A_389 = tpu.memref_slice %arg5[%squeeze3A_381, %dma_start3A_388] : memref<100000x32xf32, #tpu.memory_space<hbm>> -> memref<1x32xf32, #tpu.memory_space<hbm>>
      tpu.enqueue_dma source(%dma_start3A_389 : memref<1x32xf32, #tpu.memory_space<hbm>>) target(%dma_start3A_387 : memref<1x32xf32, #tpu.memory_space<vmem>>) target_semaphore(%arg13 : memref<!tpu.dma_semaphore, #tpu.memory_space<semaphore_mem>>)
      %mul3A_390 = arith.constant 16 : i32
      %mul3A_391 = arith.muli %scan3A_49, %mul3A_390 : i32
      %add3A_392 = arith.constant 14 : i32
      %add3A_393 = arith.addi %mul3A_391, %add3A_392 : i32
      %slice3A_394 = vector.extract_strided_slice %get3A_54 {offsets = [14], sizes = [1], strides = [1]} : vector<16xi32> to vector<1xi32>
      %squeeze3A_395 = vector.extract %slice3A_394[0] : i32 from vector<1xi32>
      %dma_start3A_396 = arith.constant 0 : i32
      %dma_start3A_397 = tpu.memref_slice %arg9[%add3A_393, %dma_start3A_396] : memref<256x32xf32, #tpu.memory_space<vmem>> -> memref<1x32xf32, #tpu.memory_space<vmem>>
      %dma_start3A_398 = arith.constant 0 : i32
      %dma_start3A_399 = tpu.memref_slice %arg4[%squeeze3A_395, %dma_start3A_398] : memref<1000000x32xf32, #tpu.memory_space<hbm>> -> memref<1x32xf32, #tpu.memory_space<hbm>>
      %dma_start3A_400 = arith.constant 0 : i32
      %dma_start3A_401 = tpu.memref_slice %arg9[%add3A_393, %dma_start3A_400] : memref<256x32xf32, #tpu.memory_space<vmem>> -> memref<1x32xf32, #tpu.memory_space<vmem>>
      %dma_start3A_402 = arith.constant 0 : i32
      %dma_start3A_403 = tpu.memref_slice %arg4[%squeeze3A_395, %dma_start3A_402] : memref<1000000x32xf32, #tpu.memory_space<hbm>> -> memref<1x32xf32, #tpu.memory_space<hbm>>
      tpu.enqueue_dma source(%dma_start3A_403 : memref<1x32xf32, #tpu.memory_space<hbm>>) target(%dma_start3A_401 : memref<1x32xf32, #tpu.memory_space<vmem>>) target_semaphore(%arg12 : memref<!tpu.dma_semaphore, #tpu.memory_space<semaphore_mem>>)
      %slice3A_404 = vector.extract_strided_slice %get3A_56 {offsets = [14], sizes = [1], strides = [1]} : vector<16xi32> to vector<1xi32>
      %squeeze3A_405 = vector.extract %slice3A_404[0] : i32 from vector<1xi32>
      %dma_start3A_406 = arith.constant 0 : i32
      %dma_start3A_407 = tpu.memref_slice %arg10[%add3A_393, %dma_start3A_406] : memref<256x32xf32, #tpu.memory_space<vmem>> -> memref<1x32xf32, #tpu.memory_space<vmem>>
      %dma_start3A_408 = arith.constant 0 : i32
      %dma_start3A_409 = tpu.memref_slice %arg5[%squeeze3A_405, %dma_start3A_408] : memref<100000x32xf32, #tpu.memory_space<hbm>> -> memref<1x32xf32, #tpu.memory_space<hbm>>
      %dma_start3A_410 = arith.constant 0 : i32
      %dma_start3A_411 = tpu.memref_slice %arg10[%add3A_393, %dma_start3A_410] : memref<256x32xf32, #tpu.memory_space<vmem>> -> memref<1x32xf32, #tpu.memory_space<vmem>>
      %dma_start3A_412 = arith.constant 0 : i32
      %dma_start3A_413 = tpu.memref_slice %arg5[%squeeze3A_405, %dma_start3A_412] : memref<100000x32xf32, #tpu.memory_space<hbm>> -> memref<1x32xf32, #tpu.memory_space<hbm>>
      tpu.enqueue_dma source(%dma_start3A_413 : memref<1x32xf32, #tpu.memory_space<hbm>>) target(%dma_start3A_411 : memref<1x32xf32, #tpu.memory_space<vmem>>) target_semaphore(%arg13 : memref<!tpu.dma_semaphore, #tpu.memory_space<semaphore_mem>>)
      %mul3A_414 = arith.constant 16 : i32
      %mul3A_415 = arith.muli %scan3A_49, %mul3A_414 : i32
      %add3A_416 = arith.constant 15 : i32
      %add3A_417 = arith.addi %mul3A_415, %add3A_416 : i32
      %slice3A_418 = vector.extract_strided_slice %get3A_54 {offsets = [15], sizes = [1], strides = [1]} : vector<16xi32> to vector<1xi32>
      %squeeze3A_419 = vector.extract %slice3A_418[0] : i32 from vector<1xi32>
      %dma_start3A_420 = arith.constant 0 : i32
      %dma_start3A_421 = tpu.memref_slice %arg9[%add3A_417, %dma_start3A_420] : memref<256x32xf32, #tpu.memory_space<vmem>> -> memref<1x32xf32, #tpu.memory_space<vmem>>
      %dma_start3A_422 = arith.constant 0 : i32
      %dma_start3A_423 = tpu.memref_slice %arg4[%squeeze3A_419, %dma_start3A_422] : memref<1000000x32xf32, #tpu.memory_space<hbm>> -> memref<1x32xf32, #tpu.memory_space<hbm>>
      %dma_start3A_424 = arith.constant 0 : i32
      %dma_start3A_425 = tpu.memref_slice %arg9[%add3A_417, %dma_start3A_424] : memref<256x32xf32, #tpu.memory_space<vmem>> -> memref<1x32xf32, #tpu.memory_space<vmem>>
      %dma_start3A_426 = arith.constant 0 : i32
      %dma_start3A_427 = tpu.memref_slice %arg4[%squeeze3A_419, %dma_start3A_426] : memref<1000000x32xf32, #tpu.memory_space<hbm>> -> memref<1x32xf32, #tpu.memory_space<hbm>>
      tpu.enqueue_dma source(%dma_start3A_427 : memref<1x32xf32, #tpu.memory_space<hbm>>) target(%dma_start3A_425 : memref<1x32xf32, #tpu.memory_space<vmem>>) target_semaphore(%arg12 : memref<!tpu.dma_semaphore, #tpu.memory_space<semaphore_mem>>)
      %slice3A_428 = vector.extract_strided_slice %get3A_56 {offsets = [15], sizes = [1], strides = [1]} : vector<16xi32> to vector<1xi32>
      %squeeze3A_429 = vector.extract %slice3A_428[0] : i32 from vector<1xi32>
      %dma_start3A_430 = arith.constant 0 : i32
      %dma_start3A_431 = tpu.memref_slice %arg10[%add3A_417, %dma_start3A_430] : memref<256x32xf32, #tpu.memory_space<vmem>> -> memref<1x32xf32, #tpu.memory_space<vmem>>
      %dma_start3A_432 = arith.constant 0 : i32
      %dma_start3A_433 = tpu.memref_slice %arg5[%squeeze3A_429, %dma_start3A_432] : memref<100000x32xf32, #tpu.memory_space<hbm>> -> memref<1x32xf32, #tpu.memory_space<hbm>>
      %dma_start3A_434 = arith.constant 0 : i32
      %dma_start3A_435 = tpu.memref_slice %arg10[%add3A_417, %dma_start3A_434] : memref<256x32xf32, #tpu.memory_space<vmem>> -> memref<1x32xf32, #tpu.memory_space<vmem>>
      %dma_start3A_436 = arith.constant 0 : i32
      %dma_start3A_437 = tpu.memref_slice %arg5[%squeeze3A_429, %dma_start3A_436] : memref<100000x32xf32, #tpu.memory_space<hbm>> -> memref<1x32xf32, #tpu.memory_space<hbm>>
      tpu.enqueue_dma source(%dma_start3A_437 : memref<1x32xf32, #tpu.memory_space<hbm>>) target(%dma_start3A_435 : memref<1x32xf32, #tpu.memory_space<vmem>>) target_semaphore(%arg13 : memref<!tpu.dma_semaphore, #tpu.memory_space<semaphore_mem>>)
    }
    %scan3A_30 = arith.constant 16 : i32
    %dma_wait3A_31 = arith.constant 0 : i32
    %dma_wait3A_32 = arith.constant 0 : i32
    %dma_wait3A_33 = tpu.memref_slice %arg4[%dma_wait3A_31, %dma_wait3A_32] : memref<1000000x32xf32, #tpu.memory_space<hbm>> -> memref<256x32xf32, #tpu.memory_space<hbm>>
    %dma_wait3A_34 = arith.constant 0 : i32
    %dma_wait3A_35 = arith.constant 0 : i32
    %dma_wait3A_36 = tpu.memref_slice %arg4[%dma_wait3A_34, %dma_wait3A_35] : memref<1000000x32xf32, #tpu.memory_space<hbm>> -> memref<256x32xf32, #tpu.memory_space<hbm>>
    tpu.wait_dma2 semaphore(%arg12 : memref<!tpu.dma_semaphore, #tpu.memory_space<semaphore_mem>>) src(%dma_wait3A_36 : memref<256x32xf32, #tpu.memory_space<hbm>>) dst(%arg9 : memref<256x32xf32, #tpu.memory_space<vmem>>)
    %dma_wait3A_37 = arith.constant 0 : i32
    %dma_wait3A_38 = arith.constant 0 : i32
    %dma_wait3A_39 = tpu.memref_slice %arg5[%dma_wait3A_37, %dma_wait3A_38] : memref<100000x32xf32, #tpu.memory_space<hbm>> -> memref<256x32xf32, #tpu.memory_space<hbm>>
    %dma_wait3A_40 = arith.constant 0 : i32
    %dma_wait3A_41 = arith.constant 0 : i32
    %dma_wait3A_42 = tpu.memref_slice %arg5[%dma_wait3A_40, %dma_wait3A_41] : memref<100000x32xf32, #tpu.memory_space<hbm>> -> memref<256x32xf32, #tpu.memory_space<hbm>>
    tpu.wait_dma2 semaphore(%arg13 : memref<!tpu.dma_semaphore, #tpu.memory_space<semaphore_mem>>) src(%dma_wait3A_42 : memref<256x32xf32, #tpu.memory_space<hbm>>) dst(%arg10 : memref<256x32xf32, #tpu.memory_space<vmem>>)
    %scan3A_43 = arith.constant 0 : i32
    %scan3A_44 = arith.constant 0 : i32
    %scan3A_45 = arith.constant 16 : i32
    %scan3A_46 = arith.addi %scan3A_44, %scan3A_45 : i32
    %scan3A_47 = arith.constant 1 : i32
    scf.for %scan3A_49 = %scan3A_44 to %scan3A_46 step %scan3A_47  : i32 {
      %mul3A_50 = arith.constant 16 : i32
      %mul3A_51 = arith.muli %scan3A_49, %mul3A_50 : i32
      %add3A_52 = vector.broadcast %mul3A_51 : i32 to vector<16xi32>
      %add3A_53 = arith.addi %iota3A, %add3A_52 : vector<16xi32>
      %broadcast_in_dim3A = arith.constant 0.000000e+00 : f32
      %broadcast_in_dim3A_54 = vector.broadcast %broadcast_in_dim3A : f32 to vector<16xf32>
      %broadcast_in_dim3A_55 = arith.constant 0 : i32
      %broadcast_in_dim3A_56 = vector.broadcast %broadcast_in_dim3A_55 : i32 to vector<16xi32>
      %gather3A = tpu.vector_load_idx %arg9[%add3A_53, %broadcast_in_dim3A_56] : memref<256x32xf32, #tpu.memory_space<vmem>>[vector<16xi32>, vector<16xi32>], vector<16xf32>,
      %gather3A_57 = tpu.vector_load_idx %arg10[%add3A_53, %broadcast_in_dim3A_56] : memref<256x32xf32, #tpu.memory_space<vmem>>[vector<16xi32>, vector<16xi32>], vector<16xf32>,
      %mul3A_58 = arith.mulf %gather3A, %gather3A_57 : vector<16xf32>
      %add3A_59 = arith.addf %broadcast_in_dim3A_54, %mul3A_58 : vector<16xf32>
      %broadcast_in_dim3A_60 = arith.constant 1 : i32
      %broadcast_in_dim3A_61 = vector.broadcast %broadcast_in_dim3A_60 : i32 to vector<16xi32>
      %gather3A_62 = tpu.vector_load_idx %arg9[%add3A_53, %broadcast_in_dim3A_61] : memref<256x32xf32, #tpu.memory_space<vmem>>[vector<16xi32>, vector<16xi32>], vector<16xf32>,
      %gather3A_63 = tpu.vector_load_idx %arg10[%add3A_53, %broadcast_in_dim3A_61] : memref<256x32xf32, #tpu.memory_space<vmem>>[vector<16xi32>, vector<16xi32>], vector<16xf32>,
      %mul3A_64 = arith.mulf %gather3A_62, %gather3A_63 : vector<16xf32>
      %add3A_65 = arith.addf %add3A_59, %mul3A_64 : vector<16xf32>
      %broadcast_in_dim3A_66 = arith.constant 2 : i32
      %broadcast_in_dim3A_67 = vector.broadcast %broadcast_in_dim3A_66 : i32 to vector<16xi32>
      %gather3A_68 = tpu.vector_load_idx %arg9[%add3A_53, %broadcast_in_dim3A_67] : memref<256x32xf32, #tpu.memory_space<vmem>>[vector<16xi32>, vector<16xi32>], vector<16xf32>,
      %gather3A_69 = tpu.vector_load_idx %arg10[%add3A_53, %broadcast_in_dim3A_67] : memref<256x32xf32, #tpu.memory_space<vmem>>[vector<16xi32>, vector<16xi32>], vector<16xf32>,
      %mul3A_70 = arith.mulf %gather3A_68, %gather3A_69 : vector<16xf32>
      %add3A_71 = arith.addf %add3A_65, %mul3A_70 : vector<16xf32>
      %broadcast_in_dim3A_72 = arith.constant 3 : i32
      %broadcast_in_dim3A_73 = vector.broadcast %broadcast_in_dim3A_72 : i32 to vector<16xi32>
      %gather3A_74 = tpu.vector_load_idx %arg9[%add3A_53, %broadcast_in_dim3A_73] : memref<256x32xf32, #tpu.memory_space<vmem>>[vector<16xi32>, vector<16xi32>], vector<16xf32>,
      %gather3A_75 = tpu.vector_load_idx %arg10[%add3A_53, %broadcast_in_dim3A_73] : memref<256x32xf32, #tpu.memory_space<vmem>>[vector<16xi32>, vector<16xi32>], vector<16xf32>,
      %mul3A_76 = arith.mulf %gather3A_74, %gather3A_75 : vector<16xf32>
      %add3A_77 = arith.addf %add3A_71, %mul3A_76 : vector<16xf32>
      %broadcast_in_dim3A_78 = arith.constant 4 : i32
      %broadcast_in_dim3A_79 = vector.broadcast %broadcast_in_dim3A_78 : i32 to vector<16xi32>
      %gather3A_80 = tpu.vector_load_idx %arg9[%add3A_53, %broadcast_in_dim3A_79] : memref<256x32xf32, #tpu.memory_space<vmem>>[vector<16xi32>, vector<16xi32>], vector<16xf32>,
      %gather3A_81 = tpu.vector_load_idx %arg10[%add3A_53, %broadcast_in_dim3A_79] : memref<256x32xf32, #tpu.memory_space<vmem>>[vector<16xi32>, vector<16xi32>], vector<16xf32>,
      %mul3A_82 = arith.mulf %gather3A_80, %gather3A_81 : vector<16xf32>
      %add3A_83 = arith.addf %add3A_77, %mul3A_82 : vector<16xf32>
      %broadcast_in_dim3A_84 = arith.constant 5 : i32
      %broadcast_in_dim3A_85 = vector.broadcast %broadcast_in_dim3A_84 : i32 to vector<16xi32>
      %gather3A_86 = tpu.vector_load_idx %arg9[%add3A_53, %broadcast_in_dim3A_85] : memref<256x32xf32, #tpu.memory_space<vmem>>[vector<16xi32>, vector<16xi32>], vector<16xf32>,
      %gather3A_87 = tpu.vector_load_idx %arg10[%add3A_53, %broadcast_in_dim3A_85] : memref<256x32xf32, #tpu.memory_space<vmem>>[vector<16xi32>, vector<16xi32>], vector<16xf32>,
      %mul3A_88 = arith.mulf %gather3A_86, %gather3A_87 : vector<16xf32>
      %add3A_89 = arith.addf %add3A_83, %mul3A_88 : vector<16xf32>
      %broadcast_in_dim3A_90 = arith.constant 6 : i32
      %broadcast_in_dim3A_91 = vector.broadcast %broadcast_in_dim3A_90 : i32 to vector<16xi32>
      %gather3A_92 = tpu.vector_load_idx %arg9[%add3A_53, %broadcast_in_dim3A_91] : memref<256x32xf32, #tpu.memory_space<vmem>>[vector<16xi32>, vector<16xi32>], vector<16xf32>,
      %gather3A_93 = tpu.vector_load_idx %arg10[%add3A_53, %broadcast_in_dim3A_91] : memref<256x32xf32, #tpu.memory_space<vmem>>[vector<16xi32>, vector<16xi32>], vector<16xf32>,
      %mul3A_94 = arith.mulf %gather3A_92, %gather3A_93 : vector<16xf32>
      %add3A_95 = arith.addf %add3A_89, %mul3A_94 : vector<16xf32>
      %broadcast_in_dim3A_96 = arith.constant 7 : i32
      %broadcast_in_dim3A_97 = vector.broadcast %broadcast_in_dim3A_96 : i32 to vector<16xi32>
      %gather3A_98 = tpu.vector_load_idx %arg9[%add3A_53, %broadcast_in_dim3A_97] : memref<256x32xf32, #tpu.memory_space<vmem>>[vector<16xi32>, vector<16xi32>], vector<16xf32>,
      %gather3A_99 = tpu.vector_load_idx %arg10[%add3A_53, %broadcast_in_dim3A_97] : memref<256x32xf32, #tpu.memory_space<vmem>>[vector<16xi32>, vector<16xi32>], vector<16xf32>,
      %mul3A_100 = arith.mulf %gather3A_98, %gather3A_99 : vector<16xf32>
      %add3A_101 = arith.addf %add3A_95, %mul3A_100 : vector<16xf32>
      %broadcast_in_dim3A_102 = arith.constant 8 : i32
      %broadcast_in_dim3A_103 = vector.broadcast %broadcast_in_dim3A_102 : i32 to vector<16xi32>
      %gather3A_104 = tpu.vector_load_idx %arg9[%add3A_53, %broadcast_in_dim3A_103] : memref<256x32xf32, #tpu.memory_space<vmem>>[vector<16xi32>, vector<16xi32>], vector<16xf32>,
      %gather3A_105 = tpu.vector_load_idx %arg10[%add3A_53, %broadcast_in_dim3A_103] : memref<256x32xf32, #tpu.memory_space<vmem>>[vector<16xi32>, vector<16xi32>], vector<16xf32>,
      %mul3A_106 = arith.mulf %gather3A_104, %gather3A_105 : vector<16xf32>
      %add3A_107 = arith.addf %add3A_101, %mul3A_106 : vector<16xf32>
      %broadcast_in_dim3A_108 = arith.constant 9 : i32
      %broadcast_in_dim3A_109 = vector.broadcast %broadcast_in_dim3A_108 : i32 to vector<16xi32>
      %gather3A_110 = tpu.vector_load_idx %arg9[%add3A_53, %broadcast_in_dim3A_109] : memref<256x32xf32, #tpu.memory_space<vmem>>[vector<16xi32>, vector<16xi32>], vector<16xf32>,
      %gather3A_111 = tpu.vector_load_idx %arg10[%add3A_53, %broadcast_in_dim3A_109] : memref<256x32xf32, #tpu.memory_space<vmem>>[vector<16xi32>, vector<16xi32>], vector<16xf32>,
      %mul3A_112 = arith.mulf %gather3A_110, %gather3A_111 : vector<16xf32>
      %add3A_113 = arith.addf %add3A_107, %mul3A_112 : vector<16xf32>
      %broadcast_in_dim3A_114 = arith.constant 10 : i32
      %broadcast_in_dim3A_115 = vector.broadcast %broadcast_in_dim3A_114 : i32 to vector<16xi32>
      %gather3A_116 = tpu.vector_load_idx %arg9[%add3A_53, %broadcast_in_dim3A_115] : memref<256x32xf32, #tpu.memory_space<vmem>>[vector<16xi32>, vector<16xi32>], vector<16xf32>,
      %gather3A_117 = tpu.vector_load_idx %arg10[%add3A_53, %broadcast_in_dim3A_115] : memref<256x32xf32, #tpu.memory_space<vmem>>[vector<16xi32>, vector<16xi32>], vector<16xf32>,
      %mul3A_118 = arith.mulf %gather3A_116, %gather3A_117 : vector<16xf32>
      %add3A_119 = arith.addf %add3A_113, %mul3A_118 : vector<16xf32>
      %broadcast_in_dim3A_120 = arith.constant 11 : i32
      %broadcast_in_dim3A_121 = vector.broadcast %broadcast_in_dim3A_120 : i32 to vector<16xi32>
      %gather3A_122 = tpu.vector_load_idx %arg9[%add3A_53, %broadcast_in_dim3A_121] : memref<256x32xf32, #tpu.memory_space<vmem>>[vector<16xi32>, vector<16xi32>], vector<16xf32>,
      %gather3A_123 = tpu.vector_load_idx %arg10[%add3A_53, %broadcast_in_dim3A_121] : memref<256x32xf32, #tpu.memory_space<vmem>>[vector<16xi32>, vector<16xi32>], vector<16xf32>,
      %mul3A_124 = arith.mulf %gather3A_122, %gather3A_123 : vector<16xf32>
      %add3A_125 = arith.addf %add3A_119, %mul3A_124 : vector<16xf32>
      %broadcast_in_dim3A_126 = arith.constant 12 : i32
      %broadcast_in_dim3A_127 = vector.broadcast %broadcast_in_dim3A_126 : i32 to vector<16xi32>
      %gather3A_128 = tpu.vector_load_idx %arg9[%add3A_53, %broadcast_in_dim3A_127] : memref<256x32xf32, #tpu.memory_space<vmem>>[vector<16xi32>, vector<16xi32>], vector<16xf32>,
      %gather3A_129 = tpu.vector_load_idx %arg10[%add3A_53, %broadcast_in_dim3A_127] : memref<256x32xf32, #tpu.memory_space<vmem>>[vector<16xi32>, vector<16xi32>], vector<16xf32>,
      %mul3A_130 = arith.mulf %gather3A_128, %gather3A_129 : vector<16xf32>
      %add3A_131 = arith.addf %add3A_125, %mul3A_130 : vector<16xf32>
      %broadcast_in_dim3A_132 = arith.constant 13 : i32
      %broadcast_in_dim3A_133 = vector.broadcast %broadcast_in_dim3A_132 : i32 to vector<16xi32>
      %gather3A_134 = tpu.vector_load_idx %arg9[%add3A_53, %broadcast_in_dim3A_133] : memref<256x32xf32, #tpu.memory_space<vmem>>[vector<16xi32>, vector<16xi32>], vector<16xf32>,
      %gather3A_135 = tpu.vector_load_idx %arg10[%add3A_53, %broadcast_in_dim3A_133] : memref<256x32xf32, #tpu.memory_space<vmem>>[vector<16xi32>, vector<16xi32>], vector<16xf32>,
      %mul3A_136 = arith.mulf %gather3A_134, %gather3A_135 : vector<16xf32>
      %add3A_137 = arith.addf %add3A_131, %mul3A_136 : vector<16xf32>
      %broadcast_in_dim3A_138 = arith.constant 14 : i32
      %broadcast_in_dim3A_139 = vector.broadcast %broadcast_in_dim3A_138 : i32 to vector<16xi32>
      %gather3A_140 = tpu.vector_load_idx %arg9[%add3A_53, %broadcast_in_dim3A_139] : memref<256x32xf32, #tpu.memory_space<vmem>>[vector<16xi32>, vector<16xi32>], vector<16xf32>,
      %gather3A_141 = tpu.vector_load_idx %arg10[%add3A_53, %broadcast_in_dim3A_139] : memref<256x32xf32, #tpu.memory_space<vmem>>[vector<16xi32>, vector<16xi32>], vector<16xf32>,
      %mul3A_142 = arith.mulf %gather3A_140, %gather3A_141 : vector<16xf32>
      %add3A_143 = arith.addf %add3A_137, %mul3A_142 : vector<16xf32>
      %broadcast_in_dim3A_144 = arith.constant 15 : i32
      %broadcast_in_dim3A_145 = vector.broadcast %broadcast_in_dim3A_144 : i32 to vector<16xi32>
      %gather3A_146 = tpu.vector_load_idx %arg9[%add3A_53, %broadcast_in_dim3A_145] : memref<256x32xf32, #tpu.memory_space<vmem>>[vector<16xi32>, vector<16xi32>], vector<16xf32>,
      %gather3A_147 = tpu.vector_load_idx %arg10[%add3A_53, %broadcast_in_dim3A_145] : memref<256x32xf32, #tpu.memory_space<vmem>>[vector<16xi32>, vector<16xi32>], vector<16xf32>,
      %mul3A_148 = arith.mulf %gather3A_146, %gather3A_147 : vector<16xf32>
      %add3A_149 = arith.addf %add3A_143, %mul3A_148 : vector<16xf32>
      %broadcast_in_dim3A_150 = arith.constant 16 : i32
      %broadcast_in_dim3A_151 = vector.broadcast %broadcast_in_dim3A_150 : i32 to vector<16xi32>
      %gather3A_152 = tpu.vector_load_idx %arg9[%add3A_53, %broadcast_in_dim3A_151] : memref<256x32xf32, #tpu.memory_space<vmem>>[vector<16xi32>, vector<16xi32>], vector<16xf32>,
      %gather3A_153 = tpu.vector_load_idx %arg10[%add3A_53, %broadcast_in_dim3A_151] : memref<256x32xf32, #tpu.memory_space<vmem>>[vector<16xi32>, vector<16xi32>], vector<16xf32>,
      %mul3A_154 = arith.mulf %gather3A_152, %gather3A_153 : vector<16xf32>
      %add3A_155 = arith.addf %add3A_149, %mul3A_154 : vector<16xf32>
      %broadcast_in_dim3A_156 = arith.constant 17 : i32
      %broadcast_in_dim3A_157 = vector.broadcast %broadcast_in_dim3A_156 : i32 to vector<16xi32>
      %gather3A_158 = tpu.vector_load_idx %arg9[%add3A_53, %broadcast_in_dim3A_157] : memref<256x32xf32, #tpu.memory_space<vmem>>[vector<16xi32>, vector<16xi32>], vector<16xf32>,
      %gather3A_159 = tpu.vector_load_idx %arg10[%add3A_53, %broadcast_in_dim3A_157] : memref<256x32xf32, #tpu.memory_space<vmem>>[vector<16xi32>, vector<16xi32>], vector<16xf32>,
      %mul3A_160 = arith.mulf %gather3A_158, %gather3A_159 : vector<16xf32>
      %add3A_161 = arith.addf %add3A_155, %mul3A_160 : vector<16xf32>
      %broadcast_in_dim3A_162 = arith.constant 18 : i32
      %broadcast_in_dim3A_163 = vector.broadcast %broadcast_in_dim3A_162 : i32 to vector<16xi32>
      %gather3A_164 = tpu.vector_load_idx %arg9[%add3A_53, %broadcast_in_dim3A_163] : memref<256x32xf32, #tpu.memory_space<vmem>>[vector<16xi32>, vector<16xi32>], vector<16xf32>,
      %gather3A_165 = tpu.vector_load_idx %arg10[%add3A_53, %broadcast_in_dim3A_163] : memref<256x32xf32, #tpu.memory_space<vmem>>[vector<16xi32>, vector<16xi32>], vector<16xf32>,
      %mul3A_166 = arith.mulf %gather3A_164, %gather3A_165 : vector<16xf32>
      %add3A_167 = arith.addf %add3A_161, %mul3A_166 : vector<16xf32>
      %broadcast_in_dim3A_168 = arith.constant 19 : i32
      %broadcast_in_dim3A_169 = vector.broadcast %broadcast_in_dim3A_168 : i32 to vector<16xi32>
      %gather3A_170 = tpu.vector_load_idx %arg9[%add3A_53, %broadcast_in_dim3A_169] : memref<256x32xf32, #tpu.memory_space<vmem>>[vector<16xi32>, vector<16xi32>], vector<16xf32>,
      %gather3A_171 = tpu.vector_load_idx %arg10[%add3A_53, %broadcast_in_dim3A_169] : memref<256x32xf32, #tpu.memory_space<vmem>>[vector<16xi32>, vector<16xi32>], vector<16xf32>,
      %mul3A_172 = arith.mulf %gather3A_170, %gather3A_171 : vector<16xf32>
      %add3A_173 = arith.addf %add3A_167, %mul3A_172 : vector<16xf32>
      %broadcast_in_dim3A_174 = arith.constant 20 : i32
      %broadcast_in_dim3A_175 = vector.broadcast %broadcast_in_dim3A_174 : i32 to vector<16xi32>
      %gather3A_176 = tpu.vector_load_idx %arg9[%add3A_53, %broadcast_in_dim3A_175] : memref<256x32xf32, #tpu.memory_space<vmem>>[vector<16xi32>, vector<16xi32>], vector<16xf32>,
      %gather3A_177 = tpu.vector_load_idx %arg10[%add3A_53, %broadcast_in_dim3A_175] : memref<256x32xf32, #tpu.memory_space<vmem>>[vector<16xi32>, vector<16xi32>], vector<16xf32>,
      %mul3A_178 = arith.mulf %gather3A_176, %gather3A_177 : vector<16xf32>
      %add3A_179 = arith.addf %add3A_173, %mul3A_178 : vector<16xf32>
      %broadcast_in_dim3A_180 = arith.constant 21 : i32
      %broadcast_in_dim3A_181 = vector.broadcast %broadcast_in_dim3A_180 : i32 to vector<16xi32>
      %gather3A_182 = tpu.vector_load_idx %arg9[%add3A_53, %broadcast_in_dim3A_181] : memref<256x32xf32, #tpu.memory_space<vmem>>[vector<16xi32>, vector<16xi32>], vector<16xf32>,
      %gather3A_183 = tpu.vector_load_idx %arg10[%add3A_53, %broadcast_in_dim3A_181] : memref<256x32xf32, #tpu.memory_space<vmem>>[vector<16xi32>, vector<16xi32>], vector<16xf32>,
      %mul3A_184 = arith.mulf %gather3A_182, %gather3A_183 : vector<16xf32>
      %add3A_185 = arith.addf %add3A_179, %mul3A_184 : vector<16xf32>
      %broadcast_in_dim3A_186 = arith.constant 22 : i32
      %broadcast_in_dim3A_187 = vector.broadcast %broadcast_in_dim3A_186 : i32 to vector<16xi32>
      %gather3A_188 = tpu.vector_load_idx %arg9[%add3A_53, %broadcast_in_dim3A_187] : memref<256x32xf32, #tpu.memory_space<vmem>>[vector<16xi32>, vector<16xi32>], vector<16xf32>,
      %gather3A_189 = tpu.vector_load_idx %arg10[%add3A_53, %broadcast_in_dim3A_187] : memref<256x32xf32, #tpu.memory_space<vmem>>[vector<16xi32>, vector<16xi32>], vector<16xf32>,
      %mul3A_190 = arith.mulf %gather3A_188, %gather3A_189 : vector<16xf32>
      %add3A_191 = arith.addf %add3A_185, %mul3A_190 : vector<16xf32>
      %broadcast_in_dim3A_192 = arith.constant 23 : i32
      %broadcast_in_dim3A_193 = vector.broadcast %broadcast_in_dim3A_192 : i32 to vector<16xi32>
      %gather3A_194 = tpu.vector_load_idx %arg9[%add3A_53, %broadcast_in_dim3A_193] : memref<256x32xf32, #tpu.memory_space<vmem>>[vector<16xi32>, vector<16xi32>], vector<16xf32>,
      %gather3A_195 = tpu.vector_load_idx %arg10[%add3A_53, %broadcast_in_dim3A_193] : memref<256x32xf32, #tpu.memory_space<vmem>>[vector<16xi32>, vector<16xi32>], vector<16xf32>,
      %mul3A_196 = arith.mulf %gather3A_194, %gather3A_195 : vector<16xf32>
      %add3A_197 = arith.addf %add3A_191, %mul3A_196 : vector<16xf32>
      %broadcast_in_dim3A_198 = arith.constant 24 : i32
      %broadcast_in_dim3A_199 = vector.broadcast %broadcast_in_dim3A_198 : i32 to vector<16xi32>
      %gather3A_200 = tpu.vector_load_idx %arg9[%add3A_53, %broadcast_in_dim3A_199] : memref<256x32xf32, #tpu.memory_space<vmem>>[vector<16xi32>, vector<16xi32>], vector<16xf32>,
      %gather3A_201 = tpu.vector_load_idx %arg10[%add3A_53, %broadcast_in_dim3A_199] : memref<256x32xf32, #tpu.memory_space<vmem>>[vector<16xi32>, vector<16xi32>], vector<16xf32>,
      %mul3A_202 = arith.mulf %gather3A_200, %gather3A_201 : vector<16xf32>
      %add3A_203 = arith.addf %add3A_197, %mul3A_202 : vector<16xf32>
      %broadcast_in_dim3A_204 = arith.constant 25 : i32
      %broadcast_in_dim3A_205 = vector.broadcast %broadcast_in_dim3A_204 : i32 to vector<16xi32>
      %gather3A_206 = tpu.vector_load_idx %arg9[%add3A_53, %broadcast_in_dim3A_205] : memref<256x32xf32, #tpu.memory_space<vmem>>[vector<16xi32>, vector<16xi32>], vector<16xf32>,
      %gather3A_207 = tpu.vector_load_idx %arg10[%add3A_53, %broadcast_in_dim3A_205] : memref<256x32xf32, #tpu.memory_space<vmem>>[vector<16xi32>, vector<16xi32>], vector<16xf32>,
      %mul3A_208 = arith.mulf %gather3A_206, %gather3A_207 : vector<16xf32>
      %add3A_209 = arith.addf %add3A_203, %mul3A_208 : vector<16xf32>
      %broadcast_in_dim3A_210 = arith.constant 26 : i32
      %broadcast_in_dim3A_211 = vector.broadcast %broadcast_in_dim3A_210 : i32 to vector<16xi32>
      %gather3A_212 = tpu.vector_load_idx %arg9[%add3A_53, %broadcast_in_dim3A_211] : memref<256x32xf32, #tpu.memory_space<vmem>>[vector<16xi32>, vector<16xi32>], vector<16xf32>,
      %gather3A_213 = tpu.vector_load_idx %arg10[%add3A_53, %broadcast_in_dim3A_211] : memref<256x32xf32, #tpu.memory_space<vmem>>[vector<16xi32>, vector<16xi32>], vector<16xf32>,
      %mul3A_214 = arith.mulf %gather3A_212, %gather3A_213 : vector<16xf32>
      %add3A_215 = arith.addf %add3A_209, %mul3A_214 : vector<16xf32>
      %broadcast_in_dim3A_216 = arith.constant 27 : i32
      %broadcast_in_dim3A_217 = vector.broadcast %broadcast_in_dim3A_216 : i32 to vector<16xi32>
      %gather3A_218 = tpu.vector_load_idx %arg9[%add3A_53, %broadcast_in_dim3A_217] : memref<256x32xf32, #tpu.memory_space<vmem>>[vector<16xi32>, vector<16xi32>], vector<16xf32>,
      %gather3A_219 = tpu.vector_load_idx %arg10[%add3A_53, %broadcast_in_dim3A_217] : memref<256x32xf32, #tpu.memory_space<vmem>>[vector<16xi32>, vector<16xi32>], vector<16xf32>,
      %mul3A_220 = arith.mulf %gather3A_218, %gather3A_219 : vector<16xf32>
      %add3A_221 = arith.addf %add3A_215, %mul3A_220 : vector<16xf32>
      %broadcast_in_dim3A_222 = arith.constant 28 : i32
      %broadcast_in_dim3A_223 = vector.broadcast %broadcast_in_dim3A_222 : i32 to vector<16xi32>
      %gather3A_224 = tpu.vector_load_idx %arg9[%add3A_53, %broadcast_in_dim3A_223] : memref<256x32xf32, #tpu.memory_space<vmem>>[vector<16xi32>, vector<16xi32>], vector<16xf32>,
      %gather3A_225 = tpu.vector_load_idx %arg10[%add3A_53, %broadcast_in_dim3A_223] : memref<256x32xf32, #tpu.memory_space<vmem>>[vector<16xi32>, vector<16xi32>], vector<16xf32>,
      %mul3A_226 = arith.mulf %gather3A_224, %gather3A_225 : vector<16xf32>
      %add3A_227 = arith.addf %add3A_221, %mul3A_226 : vector<16xf32>
      %broadcast_in_dim3A_228 = arith.constant 29 : i32
      %broadcast_in_dim3A_229 = vector.broadcast %broadcast_in_dim3A_228 : i32 to vector<16xi32>
      %gather3A_230 = tpu.vector_load_idx %arg9[%add3A_53, %broadcast_in_dim3A_229] : memref<256x32xf32, #tpu.memory_space<vmem>>[vector<16xi32>, vector<16xi32>], vector<16xf32>,
      %gather3A_231 = tpu.vector_load_idx %arg10[%add3A_53, %broadcast_in_dim3A_229] : memref<256x32xf32, #tpu.memory_space<vmem>>[vector<16xi32>, vector<16xi32>], vector<16xf32>,
      %mul3A_232 = arith.mulf %gather3A_230, %gather3A_231 : vector<16xf32>
      %add3A_233 = arith.addf %add3A_227, %mul3A_232 : vector<16xf32>
      %broadcast_in_dim3A_234 = arith.constant 30 : i32
      %broadcast_in_dim3A_235 = vector.broadcast %broadcast_in_dim3A_234 : i32 to vector<16xi32>
      %gather3A_236 = tpu.vector_load_idx %arg9[%add3A_53, %broadcast_in_dim3A_235] : memref<256x32xf32, #tpu.memory_space<vmem>>[vector<16xi32>, vector<16xi32>], vector<16xf32>,
      %gather3A_237 = tpu.vector_load_idx %arg10[%add3A_53, %broadcast_in_dim3A_235] : memref<256x32xf32, #tpu.memory_space<vmem>>[vector<16xi32>, vector<16xi32>], vector<16xf32>,
      %mul3A_238 = arith.mulf %gather3A_236, %gather3A_237 : vector<16xf32>
      %add3A_239 = arith.addf %add3A_233, %mul3A_238 : vector<16xf32>
      %broadcast_in_dim3A_240 = arith.constant 31 : i32
      %broadcast_in_dim3A_241 = vector.broadcast %broadcast_in_dim3A_240 : i32 to vector<16xi32>
      %gather3A_242 = tpu.vector_load_idx %arg9[%add3A_53, %broadcast_in_dim3A_241] : memref<256x32xf32, #tpu.memory_space<vmem>>[vector<16xi32>, vector<16xi32>], vector<16xf32>,
      %gather3A_243 = tpu.vector_load_idx %arg10[%add3A_53, %broadcast_in_dim3A_241] : memref<256x32xf32, #tpu.memory_space<vmem>>[vector<16xi32>, vector<16xi32>], vector<16xf32>,
      %mul3A_244 = arith.mulf %gather3A_242, %gather3A_243 : vector<16xf32>
      %add3A_245 = arith.addf %add3A_239, %mul3A_244 : vector<16xf32>
      %mul3A_246 = arith.constant 16 : i32
      %mul3A_247 = arith.muli %scan3A_49, %mul3A_246 : i32
      %add3A_248 = arith.constant 256 : i32
      %add3A_249 = arith.addi %add3A_248, %mul3A_247 : i32
      %swap3A = arith.index_cast %add3A_249 : i32 to index
      %swap3A_250 = tpu.vector_load %arg11[%swap3A] {strides = array<i32>} : memref<512xf32, #tpu.memory_space<vmem>>, vector<16xf32>,
      tpu.vector_store %arg11[%swap3A], %add3A_245 {strides = array<i32>} : memref<512xf32, #tpu.memory_space<vmem>>, vector<16xf32>,
    }
    %scan3A_48 = arith.constant 16 : i32
    "tpu.region"() ({
      %run_scoped3A = tpu.sem_alloc : memref<!tpu.dma_semaphore, #tpu.memory_space<semaphore_mem>>
      %dma_start3A = tpu.memref_slice %arg6[%mul3A_2] : memref<16384xf32, #tpu.memory_space<hbm>> -> memref<512xf32, #tpu.memory_space<hbm>>
      %dma_start3A_49 = tpu.memref_slice %arg6[%mul3A_2] : memref<16384xf32, #tpu.memory_space<hbm>> -> memref<512xf32, #tpu.memory_space<hbm>>
      tpu.enqueue_dma source(%arg11 : memref<512xf32, #tpu.memory_space<vmem>>) target(%dma_start3A_49 : memref<512xf32, #tpu.memory_space<hbm>>) target_semaphore(%run_scoped3A : memref<!tpu.dma_semaphore, #tpu.memory_space<semaphore_mem>>)
      %dma_wait3A_50 = tpu.memref_slice %arg6[%mul3A_2] : memref<16384xf32, #tpu.memory_space<hbm>> -> memref<512xf32, #tpu.memory_space<hbm>>
      %dma_wait3A_51 = tpu.memref_slice %arg6[%mul3A_2] : memref<16384xf32, #tpu.memory_space<hbm>> -> memref<512xf32, #tpu.memory_space<hbm>>
      tpu.wait_dma2 semaphore(%run_scoped3A : memref<!tpu.dma_semaphore, #tpu.memory_space<semaphore_mem>>) src(%arg11 : memref<512xf32, #tpu.memory_space<vmem>>) dst(%dma_wait3A_51 : memref<512xf32, #tpu.memory_space<hbm>>)
      tpu.yield
    }) : () -> ()
    return
  }
}

</mosaic_0001>

<sc_bundles>
// kernel: kernel.3.cloned.1.call-start
scs
__scs_entry_jumppad:
0x0: {  	(pc) =	sbr.rel $0x88, $3  }
0x1: {  	(tag) =	ssettag $0x0;
	lr =	simm.s32 $0x1  }
0x2: {  	[smem:$0x3F9D] =	sst lr;
	_ =	strace $0xD0000000  }
0x3: {  	_ = 	snop  }
0x4: {  	_ = 	snop  }
0x5: {  	_ = 	snop  }
0x6: {  	_ = 	snop  }
0x7: {  	_ = 	snop  }
__scs_overlays_trampoline_lowered:
0x8: {  	[smem:$0x3FAC] =	sst s0  }
0x9: {  	[smem:$0x3FAD] =	sst s1  }
0xa: {  	[smem:$0x3FAE] =	sst s2  }
0xb: {  	[smem:$0x3FAF] =	sst s3  }
0xc: {  	[smem:$0x3FB0] =	sst s4  }
0xd: {  	[smem:$0x3FB1] =	sst s5  }
0xe: {  	[smem:$0x3FB2] =	sst s6  }
0xf: {  	[smem:$0x3FB3] =	sst s7  }
0x10: {  	[smem:$0x3FB4] =	sst s8  }
0x11: {  	[smem:$0x3FB5] =	sst s9;
	s0 =	simm.s32 @!p0 $0x0  }
0x12: {  	s1 =	sld [smem:$0x3F9B];
	s0 =	simm.s32 @p0 $0x1  }
0x13: {  	[smem:$0x3FB6] =	sst s0;
	s0 =	simm.s32 @!p1 $0x0  }
0x14: {  	s2 =	sld [smem:$0x3F9A];
	s0 =	simm.s32 @p1 $0x1  }
0x15: {  	[smem:$0x3FB7] =	sst s0;
	s0 =	simm.s32 @!p2 $0x0  }
0x16: {  	s3 =	sld [smem:$0x3FDB];
	s0 =	simm.s32 @p2 $0x1  }
0x17: {  	s4 =	simm.s32 $0x1BF5;
	[smem:$0x3FB9] =	sst s0  }
0x18: {  	s0 =	sld [smem:$0x3F9C];
	_ =	swait.ge [sflag:s4], $0x0  }
0x19: {  	s7 =	sld [smem:$0x3F9D]  }
0x1a: {  	s8 =	sadd.s32 $0xFFFFE003, lr  }
0x1b: {  	s9 =	sadd.s32 $0xFFFFFEF7, lr;
	s5 =	simm.s32 $0xFFFFFFFF;
	p2 =	slt.u32 s8, $0xFFFFF086  }
0x1c: {  	p1 =	slt.u32 s9, $0xF7A;
	s5 =	simm.s32 @!p2 $0x0  }
0x1d: {  	s5 =	simm.s32 @p1 $0x1;
	p0 =	seq.s32 s7, s2  }
0x1e: {  	s7 =	smul.u32 @!p0 $0xF7A, s2;
	p2 =	seq.s32 @!p0 s5, $0x0  }
0x1f: {  	s9 =	smul.u32 $0xF7A, s1;
	s8 =	simm.s32 @!p0 $0x1BF5;
	p2 =	por !p2, p0  }
0x20: {  	[sflag:s8] =	ssyncset.s32 @!p0 $0xFFFFF086;
	s6 =	sadd.s32 @!p0 s3, s7;
	s7 =	simm.s32 @!p0 $0x108  }
0x21: {  	s3 =	sadd.s32 s3, s9;
	s6 =	sadd.s32 @!p0 $0x88, s6;
	s7 =	simm.s32 @p2 $0x1082  }
0x22: {  	[simem:s7], [sflag:s8] =	dma.local @!p0 [hbm:s6], $0xF7A  }
0x23: {  	s9 =	sor.u32 $0xD0000000, s2;
	s6 =	simm.s32 $0x108;
	_ =	swait.ge @!p0 [sflag:s8], $0x0  }
0x24: {  	s3 =	sadd.s32 $0x88, s3;
	s6 =	simm.s32 @!p1 $0x1082;
	[sflag:s4] =	ssyncset.s32 $0xFFFFF086  }
0x25: {  	[simem:s6], [sflag:s4] =	dma.local [hbm:s3], $0xF7A  }
0x26: {  	[smem:$0x3F9D] =	sst s1;
	(tag) =	ssettag s2;
	_ =	strace s9  }
0x27: {  	s1 =	sld [smem:$0x3FAD]  }
0x28: {  	s2 =	sld [smem:$0x3FAE]  }
0x29: {  	s4 =	sld [smem:$0x3FB0]  }
0x2a: {  	p0 =	seq.s32 s5, $0x0;
	s5 =	sld [smem:$0x3FB1]  }
0x2b: {  	s6 =	sld [smem:$0x3FB2]  }
0x2c: {  	s7 =	sld [smem:$0x3FB3]  }
0x2d: {  	s3 =	simm.s32 $0x108;
	s8 =	sld [smem:$0x3FB4]  }
0x2e: {  	s3 =	simm.s32 @!p0 $0x1082;
	s9 =	sld [smem:$0x3FB5]  }
0x2f: {  	lr =	sadd.s32 s0, s3;
	s0 =	sld [smem:$0x3FAC]  }
0x30: {  	s3 =	sld [smem:$0x3FAF]  }
0x31: {  	[smem:$0x3FB8] =	sst s10  }
0x32: {  	s10 =	sld [smem:$0x3FB6];
	_ =	sdelay $0x3  }
0x33: {  	p0 =	seq.s32 s10, $0x1;
	s10 =	sld [smem:$0x3FB8];
	_ =	sdelay $0x3  }
0x34: {  	[smem:$0x3FB8] =	sst s10  }
0x35: {  	s10 =	sld [smem:$0x3FB7];
	_ =	sdelay $0x3  }
0x36: {  	p1 =	seq.s32 s10, $0x1;
	s10 =	sld [smem:$0x3FB8];
	_ =	sdelay $0x3  }
0x37: {  	[smem:$0x3FB8] =	sst s10  }
0x38: {  	s10 =	sld [smem:$0x3FB9]  }
0x39: {  	_ = 	snop;
	(pc) =	sbr.ind lr, $3  }
0x3a: {  	_ = 	snop  }
0x3b: {  	_ = 	snop  }
0x3c: {  	p2 =	seq.s32 s10, $0x1;
	s10 =	sld [smem:$0x3FB8]  }
0x3d: {  	_ =	shalt  }
0x3e: {  	_ =	shalt  }
0x3f: {  	_ =	shalt  }
0x40: {  	_ =	shalt  }
0x41: {  	_ =	shalt  }
0x42: {  	_ =	shalt  }
0x43: {  	_ =	shalt  }
0x44: {  	_ =	shalt  }
0x45: {  	_ =	shalt  }
0x46: {  	_ =	shalt  }
0x47: {  	_ =	shalt  }
0x48: {  	_ =	shalt  }
0x49: {  	_ =	shalt  }
0x4a: {  	_ =	shalt  }
0x4b: {  	_ =	shalt  }
0x4c: {  	_ =	shalt  }
0x4d: {  	_ =	shalt  }
0x4e: {  	_ =	shalt  }
0x4f: {  	_ =	shalt  }
0x50: {  	_ =	shalt  }
0x51: {  	_ =	shalt  }
0x52: {  	_ =	shalt  }
0x53: {  	_ =	shalt  }
0x54: {  	_ =	shalt  }
0x55: {  	_ =	shalt  }
0x56: {  	_ =	shalt  }
0x57: {  	_ =	shalt  }
0x58: {  	_ =	shalt  }
0x59: {  	_ =	shalt  }
0x5a: {  	_ =	shalt  }
0x5b: {  	_ =	shalt  }
0x5c: {  	_ =	shalt  }
0x5d: {  	_ =	shalt  }
0x5e: {  	_ =	shalt  }
0x5f: {  	_ =	shalt  }
0x60: {  	_ =	shalt  }
0x61: {  	_ =	shalt  }
0x62: {  	_ =	shalt  }
0x63: {  	_ =	shalt  }
0x64: {  	_ =	shalt  }
0x65: {  	_ =	shalt  }
0x66: {  	_ =	shalt  }
0x67: {  	_ =	shalt  }
0x68: {  	_ =	shalt  }
0x69: {  	_ =	shalt  }
0x6a: {  	_ =	shalt  }
0x6b: {  	_ =	shalt  }
0x6c: {  	_ =	shalt  }
0x6d: {  	_ =	shalt  }
0x6e: {  	_ =	shalt  }
0x6f: {  	_ =	shalt  }
0x70: {  	_ =	shalt  }
0x71: {  	_ =	shalt  }
0x72: {  	_ =	shalt  }
0x73: {  	_ =	shalt  }
0x74: {  	_ =	shalt  }
0x75: {  	_ =	shalt  }
0x76: {  	_ =	shalt  }
0x77: {  	_ =	shalt  }
0x78: {  	_ =	shalt  }
0x79: {  	_ =	shalt  }
0x7a: {  	_ =	shalt  }
0x7b: {  	_ =	shalt  }
0x7c: {  	_ =	shalt  }
0x7d: {  	_ =	shalt  }
0x7e: {  	_ =	shalt  }
0x7f: {  	_ =	shalt  }
0x80: {  	_ =	shalt  }
0x81: {  	_ =	shalt  }
0x82: {  	_ =	shalt  }
0x83: {  	_ =	shalt  }
0x84: {  	_ =	shalt  }
0x85: {  	_ =	shalt  }
0x86: {  	_ =	shalt  }
0x87: {  	_ =	shalt  }
.Lfunc_end0:
.L_simem_size_0:
called_computation_lowered:
.L_overlay_start_0:
0x88: {  	s2 =	sld [smem:$0x3FD9]  }
0x89: {  	s3 =	sld [smem:$0x3FFE];
	_ =	sdelay $0x1  }
0x8a: {  	s1 =	srdreg.scid  }
0x8b: {  	s0 =	sand.u32 $0x1, s1  }
0x8c: {  	s17 =	sshll.u32 s0, $0xA;
	s2 =	sadd.s32 s3, s2  }
0x8d: {  	s2 =	sadd.s32 s2, s17  }
0x8e: {  	[smem:$0x3FC4] =	sst s2  }
0x8f: {  	_ = 	snop  }
0x90: {  	s2 =	sld [smem:$0x3FC9]  }
0x91: {  	s18 =	sld [smem:$0x3FC8]  }
0x92: {  	s4 =	sld [smem:$0x3FD0];
	(tm) =	ssettm $0x1  }
0x93: {  	s5 =	sld [smem:$0x3FFB];
	_ =	sdelay $0x3  }
0x94: {  	_ =	strace s5  }
0x95: {  	s5 =	sld [smem:$0x3FFC];
	_ =	sdelay $0x3  }
0x96: {  	_ =	strace s5  }
0x97: {  	s5 =	sld [smem:$0x3FFD];
	_ =	sdelay $0x3  }
0x98: {  	_ =	strace s5  }
0x99: {  	_ =	strace $0x8FFFFFFF  }
0x9a: {  	s19 =	sld [smem:$0x3FDB];
	_ =	sdelay $0x1  }
0x9b: {  	s6 =	simm.s32 $_scs_section_size  }
0x9c: {  	s7 =	simm.s32 $_size__tile_overlayer_lowered;
	s8 =	simm.s32 $_tile_overlayer_lowered  }
0x9d: {  	s22 =	simm.s32 $0x1BFF;
	s21 =	sshll.u32 s8, $0x1;
	s5 =	sadd.s32 s6, s19  }
0x9e: {  	s9 =	simm.s32 $0x0;
	s20 =	sshll.u32 s7, $0x1;
	s7 =	sadd.s32 s21, s5  }
0x9f: {  	[timem:s9], [sflag:s22] =	dma.local [hbm:s7], s20  }
0xa0: {  	_ =	swait.ge [sflag:s22], s20  }
0xa1: {  	s6 =	ssub.s32 $0x0, s20;
	[sflag:s22] =	ssyncset.done $0x0  }
0xa2: {  	[sflag:s22] =	ssyncadd.s32 s6;
	_ =	sdelay $0x1  }
0xa3: {  	s23 =	simm.s32 $0x1B8B  }
0xa4: {  	_ =	swait.ge [sflag:s23], $0x1  }
0xa5: {  	[sflag:s23] =	ssyncset.done $0x0  }
0xa6: {  	s25 =	simm.s32 $0x1B8E;
	s24 =	sld [smem:$0x3FFE];
	[sflag:s23] =	ssyncadd.s32 $0xFFFFFFFF  }
0xa7: {  	s26 =	simm.s32 $execute0_lowered;
	[smem:$0x3FD2] =	sst s25  }
0xa8: {  	s7 =	sshll.u32 s26, $0x1;
	_ =	strace $0x80000046;
	[dreg:$0x1] =	wrdreg $0xFFFFFFFF  }
0xa9: {  	s28 =	simm.s32 $_size_execute0_lowered;
	s5 =	sadd.s32 s5, s7;
	[dreg:$0x0] =	wrdreg $0x0  }
0xaa: {  	s7 =	sshll.u32 s28, $0x1;
	[dreg:$0x2] =	wrdreg s5  }
0xab: {  	[dreg:$0x3] =	wrdreg s7  }
0xac: {  	[dreg:$0x4] =	wrdreg $0xC0  }
0xad: {  	_ =	task [dreg:s9], $0x5FFFF  }
0xae: {  	[dreg:$0x1] =	wrdreg $0xFFFFFFFF  }
0xaf: {  	[dreg:$0x0] =	wrdreg $0x60  }
0xb0: {  	[dreg:$0x2] =	wrdreg s2  }
0xb1: {  	[dreg:$0x3] =	wrdreg s18  }
0xb2: {  	[dreg:$0x4] =	wrdreg s24  }
0xb3: {  	[dreg:$0x5] =	wrdreg s4  }
0xb4: {  	[dreg:$0x6] =	wrdreg $0x9  }
0xb5: {  	_ =	task.clear_ibuf [dreg:s9], $0x7FFFF;
	_ =	strace $0x90000046  }
0xb6: {  	s29 =	simm.s32 $0x9;
	_ =	strace $0x80000048  }
0xb7: {  	_ =	swait.ge [sflag:s29], $0x1  }
0xb8: {  	[sflag:s29] =	ssyncadd.s32 $0xFFFFFFFF  }
0xb9: {  	_ =	strace $0x90000048  }
0xba: {  	_ =	sfence  }
0xbb: {  	s30 =	sld [smem:$0x0];
	_ =	sdelay $0x2  }
0xbc: {  	s31 =	sshll.u32 s1, $0xD;
	s1 =	sshrl.u32 s1, $0x2  }
0xbd: {  	s3 =	sand.u32 $0x4000, s31;
	s1 =	sadd.s32 s1, s30  }
0xbe: {  	s0 =	sor.u32 s3, s0;
	s1 =	sshll.u32 s1, $0x11  }
0xbf: {  	s0 =	sor.u32 s1, s0  }
0xc0: {  	s0 =	sadd.s32 $0x8F2B, s0  }
0xc1: {  	[sflag:s0] =	ssyncadd.remote.s32 $0x1  }
0xc2: {  	_ =	sfence.sel $0xFFFF  }
0xc3: {  	[dreg:$0x0] =	wrdreg $0xFFFFFFFF;
	(pc) =	sbr.abs _section_cstart, $3  }
0xc4: {  	[dreg:$0x1] =	wrdreg $0xFFFFFFFF  }
0xc5: {  	_ =	task.clear_ibuf [dreg:s9], $0x2FFFF;
	_ =	strace $0x9FFFFFFF  }
0xc6: {  	(tm) =	ssettm $0x7FFFFFFF  }
0xc7: {  	_ =	shalt  }
tec
execute0_lowered:
.L_overlay_start_1:
0x0: {  	(tag) =	ssettag $0x1  }
0x1: {  	s0 =	rddreg [dreg:$0x0]  }
0x2: {  	s2 =	rddreg [dreg:$0x1]  }
0x3: {  	s4 =	rddreg [dreg:$0x2]  }
0x4: {  	s5 =	rddreg [dreg:$0x3];
	s3 =	simm.s32 $0x0;
	s6 =	srdreg.scid  }
0x5: {  	s26 =	stileid.u32;
	[smem:$0x7FF] =	sst s3  }
0x6: {  	s1 =	sadd.s32 $0x186E00, s4;
	s6 =	sand.u32 $0x1, s6;
	s8 =	sshll.u32 s26, $0x7  }
0x7: {  	s28 =	sadd.s32 $0x400, s4;
	s7 =	ssub.s32 $0x2, s6;
	s6 =	sshll.u32 s6, $0x6  }
0x8: {  	_ =	strace $0x80000047;
	[dreg:$0x6] =	wrdreg s1;
	s6 =	sor.u32 s6, s8  }
0x9: {  	[dreg:$0x5] =	wrdreg s28;
	s0 =	sadd.s32 s0, s6  }
0xa: {  	s9 =	sshrl.u32 s7, $0x1;
	s29 =	sadd.s32 s2, s6;
	[dreg:$0x19] =	wrdreg s0  }
0xb: {  	v0 =	vlaneseq.u32;
	s7 =	ssub.s32 s7, s9;
	s30 =	sadd.s32 s5, s6;
	[dreg:$0x1a] =	wrdreg s29  }
0xc: {  	v0 =	vmul.u32 $0x80, v0;
	[dreg:$0x1b] =	wrdreg s30;
	s31 =	smax.u32 s7, $0x1  }
0xd: {  	s1 =	simm.s32 $0x0;
	s2 =	simm.s32 $0x3;
	[dreg:$0x1c] =	wrdreg s31  }
.LBB2_1:
0xe: {  	[dreg:$0x1d] =	wrdreg s1  }
0xf: {  	s0 =	rddreg [dreg:$0x19]  }
0x10: {  	[tilespmem:s3], [sflag:$0x3] =	stream.linear.gather [hbm4b:s0+s3], $0x200, $0x38;
	[tilespmem:$0x10600] =	vst v63  }
0x11: {  	_ =	swait.ge [sflag:s2], $0x200  }
0x12: {  	[sflag:s2] =	ssyncset.done $0x0  }
0x13: {  	s18 =	simm.s32 $0x200;
	s19 =	rddreg [dreg:$0x1a];
	[sflag:s2] =	ssyncadd.s32 $0xFFFFFE00  }
0x14: {  	[tilespmem:s18], [sflag:$0x3] =	stream.linear.gather [hbm4b:s19+s3], $0x200, $0x38;
	[tilespmem:$0x10600] =	vst v63  }
0x15: {  	_ =	swait.ge [sflag:s2], $0x200  }
0x16: {  	[sflag:s2] =	ssyncset.done $0x0  }
0x17: {  	[sflag:s2] =	ssyncadd.s32 $0xFFFFFE00  }
0x18: {  	v1 =	vld [tilespmem:s3+$0x0]  }
0x19: {  	v3 =	vld [tilespmem:s18+$0x0];
	_ =	sdelay $0x3  }
0x1a: {  	v2 =	vshll.u32 v1, $0x4  }
0x1b: {  	v1 =	vshll.u32 v3, $0x4;
	(v2sf) =	vpush v2, $0x0  }
0x1c: {  	(v2sf) =	vpush v1, $0x0  }
0x1d: {  	(v2sf) =	vpush v2, $0x1;
	_ =	sdelay $0x1  }
0x1e: {  	(v2sf) =	vpush v1, $0x1  }
0x1f: {  	(v2sf) =	vpush v2, $0x2;
	_ =	sdelay $0x1  }
0x20: {  	(v2sf) =	vpush v1, $0x2;
	_ =	sdelay $0x1  }
0x21: {  	(v2sf) =	vpush v2, $0x3;
	_ =	sdelay $0x1  }
0x22: {  	s17 =	simm.s32 $0x2000;
	s16 =	simm.s32 $0x0;
	s6 =	simm.s32 $0x8400  }
0x23: {  	s5 =	simm.s32 $0x680;
	s7 =	simm.s32 $0x400;
	s9 =	simm.s32 $0x600  }
0x24: {  	s10 =	simm.s32 $0x580;
	s23 =	simm.s32 $0x480;
	s26 =	simm.s32 $0x8480  }
0x25: {  	s29 =	simm.s32 $0x500;
	s14 =	simm.s32 $0x8A00;
	s0 =	simm.s32 $0x8900  }
0x26: {  	s19 =	simm.s32 $0x8600;
	s12 =	rddreg [dreg:$0x6];
	s8 =	spop (v2sf);
	(v2sf) =	vpush v1, $0x3  }
0x27: {  	s4 =	rddreg [dreg:$0x5];
	s8 =	sand.u32 $0x1FFFFFF0, s8;
	s11 =	spop (v2sf)  }
0x28: {  	s2 =	simm.s32 $0x880;
	(v2sf) =	vpush v2, $0x4;
	s8 =	sadd.s32 s12, s8;
	s21 =	spop (v2sf)  }
0x29: {  	(v2sf) =	vpush v1, $0x4;
	[tilespmem:s7], [sflag:$0x1] =	stream.linear.gather [hbm4b:s8+s3], $0x80, $0x38;
	[tilespmem:$0x10600] =	vst v63  }
0x2a: {  	s20 =	sand.u32 $0x1FFFFFF0, s11;
	s7 =	simm.s32 $0x8580;
	s22 =	spop (v2sf)  }
0x2b: {  	s8 =	sadd.s32 s4, s20;
	s11 =	sand.u32 $0x1FFFFFF0, s21;
	s28 =	spop (v2sf)  }
0x2c: {  	(v2sf) =	vpush v2, $0x5;
	[tilespmem:s6], [sflag:$0x2] =	stream.linear.gather [hbm4b:s8+s3], $0x80, $0x38;
	[tilespmem:$0x10600] =	vst v63  }
0x2d: {  	s24 =	sadd.s32 s12, s11;
	s25 =	sand.u32 $0x1FFFFFF0, s22;
	s30 =	spop (v2sf)  }
0x2e: {  	(v2sf) =	vpush v1, $0x5;
	[tilespmem:s23], [sflag:$0x1] =	stream.linear.gather [hbm4b:s24+s3], $0x80, $0x38;
	[tilespmem:$0x10600] =	vst v63  }
0x2f: {  	s11 =	sadd.s32 s4, s25;
	s8 =	sand.u32 $0x1FFFFFF0, s28;
	s31 =	spop (v2sf)  }
0x30: {  	(v2sf) =	vpush v2, $0x6;
	[tilespmem:s26], [sflag:$0x2] =	stream.linear.gather [hbm4b:s11+s3], $0x80, $0x38;
	[tilespmem:$0x10600] =	vst v63  }
0x31: {  	s8 =	sadd.s32 s12, s8;
	s13 =	sand.u32 $0x1FFFFFF0, s31;
	s11 =	sand.u32 $0x1FFFFFF0, s30  }
0x32: {  	(v2sf) =	vpush v1, $0x6;
	[tilespmem:s29], [sflag:$0x1] =	stream.linear.gather [hbm4b:s8+s3], $0x80, $0x38;
	[tilespmem:$0x10600] =	vst v63  }
0x33: {  	s24 =	simm.s32 $0x8680;
	s11 =	sadd.s32 s4, s11;
	s8 =	simm.s32 $0x8500  }
0x34: {  	[tilespmem:s8], [sflag:$0x2] =	stream.linear.gather [hbm4b:s11+s3], $0x80, $0x38;
	[tilespmem:$0x10600] =	vst v63  }
0x35: {  	s18 =	sadd.s32 s12, s13;
	s13 =	simm.s32 $0xA80;
	s15 =	spop (v2sf)  }
0x36: {  	(v2sf) =	vpush v2, $0x7;
	[tilespmem:s10], [sflag:$0x1] =	stream.linear.gather [hbm4b:s18+s3], $0x80, $0x38;
	[tilespmem:$0x10600] =	vst v63  }
0x37: {  	s26 =	simm.s32 $0x700;
	s6 =	sand.u32 $0x1FFFFFF0, s15;
	s20 =	spop (v2sf)  }
0x38: {  	(v2sf) =	vpush v1, $0x7;
	s6 =	sadd.s32 s4, s6;
	s10 =	sand.u32 $0x1FFFFFF0, s20;
	s21 =	spop (v2sf)  }
0x39: {  	(v2sf) =	vpush v2, $0x8;
	[tilespmem:s7], [sflag:$0x2] =	stream.linear.gather [hbm4b:s6+s3], $0x80, $0x38;
	[tilespmem:$0x10600] =	vst v63  }
0x3a: {  	s18 =	simm.s32 $0x8700;
	s22 =	sadd.s32 s12, s10;
	s23 =	sand.u32 $0x1FFFFFF0, s21  }
0x3b: {  	s25 =	spop (v2sf);
	(v2sf) =	vpush v1, $0x8;
	s10 =	simm.s32 $0x8A80;
	s21 =	simm.s32 $0x780  }
0x3c: {  	(v2sf) =	vpush v2, $0x9;
	[tilespmem:s9], [sflag:$0x1] =	stream.linear.gather [hbm4b:s22+s3], $0x80, $0x38;
	[tilespmem:$0x10600] =	vst v63  }
0x3d: {  	s7 =	sadd.s32 s4, s23;
	s28 =	sand.u32 $0x1FFFFFF0, s25;
	s29 =	spop (v2sf)  }
0x3e: {  	(v2sf) =	vpush v1, $0x9;
	[tilespmem:s19], [sflag:$0x2] =	stream.linear.gather [hbm4b:s7+s3], $0x80, $0x38;
	[tilespmem:$0x10600] =	vst v63  }
0x3f: {  	s8 =	sadd.s32 s12, s28;
	s9 =	sand.u32 $0x1FFFFFF0, s29;
	s30 =	spop (v2sf);
	(v2sf) =	vpush v2, $0xA  }
0x40: {  	[tilespmem:s5], [sflag:$0x1] =	stream.linear.gather [hbm4b:s8+s3], $0x80, $0x38;
	[tilespmem:$0x10600] =	vst v63  }
0x41: {  	s31 =	sadd.s32 s4, s9;
	s1 =	sand.u32 $0x1FFFFFF0, s30;
	s11 =	spop (v2sf);
	(v2sf) =	vpush v1, $0xA  }
0x42: {  	[tilespmem:s24], [sflag:$0x2] =	stream.linear.gather [hbm4b:s31+s3], $0x80, $0x38;
	[tilespmem:$0x10600] =	vst v63  }
0x43: {  	s30 =	simm.s32 $0x8800;
	s15 =	sadd.s32 s12, s1;
	s6 =	sand.u32 $0x1FFFFFF0, s11  }
0x44: {  	[tilespmem:s26], [sflag:$0x1] =	stream.linear.gather [hbm4b:s15+s3], $0x80, $0x38;
	[tilespmem:$0x10600] =	vst v63  }
0x45: {  	s9 =	simm.s32 $0x8880;
	s6 =	sadd.s32 s4, s6;
	s19 =	spop (v2sf)  }
0x46: {  	[tilespmem:s18], [sflag:$0x2] =	stream.linear.gather [hbm4b:s6+s3], $0x80, $0x38;
	[tilespmem:$0x10600] =	vst v63  }
0x47: {  	s5 =	simm.s32 $0x8980;
	(v2sf) =	vpush v2, $0xB;
	s8 =	sand.u32 $0x1FFFFFF0, s19;
	s20 =	spop (v2sf)  }
0x48: {  	s24 =	simm.s32 $0x8780;
	s22 =	sadd.s32 s12, s8;
	s25 =	spop (v2sf)  }
0x49: {  	(v2sf) =	vpush v1, $0xB;
	[tilespmem:s21], [sflag:$0x1] =	stream.linear.gather [hbm4b:s22+s3], $0x80, $0x38;
	[tilespmem:$0x10600] =	vst v63  }
0x4a: {  	s26 =	simm.s32 $0x800;
	s23 =	sand.u32 $0x1FFFFFF0, s20;
	s28 =	spop (v2sf)  }
0x4b: {  	s8 =	sadd.s32 s4, s23;
	s7 =	sand.u32 $0x1FFFFFF0, s25;
	s29 =	spop (v2sf)  }
0x4c: {  	(v2sf) =	vpush v2, $0xC;
	[tilespmem:s24], [sflag:$0x2] =	stream.linear.gather [hbm4b:s8+s3], $0x80, $0x38;
	[tilespmem:$0x10600] =	vst v63  }
0x4d: {  	s15 =	simm.s32 $0x900;
	s7 =	sadd.s32 s12, s7;
	s11 =	spop (v2sf)  }
0x4e: {  	(v2sf) =	vpush v1, $0xC;
	s8 =	sand.u32 $0x1FFFFFF0, s28;
	s1 =	sand.u32 $0x1FFFFFF0, s29;
	s18 =	spop (v2sf)  }
0x4f: {  	[tilespmem:s26], [sflag:$0x1] =	stream.linear.gather [hbm4b:s7+s3], $0x80, $0x38;
	[tilespmem:$0x10600] =	vst v63  }
0x50: {  	s31 =	sadd.s32 s4, s8;
	s8 =	sadd.s32 s12, s1;
	s19 =	spop (v2sf)  }
0x51: {  	[tilespmem:s30], [sflag:$0x2] =	stream.linear.gather [hbm4b:s31+s3], $0x80, $0x38;
	[tilespmem:$0x10600] =	vst v63  }
0x52: {  	s7 =	sand.u32 $0x1FFFFFF0, s11;
	s26 =	simm.s32 $0x980;
	s21 =	sand.u32 $0x1FFFFFF0, s19  }
0x53: {  	[tilespmem:s2], [sflag:$0x1] =	stream.linear.gather [hbm4b:s8+s3], $0x80, $0x38;
	[tilespmem:$0x10600] =	vst v63  }
0x54: {  	s7 =	sadd.s32 s4, s7;
	s23 =	sadd.s32 s4, s21;
	s8 =	sand.u32 $0x1FFFFFF0, s18  }
0x55: {  	[tilespmem:s9], [sflag:$0x2] =	stream.linear.gather [hbm4b:s7+s3], $0x80, $0x38;
	[tilespmem:$0x10600] =	vst v63  }
0x56: {  	s21 =	simm.s32 $0x10;
	s20 =	sadd.s32 s12, s8;
	s22 =	spop (v2sf)  }
0x57: {  	[tilespmem:s15], [sflag:$0x1] =	stream.linear.gather [hbm4b:s20+s3], $0x80, $0x38;
	[tilespmem:$0x10600] =	vst v63  }
0x58: {  	s24 =	sand.u32 $0x1FFFFFF0, s22;
	s25 =	spop (v2sf);
	s22 =	simm.s32 $0x210  }
0x59: {  	(v2sf) =	vpush v2, $0xD;
	[tilespmem:s0], [sflag:$0x2] =	stream.linear.gather [hbm4b:s23+s3], $0x80, $0x38;
	[tilespmem:$0x10600] =	vst v63  }
0x5a: {  	(v2sf) =	vpush v1, $0xD;
	s28 =	sadd.s32 s12, s24;
	s29 =	sand.u32 $0x1FFFFFF0, s25;
	s25 =	simm.s32 $0xA00  }
0x5b: {  	(v2sf) =	vpush v2, $0xE;
	s24 =	simm.s32 $0xB00;
	s30 =	sadd.s32 s4, s29;
	s31 =	spop (v2sf)  }
0x5c: {  	(v2sf) =	vpush v1, $0xE;
	[tilespmem:s26], [sflag:$0x1] =	stream.linear.gather [hbm4b:s28+s3], $0x80, $0x38;
	[tilespmem:$0x10600] =	vst v63  }
0x5d: {  	s4 =	simm.s32 $0x8B00;
	(v2sf) =	vpush v2, $0xF;
	s0 =	sand.u32 $0x1FFFFFF0, s31;
	s2 =	spop (v2sf)  }
0x5e: {  	(v2sf) =	vpush v1, $0xF;
	[tilespmem:s5], [sflag:$0x2] =	stream.linear.gather [hbm4b:s30+s3], $0x80, $0x38;
	[tilespmem:$0x10600] =	vst v63  }
.LBB2_2:
0x5f: {  	_ =	sdelay $0x3  }
0x60: {  	s12 =	rddreg [dreg:$0x6]  }
0x61: {  	s2 =	sand.u32 $0x1FFFFFF0, s2;
	s23 =	rddreg [dreg:$0x5];
	s0 =	sadd.s32 s12, s0  }
0x62: {  	[tilespmem:s25], [sflag:$0x1] =	stream.linear.gather [hbm4b:s0+s3], $0x80, $0x38;
	[tilespmem:$0x10600] =	vst v63  }
0x63: {  	s11 =	sadd.s32 s23, s2  }
0x64: {  	[tilespmem:s14], [sflag:$0x2] =	stream.linear.gather [hbm4b:s11+s3], $0x80, $0x38;
	[tilespmem:$0x10600] =	vst v63  }
0x65: {  	s5 =	spop (v2sf)  }
0x66: {  	s15 =	sand.u32 $0x1FFFFFF0, s5;
	s18 =	spop (v2sf)  }
0x67: {  	s19 =	sadd.s32 s12, s15;
	s20 =	sand.u32 $0x1FFFFFF0, s18;
	s25 =	spop (v2sf)  }
0x68: {  	[tilespmem:s13], [sflag:$0x1] =	stream.linear.gather [hbm4b:s19+s3], $0x80, $0x38;
	[tilespmem:$0x10600] =	vst v63  }
0x69: {  	s26 =	sadd.s32 s23, s20;
	s28 =	sand.u32 $0x1FFFFFF0, s25;
	s29 =	spop (v2sf)  }
0x6a: {  	[tilespmem:s10], [sflag:$0x2] =	stream.linear.gather [hbm4b:s26+s3], $0x80, $0x38;
	[tilespmem:$0x10600] =	vst v63  }
0x6b: {  	s30 =	sadd.s32 s12, s28;
	s31 =	sand.u32 $0x1FFFFFF0, s29;
	s1 =	spop (v2sf)  }
0x6c: {  	[tilespmem:s24], [sflag:$0x1] =	stream.linear.gather [hbm4b:s30+s3], $0x80, $0x38;
	[tilespmem:$0x10600] =	vst v63  }
0x6d: {  	s2 =	sadd.s32 s23, s31;
	s6 =	sand.u32 $0x1FFFFFF0, s1;
	s7 =	spop (v2sf)  }
0x6e: {  	[tilespmem:s4], [sflag:$0x2] =	stream.linear.gather [hbm4b:s2+s3], $0x80, $0x38;
	[tilespmem:$0x10600] =	vst v63  }
0x6f: {  	s8 =	sadd.s32 $0xB80, s16;
	s5 =	sand.u32 $0x1FFFFFF0, s7;
	s2 =	sadd.s32 s12, s6  }
0x70: {  	[tilespmem:s8], [sflag:$0x1] =	stream.linear.gather [hbm4b:s2+s3], $0x80, $0x38;
	[tilespmem:$0x10600] =	vst v63  }
0x71: {  	s9 =	sadd.s32 $0x8B80, s16;
	s10 =	sadd.s32 s23, s5  }
0x72: {  	[tilespmem:s9], [sflag:$0x2] =	stream.linear.gather [hbm4b:s10+s3], $0x80, $0x38;
	[tilespmem:$0x10600] =	vst v63  }
0x73: {  	v1 =	vld [tilespmem:s21+$0x0]  }
0x74: {  	v3 =	vld [tilespmem:s22+$0x0];
	_ =	sdelay $0x3  }
0x75: {  	v2 =	vshll.u32 v1, $0x4  }
0x76: {  	s11 =	smov.u32 s17;
	v1 =	vshll.u32 v3, $0x4;
	(v2sf) =	vpush v2, $0x0  }
0x77: {  	s16 =	sshra.s32 s11, $0x2;
	(v2sf) =	vpush v1, $0x0  }
0x78: {  	p0 =	sne.s32 s17, $0x1E000;
	s17 =	sadd.s32 $0x2000, s17;
	s0 =	sadd.s32 $0x880, s16;
	(v2sf) =	vpush v2, $0x1  }
0x79: {  	s11 =	sadd.s32 $0x8680, s16;
	s14 =	sadd.s32 $0x8880, s16;
	[dreg:$0xb] =	wrdreg s0  }
0x7a: {  	s0 =	sadd.s32 $0x8580, s16;
	[dreg:$0xf] =	wrdreg s14;
	s14 =	sadd.s32 $0x980, s16;
	(v2sf) =	vpush v1, $0x1  }
0x7b: {  	[dreg:$0x12] =	wrdreg s14;
	s18 =	sadd.s32 $0x580, s16;
	s15 =	sadd.s32 $0x8600, s16  }
0x7c: {  	s13 =	sadd.s32 $0x8900, s16;
	s19 =	sadd.s32 $0x900, s16;
	s20 =	sadd.s32 $0x8800, s16;
	(v2sf) =	vpush v2, $0x2  }
0x7d: {  	s25 =	sadd.s32 $0xA00, s16;
	[dreg:$0x7] =	wrdreg s13;
	s29 =	sadd.s32 $0x500, s16  }
0x7e: {  	s13 =	sadd.s32 $0xA80, s16;
	s28 =	sadd.s32 $0x8500, s16;
	[dreg:$0xd] =	wrdreg s19;
	(v2sf) =	vpush v1, $0x2  }
0x7f: {  	[dreg:$0x14] =	wrdreg s20;
	s19 =	sadd.s32 $0x480, s16;
	s1 =	sadd.s32 $0x8980, s16  }
0x80: {  	s26 =	sadd.s32 $0x400, s16;
	s31 =	sadd.s32 $0x8480, s16;
	[dreg:$0x9] =	wrdreg s1;
	(v2sf) =	vpush v2, $0x3  }
0x81: {  	s7 =	sadd.s32 $0x780, s16;
	s30 =	sadd.s32 $0x8400, s16;
	s24 =	sadd.s32 $0x8780, s16  }
0x82: {  	s5 =	sadd.s32 $0x680, s16;
	[dreg:$0x18] =	wrdreg s24;
	s4 =	sadd.s32 $0x800, s16;
	(v2sf) =	vpush v1, $0x3  }
0x83: {  	s24 =	sadd.s32 $0xB00, s16;
	s6 =	sadd.s32 $0x700, s16;
	[dreg:$0x16] =	wrdreg s4  }
0x84: {  	s4 =	sadd.s32 $0x8B00, s16;
	s2 =	sadd.s32 $0x8A00, s16;
	s8 =	sadd.s32 $0x8700, s16;
	(v2sf) =	vpush v2, $0x4  }
0x85: {  	s9 =	sadd.s32 $0x600, s16;
	s10 =	sadd.s32 $0x8A80, s16;
	s20 =	spop (v2sf)  }
0x86: {  	s21 =	sadd.s32 $0x10, s21;
	s20 =	sand.u32 $0x1FFFFFF0, s20;
	s14 =	spop (v2sf);
	(v2sf) =	vpush v1, $0x4  }
0x87: {  	s20 =	sadd.s32 s12, s20;
	s1 =	sand.u32 $0x1FFFFFF0, s14;
	s14 =	spop (v2sf)  }
0x88: {  	(v2sf) =	vpush v2, $0x5;
	[tilespmem:s26], [sflag:$0x1] =	stream.linear.gather [hbm4b:s20+s3], $0x80, $0x38;
	[tilespmem:$0x10600] =	vst v63  }
0x89: {  	s1 =	sadd.s32 s23, s1;
	s14 =	sand.u32 $0x1FFFFFF0, s14;
	s26 =	spop (v2sf);
	(v2sf) =	vpush v1, $0x5  }
0x8a: {  	[tilespmem:s30], [sflag:$0x2] =	stream.linear.gather [hbm4b:s1+s3], $0x80, $0x38;
	[tilespmem:$0x10600] =	vst v63  }
0x8b: {  	s14 =	sadd.s32 s12, s14;
	s26 =	sand.u32 $0x1FFFFFF0, s26;
	s30 =	spop (v2sf);
	(v2sf) =	vpush v2, $0x6  }
0x8c: {  	[tilespmem:s19], [sflag:$0x1] =	stream.linear.gather [hbm4b:s14+s3], $0x80, $0x38;
	[tilespmem:$0x10600] =	vst v63  }
0x8d: {  	s20 =	spop (v2sf);
	s14 =	sadd.s32 s23, s26;
	s19 =	sand.u32 $0x1FFFFFF0, s30  }
0x8e: {  	[tilespmem:s31], [sflag:$0x2] =	stream.linear.gather [hbm4b:s14+s3], $0x80, $0x38;
	[tilespmem:$0x10600] =	vst v63  }
0x8f: {  	(v2sf) =	vpush v1, $0x6;
	s30 =	sand.u32 $0x1FFFFFF0, s20;
	s26 =	sadd.s32 s12, s19;
	s31 =	spop (v2sf)  }
0x90: {  	[tilespmem:s29], [sflag:$0x1] =	stream.linear.gather [hbm4b:s26+s3], $0x80, $0x38;
	[tilespmem:$0x10600] =	vst v63  }
0x91: {  	(v2sf) =	vpush v2, $0x7;
	s14 =	sadd.s32 s23, s30;
	s20 =	sand.u32 $0x1FFFFFF0, s31;
	s26 =	spop (v2sf)  }
0x92: {  	[tilespmem:s28], [sflag:$0x2] =	stream.linear.gather [hbm4b:s14+s3], $0x80, $0x38;
	[tilespmem:$0x10600] =	vst v63  }
0x93: {  	(v2sf) =	vpush v1, $0x7;
	s29 =	sadd.s32 s12, s20;
	s30 =	sand.u32 $0x1FFFFFF0, s26;
	s31 =	spop (v2sf)  }
0x94: {  	[tilespmem:s18], [sflag:$0x1] =	stream.linear.gather [hbm4b:s29+s3], $0x80, $0x38;
	[tilespmem:$0x10600] =	vst v63  }
0x95: {  	s22 =	sadd.s32 $0x10, s22;
	(v2sf) =	vpush v2, $0x8;
	s20 =	sadd.s32 s23, s30;
	s28 =	spop (v2sf)  }
0x96: {  	[tilespmem:s0], [sflag:$0x2] =	stream.linear.gather [hbm4b:s20+s3], $0x80, $0x38;
	[tilespmem:$0x10600] =	vst v63  }
0x97: {  	s26 =	sand.u32 $0x1FFFFFF0, s31;
	s14 =	smov.u32 s2;
	(v2sf) =	vpush v1, $0x8;
	s31 =	spop (v2sf)  }
0x98: {  	s29 =	sadd.s32 s12, s26;
	s30 =	sand.u32 $0x1FFFFFF0, s28;
	s19 =	spop (v2sf)  }
0x99: {  	[tilespmem:s9], [sflag:$0x1] =	stream.linear.gather [hbm4b:s29+s3], $0x80, $0x38;
	[tilespmem:$0x10600] =	vst v63  }
0x9a: {  	(v2sf) =	vpush v2, $0x9;
	s18 =	sand.u32 $0x1FFFFFF0, s31;
	s9 =	sadd.s32 s23, s30;
	s28 =	spop (v2sf)  }
0x9b: {  	(v2sf) =	vpush v1, $0x9;
	[tilespmem:s15], [sflag:$0x2] =	stream.linear.gather [hbm4b:s9+s3], $0x80, $0x38;
	[tilespmem:$0x10600] =	vst v63  }
0x9c: {  	s20 =	sadd.s32 s12, s18;
	s26 =	sand.u32 $0x1FFFFFF0, s19;
	s30 =	sand.u32 $0x1FFFFFF0, s28  }
0x9d: {  	[tilespmem:s5], [sflag:$0x1] =	stream.linear.gather [hbm4b:s20+s3], $0x80, $0x38;
	[tilespmem:$0x10600] =	vst v63  }
0x9e: {  	s29 =	sadd.s32 s23, s26;
	s31 =	spop (v2sf);
	s2 =	sadd.s32 s12, s30  }
0x9f: {  	(v2sf) =	vpush v2, $0xA;
	[tilespmem:s11], [sflag:$0x2] =	stream.linear.gather [hbm4b:s29+s3], $0x80, $0x38;
	[tilespmem:$0x10600] =	vst v63  }
0xa0: {  	s5 =	sand.u32 $0x1FFFFFF0, s31;
	s31 =	rddreg [dreg:$0x18];
	s9 =	spop (v2sf)  }
0xa1: {  	(v2sf) =	vpush v1, $0xA;
	[tilespmem:s6], [sflag:$0x1] =	stream.linear.gather [hbm4b:s2+s3], $0x80, $0x38;
	[tilespmem:$0x10600] =	vst v63  }
0xa2: {  	s11 =	sadd.s32 s23, s5;
	s15 =	sand.u32 $0x1FFFFFF0, s9;
	s18 =	spop (v2sf)  }
0xa3: {  	[tilespmem:s8], [sflag:$0x2] =	stream.linear.gather [hbm4b:s11+s3], $0x80, $0x38;
	[tilespmem:$0x10600] =	vst v63  }
0xa4: {  	s19 =	sadd.s32 s12, s15;
	s20 =	sand.u32 $0x1FFFFFF0, s18;
	s26 =	spop (v2sf)  }
0xa5: {  	(v2sf) =	vpush v2, $0xB;
	[tilespmem:s7], [sflag:$0x1] =	stream.linear.gather [hbm4b:s19+s3], $0x80, $0x38;
	[tilespmem:$0x10600] =	vst v63  }
0xa6: {  	s18 =	rddreg [dreg:$0x14];
	s29 =	sand.u32 $0x1FFFFFF0, s26;
	s30 =	spop (v2sf)  }
0xa7: {  	(v2sf) =	vpush v1, $0xB;
	s28 =	sadd.s32 s23, s20;
	s2 =	sadd.s32 s12, s29;
	s6 =	sand.u32 $0x1FFFFFF0, s30  }
0xa8: {  	(v2sf) =	vpush v2, $0xC;
	[tilespmem:s31], [sflag:$0x2] =	stream.linear.gather [hbm4b:s28+s3], $0x80, $0x38;
	[tilespmem:$0x10600] =	vst v63  }
0xa9: {  	s8 =	rddreg [dreg:$0x16];
	s7 =	spop (v2sf);
	s9 =	sadd.s32 s23, s6  }
0xaa: {  	(v2sf) =	vpush v1, $0xC;
	s11 =	sand.u32 $0x1FFFFFF0, s7;
	s15 =	spop (v2sf);
	s28 =	rddreg [dreg:$0xb]  }
0xab: {  	[tilespmem:s8], [sflag:$0x1] =	stream.linear.gather [hbm4b:s2+s3], $0x80, $0x38;
	[tilespmem:$0x10600] =	vst v63  }
0xac: {  	s6 =	rddreg [dreg:$0xf];
	s19 =	sadd.s32 s12, s11;
	s20 =	sand.u32 $0x1FFFFFF0, s15  }
0xad: {  	[tilespmem:s18], [sflag:$0x2] =	stream.linear.gather [hbm4b:s9+s3], $0x80, $0x38;
	[tilespmem:$0x10600] =	vst v63  }
0xae: {  	s11 =	rddreg [dreg:$0xd];
	s26 =	spop (v2sf);
	s29 =	sadd.s32 s23, s20  }
0xaf: {  	[tilespmem:s28], [sflag:$0x1] =	stream.linear.gather [hbm4b:s19+s3], $0x80, $0x38;
	[tilespmem:$0x10600] =	vst v63  }
0xb0: {  	s20 =	rddreg [dreg:$0x7];
	s30 =	sand.u32 $0x1FFFFFF0, s26;
	s31 =	spop (v2sf)  }
0xb1: {  	[tilespmem:s6], [sflag:$0x2] =	stream.linear.gather [hbm4b:s29+s3], $0x80, $0x38;
	[tilespmem:$0x10600] =	vst v63  }
0xb2: {  	s7 =	sadd.s32 s12, s30;
	s8 =	sand.u32 $0x1FFFFFF0, s31;
	s30 =	rddreg [dreg:$0x12]  }
0xb3: {  	[tilespmem:s11], [sflag:$0x1] =	stream.linear.gather [hbm4b:s7+s3], $0x80, $0x38;
	[tilespmem:$0x10600] =	vst v63  }
0xb4: {  	s31 =	rddreg [dreg:$0x9];
	s15 =	sadd.s32 s23, s8;
	s9 =	spop (v2sf)  }
0xb5: {  	(v2sf) =	vpush v2, $0xD;
	[tilespmem:s20], [sflag:$0x2] =	stream.linear.gather [hbm4b:s15+s3], $0x80, $0x38;
	[tilespmem:$0x10600] =	vst v63  }
.Ltmp0:
0xb6: {  	(v2sf) =	vpush v1, $0xD;
	s18 =	sand.u32 $0x1FFFFFF0, s9;
	s19 =	spop (v2sf);
	(pc) =	sbr.rel @p0 .LBB2_2-.Ltmp0, $4  }
0xb7: {  	(v2sf) =	vpush v2, $0xE;
	s26 =	sadd.s32 s12, s18;
	s28 =	sand.u32 $0x1FFFFFF0, s19;
	s29 =	spop (v2sf)  }
0xb8: {  	(v2sf) =	vpush v1, $0xE;
	[tilespmem:s30], [sflag:$0x1] =	stream.linear.gather [hbm4b:s26+s3], $0x80, $0x38;
	[tilespmem:$0x10600] =	vst v63  }
0xb9: {  	(v2sf) =	vpush v2, $0xF;
	s1 =	sadd.s32 s23, s28;
	s0 =	sand.u32 $0x1FFFFFF0, s29;
	s2 =	spop (v2sf)  }
0xba: {  	(v2sf) =	vpush v1, $0xF;
	[tilespmem:s31], [sflag:$0x2] =	stream.linear.gather [hbm4b:s1+s3], $0x80, $0x38;
	[tilespmem:$0x10600] =	vst v63  }
0xbb: {  	_ =	sdelay $0x3  }
0xbc: {  	s5 =	rddreg [dreg:$0x6]  }
0xbd: {  	s1 =	sand.u32 $0x1FFFFFF0, s2;
	s6 =	rddreg [dreg:$0x5];
	s0 =	sadd.s32 s5, s0  }
0xbe: {  	[tilespmem:s25], [sflag:$0x1] =	stream.linear.gather [hbm4b:s0+s3], $0x80, $0x38;
	[tilespmem:$0x10600] =	vst v63  }
0xbf: {  	s1 =	sadd.s32 s6, s1  }
0xc0: {  	[tilespmem:s14], [sflag:$0x2] =	stream.linear.gather [hbm4b:s1+s3], $0x80, $0x38;
	[tilespmem:$0x10600] =	vst v63  }
0xc1: {  	s31 =	spop (v2sf)  }
0xc2: {  	s23 =	sadd.s32 $0xB80, s16;
	s7 =	sand.u32 $0x1FFFFFF0, s31;
	s8 =	spop (v2sf)  }
0xc3: {  	s9 =	sadd.s32 s5, s7;
	s11 =	sand.u32 $0x1FFFFFF0, s8;
	s12 =	spop (v2sf)  }
0xc4: {  	[tilespmem:s13], [sflag:$0x1] =	stream.linear.gather [hbm4b:s9+s3], $0x80, $0x38;
	[tilespmem:$0x10600] =	vst v63  }
0xc5: {  	s13 =	sadd.s32 s6, s11;
	s14 =	sand.u32 $0x1FFFFFF0, s12;
	s15 =	spop (v2sf)  }
0xc6: {  	[tilespmem:s10], [sflag:$0x2] =	stream.linear.gather [hbm4b:s13+s3], $0x80, $0x38;
	[tilespmem:$0x10600] =	vst v63  }
0xc7: {  	s17 =	sadd.s32 s5, s14;
	s18 =	sand.u32 $0x1FFFFFF0, s15;
	s19 =	spop (v2sf)  }
0xc8: {  	[tilespmem:s24], [sflag:$0x1] =	stream.linear.gather [hbm4b:s17+s3], $0x80, $0x38;
	[tilespmem:$0x10600] =	vst v63  }
0xc9: {  	s20 =	sadd.s32 s6, s18;
	s21 =	sand.u32 $0x1FFFFFF0, s19;
	s22 =	spop (v2sf)  }
0xca: {  	[tilespmem:s4], [sflag:$0x2] =	stream.linear.gather [hbm4b:s20+s3], $0x80, $0x38;
	[tilespmem:$0x10600] =	vst v63  }
0xcb: {  	s26 =	simm.s32 $0x0;
	s1 =	sadd.s32 s5, s21;
	s2 =	sand.u32 $0x1FFFFFF0, s22  }
0xcc: {  	[tilespmem:s23], [sflag:$0x1] =	stream.linear.gather [hbm4b:s1+s3], $0x80, $0x38;
	[tilespmem:$0x10600] =	vst v63  }
0xcd: {  	s28 =	simm.s32 $0x1;
	s24 =	sadd.s32 $0x8B80, s16;
	s25 =	sadd.s32 s6, s2  }
0xce: {  	v1 =	vmov s26;
	[tilespmem:s24], [sflag:$0x2] =	stream.linear.gather [hbm4b:s25+s3], $0x80, $0x38;
	[tilespmem:$0x10600] =	vst v63  }
0xcf: {  	v1 =	vshll.u32 v1, $0x7;
	_ =	swait.ge [sflag:s28], $0x8000  }
0xd0: {  	v1 =	vor.u32 v0, v1;
	[sflag:s28] =	ssyncset.done $0x0  }
0xd1: {  	s29 =	simm.s32 $0x2;
	[sflag:s28] =	ssyncadd.s32 $0xFFFF8000  }
0xd2: {  	v2 =	vor.u32 $0x1, v1;
	_ =	swait.ge [sflag:s29], $0x8000  }
0xd3: {  	[sflag:s29] =	ssyncset.done $0x0  }
0xd4: {  	v3 =	vor.u32 $0x2, v1;
	s2 =	simm.s32 $0x8400;
	[sflag:s29] =	ssyncadd.s32 $0xFFFF8000  }
0xd5: {  	s1 =	simm.s32 $0x400;
	v4 =	vld.idx.msk [tilespmem:v1+s2+$0x0], $0xffff  }
0xd6: {  	v6 =	vor.u32 $0x3, v1;
	v5 =	vld.idx.msk [tilespmem:v1+s1+$0x0], $0xffff  }
0xd7: {  	v7 =	vld.idx.msk [tilespmem:v2+s1+$0x0], $0xffff  }
0xd8: {  	v8 =	vor.u32 $0x4, v1;
	v2 =	vld.idx.msk [tilespmem:v2+s2+$0x0], $0xffff  }
0xd9: {  	v9 =	vld.idx.msk [tilespmem:v3+s1+$0x0], $0xffff  }
0xda: {  	v10 =	vor.u32 $0x5, v1;
	v3 =	vld.idx.msk [tilespmem:v3+s2+$0x0], $0xffff  }
0xdb: {  	v11 =	vld.idx.msk [tilespmem:v6+s1+$0x0], $0xffff;
	v4 =	vmul.f32 v4, v5  }
0xdc: {  	v5 =	vld.idx.msk [tilespmem:v6+s2+$0x0], $0xffff;
	v6 =	vor.u32 $0x6, v1  }
0xdd: {  	v12 =	vld.idx.msk [tilespmem:v8+s1+$0x0], $0xffff;
	v2 =	vmul.f32 v2, v7;
	v4 =	vadd.f32 $0.0e+00, v4  }
0xde: {  	v25 =	vor.u32 $0x7, v1;
	v7 =	vld.idx.msk [tilespmem:v8+s2+$0x0], $0xffff  }
0xdf: {  	v13 =	vld.idx.msk [tilespmem:v10+s1+$0x0], $0xffff;
	v3 =	vmul.f32 v3, v9;
	v2 =	vadd.f32 v2, v4  }
0xe0: {  	v26 =	vor.u32 $0x8, v1;
	v4 =	vld.idx.msk [tilespmem:v10+s2+$0x0], $0xffff  }
0xe1: {  	v27 =	vld.idx.msk [tilespmem:v6+s1+$0x0], $0xffff;
	v2 =	vadd.f32 v3, v2;
	v3 =	vmul.f32 v5, v11  }
0xe2: {  	v5 =	vld.idx.msk [tilespmem:v6+s2+$0x0], $0xffff;
	v6 =	vor.u32 $0x9, v1  }
0xe3: {  	v28 =	vld.idx.msk [tilespmem:v25+s1+$0x0], $0xffff;
	v2 =	vadd.f32 v3, v2;
	v3 =	vmul.f32 v7, v12  }
0xe4: {  	v29 =	vor.u32 $0xA, v1;
	v7 =	vld.idx.msk [tilespmem:v25+s2+$0x0], $0xffff  }
0xe5: {  	v30 =	vld.idx.msk [tilespmem:v26+s1+$0x0], $0xffff;
	v2 =	vadd.f32 v3, v2;
	v3 =	vmul.f32 v4, v13  }
0xe6: {  	v31 =	vor.u32 $0xB, v1;
	v4 =	vld.idx.msk [tilespmem:v26+s2+$0x0], $0xffff  }
0xe7: {  	v32 =	vld.idx.msk [tilespmem:v6+s1+$0x0], $0xffff;
	v2 =	vadd.f32 v3, v2;
	v3 =	vmul.f32 v5, v27  }
0xe8: {  	v5 =	vld.idx.msk [tilespmem:v6+s2+$0x0], $0xffff;
	v6 =	vor.u32 $0xC, v1  }
0xe9: {  	v33 =	vld.idx.msk [tilespmem:v29+s1+$0x0], $0xffff;
	v2 =	vadd.f32 v3, v2;
	v3 =	vmul.f32 v7, v28  }
0xea: {  	v34 =	vor.u32 $0xD, v1;
	v7 =	vld.idx.msk [tilespmem:v29+s2+$0x0], $0xffff  }
0xeb: {  	v35 =	vld.idx.msk [tilespmem:v31+s1+$0x0], $0xffff;
	v2 =	vadd.f32 v3, v2;
	v3 =	vmul.f32 v4, v30  }
0xec: {  	v36 =	vor.u32 $0xE, v1;
	v4 =	vld.idx.msk [tilespmem:v31+s2+$0x0], $0xffff  }
0xed: {  	v37 =	vld.idx.msk [tilespmem:v6+s1+$0x0], $0xffff;
	v2 =	vadd.f32 v3, v2;
	v3 =	vmul.f32 v5, v32  }
0xee: {  	v5 =	vld.idx.msk [tilespmem:v6+s2+$0x0], $0xffff;
	v6 =	vor.u32 $0xF, v1  }
0xef: {  	v38 =	vld.idx.msk [tilespmem:v34+s1+$0x0], $0xffff;
	v2 =	vadd.f32 v3, v2;
	v3 =	vmul.f32 v7, v33  }
0xf0: {  	v39 =	vor.u32 $0x10, v1;
	v7 =	vld.idx.msk [tilespmem:v34+s2+$0x0], $0xffff  }
0xf1: {  	v40 =	vld.idx.msk [tilespmem:v36+s1+$0x0], $0xffff;
	v2 =	vadd.f32 v3, v2;
	v3 =	vmul.f32 v4, v35  }
0xf2: {  	v41 =	vor.u32 $0x11, v1;
	v4 =	vld.idx.msk [tilespmem:v36+s2+$0x0], $0xffff  }
0xf3: {  	v42 =	vld.idx.msk [tilespmem:v6+s1+$0x0], $0xffff;
	v2 =	vadd.f32 v3, v2;
	v3 =	vmul.f32 v5, v37  }
0xf4: {  	v5 =	vld.idx.msk [tilespmem:v6+s2+$0x0], $0xffff;
	v6 =	vor.u32 $0x12, v1  }
0xf5: {  	v43 =	vld.idx.msk [tilespmem:v39+s1+$0x0], $0xffff;
	v2 =	vadd.f32 v3, v2;
	v3 =	vmul.f32 v7, v38  }
0xf6: {  	v44 =	vor.u32 $0x13, v1;
	v7 =	vld.idx.msk [tilespmem:v39+s2+$0x0], $0xffff  }
0xf7: {  	v45 =	vld.idx.msk [tilespmem:v41+s1+$0x0], $0xffff;
	v2 =	vadd.f32 v3, v2;
	v3 =	vmul.f32 v4, v40  }
0xf8: {  	v46 =	vor.u32 $0x14, v1;
	v4 =	vld.idx.msk [tilespmem:v41+s2+$0x0], $0xffff  }
0xf9: {  	v47 =	vld.idx.msk [tilespmem:v6+s1+$0x0], $0xffff;
	v2 =	vadd.f32 v3, v2;
	v3 =	vmul.f32 v5, v42  }
0xfa: {  	v5 =	vld.idx.msk [tilespmem:v6+s2+$0x0], $0xffff;
	v6 =	vor.u32 $0x15, v1  }
0xfb: {  	v48 =	vld.idx.msk [tilespmem:v44+s1+$0x0], $0xffff;
	v2 =	vadd.f32 v3, v2;
	v3 =	vmul.f32 v7, v43  }
0xfc: {  	v49 =	vor.u32 $0x16, v1;
	v7 =	vld.idx.msk [tilespmem:v44+s2+$0x0], $0xffff  }
0xfd: {  	v50 =	vld.idx.msk [tilespmem:v46+s1+$0x0], $0xffff;
	v2 =	vadd.f32 v3, v2;
	v3 =	vmul.f32 v4, v45  }
0xfe: {  	v51 =	vor.u32 $0x17, v1;
	v4 =	vld.idx.msk [tilespmem:v46+s2+$0x0], $0xffff  }
0xff: {  	v52 =	vld.idx.msk [tilespmem:v6+s1+$0x0], $0xffff;
	v2 =	vadd.f32 v3, v2;
	v3 =	vmul.f32 v5, v47  }
0x100: {  	v5 =	vld.idx.msk [tilespmem:v6+s2+$0x0], $0xffff;
	v6 =	vor.u32 $0x18, v1  }
0x101: {  	v53 =	vld.idx.msk [tilespmem:v49+s1+$0x0], $0xffff;
	v2 =	vadd.f32 v3, v2;
	v3 =	vmul.f32 v7, v48  }
0x102: {  	v54 =	vor.u32 $0x19, v1;
	v7 =	vld.idx.msk [tilespmem:v49+s2+$0x0], $0xffff  }
0x103: {  	v55 =	vld.idx.msk [tilespmem:v51+s1+$0x0], $0xffff;
	v2 =	vadd.f32 v3, v2;
	v3 =	vmul.f32 v4, v50  }
0x104: {  	v56 =	vor.u32 $0x1A, v1;
	v4 =	vld.idx.msk [tilespmem:v51+s2+$0x0], $0xffff  }
0x105: {  	v57 =	vld.idx.msk [tilespmem:v6+s1+$0x0], $0xffff;
	v2 =	vadd.f32 v3, v2;
	v3 =	vmul.f32 v5, v52  }
0x106: {  	v5 =	vld.idx.msk [tilespmem:v6+s2+$0x0], $0xffff;
	v6 =	vor.u32 $0x1B, v1  }
0x107: {  	v58 =	vld.idx.msk [tilespmem:v54+s1+$0x0], $0xffff;
	v2 =	vadd.f32 v3, v2;
	v3 =	vmul.f32 v7, v53  }
0x108: {  	v59 =	vor.u32 $0x1C, v1;
	v7 =	vld.idx.msk [tilespmem:v54+s2+$0x0], $0xffff  }
0x109: {  	v60 =	vld.idx.msk [tilespmem:v56+s1+$0x0], $0xffff;
	v2 =	vadd.f32 v3, v2;
	v3 =	vmul.f32 v4, v55  }
0x10a: {  	v61 =	vor.u32 $0x1D, v1;
	v4 =	vld.idx.msk [tilespmem:v56+s2+$0x0], $0xffff  }
0x10b: {  	v62 =	vld.idx.msk [tilespmem:v6+s1+$0x0], $0xffff;
	v2 =	vadd.f32 v3, v2;
	v3 =	vmul.f32 v5, v57  }
0x10c: {  	v5 =	vld.idx.msk [tilespmem:v6+s2+$0x0], $0xffff;
	v6 =	vor.u32 $0x1E, v1  }
0x10d: {  	v63 =	vld.idx.msk [tilespmem:v59+s1+$0x0], $0xffff;
	v2 =	vadd.f32 v3, v2;
	v3 =	vmul.f32 v7, v58  }
0x10e: {  	v1 =	vor.u32 $0x1F, v1;
	v7 =	vld.idx.msk [tilespmem:v59+s2+$0x0], $0xffff  }
0x10f: {  	v15 =	vld.idx.msk [tilespmem:v61+s1+$0x0], $0xffff;
	v2 =	vadd.f32 v3, v2;
	v3 =	vmul.f32 v4, v60  }
0x110: {  	v4 =	vld.idx.msk [tilespmem:v61+s2+$0x0], $0xffff  }
0x111: {  	v16 =	vld.idx.msk [tilespmem:v6+s1+$0x0], $0xffff;
	v2 =	vadd.f32 v3, v2;
	v3 =	vmul.f32 v5, v62  }
0x112: {  	v5 =	vld.idx.msk [tilespmem:v6+s2+$0x0], $0xffff  }
0x113: {  	v6 =	vld.idx.msk [tilespmem:v1+s1+$0x0], $0xffff;
	v2 =	vadd.f32 v3, v2;
	v3 =	vmul.f32 v7, v63  }
0x114: {  	v7 =	vld.idx.msk [tilespmem:v1+s2+$0x0], $0xffff  }
0x115: {  	v1 =	vadd.f32 v3, v2;
	v2 =	vmul.f32 v4, v15  }
0x116: {  	s30 =	simm.s32 $0x10  }
0x117: {  	v3 =	vmov s30;
	v4 =	vmul.f32 v5, v16;
	v2 =	vadd.f32 v2, v1  }
0x118: {  	v1 =	vshll.u32 v3, $0x7  }
0x119: {  	v1 =	vor.u32 v0, v1;
	v3 =	vmul.f32 v7, v6;
	v2 =	vadd.f32 v4, v2;
	_ =	sdelay $0x1  }
0x11a: {  	v4 =	vor.u32 $0x1, v1;
	v2 =	vadd.f32 v3, v2  }
0x11b: {  	s16 =	simm.s32 $0x10400  }
0x11c: {  	v3 =	vor.u32 $0x2, v1;
	[tilespmem:s16+$0x0] =	vst v2  }
0x11d: {  	v2 =	vld.idx.msk [tilespmem:v1+s2+$0x0], $0xffff  }
0x11e: {  	v6 =	vor.u32 $0x3, v1;
	v5 =	vld.idx.msk [tilespmem:v1+s1+$0x0], $0xffff  }
0x11f: {  	v7 =	vld.idx.msk [tilespmem:v4+s1+$0x0], $0xffff  }
0x120: {  	v17 =	vor.u32 $0x4, v1;
	v4 =	vld.idx.msk [tilespmem:v4+s2+$0x0], $0xffff  }
0x121: {  	v18 =	vld.idx.msk [tilespmem:v3+s1+$0x0], $0xffff  }
0x122: {  	v19 =	vor.u32 $0x5, v1;
	v3 =	vld.idx.msk [tilespmem:v3+s2+$0x0], $0xffff  }
0x123: {  	v20 =	vld.idx.msk [tilespmem:v6+s1+$0x0], $0xffff;
	v2 =	vmul.f32 v2, v5  }
0x124: {  	v5 =	vld.idx.msk [tilespmem:v6+s2+$0x0], $0xffff;
	v6 =	vor.u32 $0x6, v1  }
0x125: {  	v21 =	vld.idx.msk [tilespmem:v17+s1+$0x0], $0xffff;
	v4 =	vmul.f32 v4, v7;
	v2 =	vadd.f32 $0.0e+00, v2  }
0x126: {  	v22 =	vor.u32 $0x7, v1;
	v7 =	vld.idx.msk [tilespmem:v17+s2+$0x0], $0xffff  }
0x127: {  	v23 =	vld.idx.msk [tilespmem:v19+s1+$0x0], $0xffff;
	v3 =	vmul.f32 v3, v18;
	v2 =	vadd.f32 v4, v2  }
0x128: {  	v24 =	vor.u32 $0x8, v1;
	v4 =	vld.idx.msk [tilespmem:v19+s2+$0x0], $0xffff  }
0x129: {  	v25 =	vld.idx.msk [tilespmem:v6+s1+$0x0], $0xffff;
	v2 =	vadd.f32 v3, v2;
	v3 =	vmul.f32 v5, v20  }
0x12a: {  	v5 =	vld.idx.msk [tilespmem:v6+s2+$0x0], $0xffff;
	v6 =	vor.u32 $0x9, v1  }
0x12b: {  	v26 =	vld.idx.msk [tilespmem:v22+s1+$0x0], $0xffff;
	v2 =	vadd.f32 v3, v2;
	v3 =	vmul.f32 v7, v21  }
0x12c: {  	v27 =	vor.u32 $0xA, v1;
	v7 =	vld.idx.msk [tilespmem:v22+s2+$0x0], $0xffff  }
0x12d: {  	v28 =	vld.idx.msk [tilespmem:v24+s1+$0x0], $0xffff;
	v2 =	vadd.f32 v3, v2;
	v3 =	vmul.f32 v4, v23  }
0x12e: {  	v29 =	vor.u32 $0xB, v1;
	v4 =	vld.idx.msk [tilespmem:v24+s2+$0x0], $0xffff  }
0x12f: {  	v30 =	vld.idx.msk [tilespmem:v6+s1+$0x0], $0xffff;
	v2 =	vadd.f32 v3, v2;
	v3 =	vmul.f32 v5, v25  }
0x130: {  	v5 =	vld.idx.msk [tilespmem:v6+s2+$0x0], $0xffff;
	v6 =	vor.u32 $0xC, v1  }
0x131: {  	v31 =	vld.idx.msk [tilespmem:v27+s1+$0x0], $0xffff;
	v2 =	vadd.f32 v3, v2;
	v3 =	vmul.f32 v7, v26  }
0x132: {  	v32 =	vor.u32 $0xD, v1;
	v7 =	vld.idx.msk [tilespmem:v27+s2+$0x0], $0xffff  }
0x133: {  	v33 =	vld.idx.msk [tilespmem:v29+s1+$0x0], $0xffff;
	v2 =	vadd.f32 v3, v2;
	v3 =	vmul.f32 v4, v28  }
0x134: {  	v34 =	vor.u32 $0xE, v1;
	v4 =	vld.idx.msk [tilespmem:v29+s2+$0x0], $0xffff  }
0x135: {  	v35 =	vld.idx.msk [tilespmem:v6+s1+$0x0], $0xffff;
	v2 =	vadd.f32 v3, v2;
	v3 =	vmul.f32 v5, v30  }
0x136: {  	v5 =	vld.idx.msk [tilespmem:v6+s2+$0x0], $0xffff;
	v6 =	vor.u32 $0xF, v1  }
0x137: {  	v36 =	vld.idx.msk [tilespmem:v32+s1+$0x0], $0xffff;
	v2 =	vadd.f32 v3, v2;
	v3 =	vmul.f32 v7, v31  }
0x138: {  	v37 =	vor.u32 $0x10, v1;
	v7 =	vld.idx.msk [tilespmem:v32+s2+$0x0], $0xffff  }
0x139: {  	v38 =	vld.idx.msk [tilespmem:v34+s1+$0x0], $0xffff;
	v2 =	vadd.f32 v3, v2;
	v3 =	vmul.f32 v4, v33  }
0x13a: {  	v39 =	vor.u32 $0x11, v1;
	v4 =	vld.idx.msk [tilespmem:v34+s2+$0x0], $0xffff  }
0x13b: {  	v40 =	vld.idx.msk [tilespmem:v6+s1+$0x0], $0xffff;
	v2 =	vadd.f32 v3, v2;
	v3 =	vmul.f32 v5, v35  }
0x13c: {  	v5 =	vld.idx.msk [tilespmem:v6+s2+$0x0], $0xffff;
	v6 =	vor.u32 $0x12, v1  }
0x13d: {  	v41 =	vld.idx.msk [tilespmem:v37+s1+$0x0], $0xffff;
	v2 =	vadd.f32 v3, v2;
	v3 =	vmul.f32 v7, v36  }
0x13e: {  	v42 =	vor.u32 $0x13, v1;
	v7 =	vld.idx.msk [tilespmem:v37+s2+$0x0], $0xffff  }
0x13f: {  	v43 =	vld.idx.msk [tilespmem:v39+s1+$0x0], $0xffff;
	v2 =	vadd.f32 v3, v2;
	v3 =	vmul.f32 v4, v38  }
0x140: {  	v44 =	vor.u32 $0x14, v1;
	v4 =	vld.idx.msk [tilespmem:v39+s2+$0x0], $0xffff  }
0x141: {  	v45 =	vld.idx.msk [tilespmem:v6+s1+$0x0], $0xffff;
	v2 =	vadd.f32 v3, v2;
	v3 =	vmul.f32 v5, v40  }
0x142: {  	v5 =	vld.idx.msk [tilespmem:v6+s2+$0x0], $0xffff;
	v6 =	vor.u32 $0x15, v1  }
0x143: {  	v46 =	vld.idx.msk [tilespmem:v42+s1+$0x0], $0xffff;
	v2 =	vadd.f32 v3, v2;
	v3 =	vmul.f32 v7, v41  }
0x144: {  	v47 =	vor.u32 $0x16, v1;
	v7 =	vld.idx.msk [tilespmem:v42+s2+$0x0], $0xffff  }
0x145: {  	v48 =	vld.idx.msk [tilespmem:v44+s1+$0x0], $0xffff;
	v2 =	vadd.f32 v3, v2;
	v3 =	vmul.f32 v4, v43  }
0x146: {  	v49 =	vor.u32 $0x17, v1;
	v4 =	vld.idx.msk [tilespmem:v44+s2+$0x0], $0xffff  }
0x147: {  	v50 =	vld.idx.msk [tilespmem:v6+s1+$0x0], $0xffff;
	v2 =	vadd.f32 v3, v2;
	v3 =	vmul.f32 v5, v45  }
0x148: {  	v5 =	vld.idx.msk [tilespmem:v6+s2+$0x0], $0xffff;
	v6 =	vor.u32 $0x18, v1  }
0x149: {  	v51 =	vld.idx.msk [tilespmem:v47+s1+$0x0], $0xffff;
	v2 =	vadd.f32 v3, v2;
	v3 =	vmul.f32 v7, v46  }
0x14a: {  	v52 =	vor.u32 $0x19, v1;
	v7 =	vld.idx.msk [tilespmem:v47+s2+$0x0], $0xffff  }
0x14b: {  	v53 =	vld.idx.msk [tilespmem:v49+s1+$0x0], $0xffff;
	v2 =	vadd.f32 v3, v2;
	v3 =	vmul.f32 v4, v48  }
0x14c: {  	v54 =	vor.u32 $0x1A, v1;
	v4 =	vld.idx.msk [tilespmem:v49+s2+$0x0], $0xffff  }
0x14d: {  	v55 =	vld.idx.msk [tilespmem:v6+s1+$0x0], $0xffff;
	v2 =	vadd.f32 v3, v2;
	v3 =	vmul.f32 v5, v50  }
0x14e: {  	v5 =	vld.idx.msk [tilespmem:v6+s2+$0x0], $0xffff;
	v6 =	vor.u32 $0x1B, v1  }
0x14f: {  	v56 =	vld.idx.msk [tilespmem:v52+s1+$0x0], $0xffff;
	v2 =	vadd.f32 v3, v2;
	v3 =	vmul.f32 v7, v51  }
0x150: {  	v57 =	vor.u32 $0x1C, v1;
	v7 =	vld.idx.msk [tilespmem:v52+s2+$0x0], $0xffff  }
0x151: {  	v58 =	vld.idx.msk [tilespmem:v54+s1+$0x0], $0xffff;
	v2 =	vadd.f32 v3, v2;
	v3 =	vmul.f32 v4, v53  }
0x152: {  	v4 =	vld.idx.msk [tilespmem:v54+s2+$0x0], $0xffff  }
0x153: {  	v60 =	vld.idx.msk [tilespmem:v6+s1+$0x0], $0xffff;
	v2 =	vadd.f32 v3, v2;
	v3 =	vmul.f32 v5, v55  }
0x154: {  	v59 =	vor.u32 $0x1D, v1;
	v5 =	vld.idx.msk [tilespmem:v6+s2+$0x0], $0xffff  }
0x155: {  	v61 =	vld.idx.msk [tilespmem:v57+s1+$0x0], $0xffff;
	v2 =	vadd.f32 v3, v2;
	v3 =	vmul.f32 v7, v56  }
0x156: {  	v6 =	vor.u32 $0x1E, v1;
	v7 =	vld.idx.msk [tilespmem:v57+s2+$0x0], $0xffff  }
0x157: {  	v2 =	vadd.f32 v3, v2;
	v3 =	vmul.f32 v4, v58  }
0x158: {  	v1 =	vor.u32 $0x1F, v1  }
0x159: {  	v62 =	vld.idx.msk [tilespmem:v59+s1+$0x0], $0xffff;
	v2 =	vadd.f32 v3, v2;
	v3 =	vmul.f32 v5, v60  }
0x15a: {  	v4 =	vld.idx.msk [tilespmem:v59+s2+$0x0], $0xffff  }
0x15b: {  	v63 =	vld.idx.msk [tilespmem:v6+s1+$0x0], $0xffff;
	v2 =	vadd.f32 v3, v2;
	v3 =	vmul.f32 v7, v61  }
0x15c: {  	v5 =	vld.idx.msk [tilespmem:v6+s2+$0x0], $0xffff  }
0x15d: {  	v6 =	vadd.f32 v3, v2;
	v2 =	vld.idx.msk [tilespmem:v1+s1+$0x0], $0xffff  }
0x15e: {  	v3 =	vld.idx.msk [tilespmem:v1+s2+$0x0], $0xffff  }
0x15f: {  	v4 =	vmul.f32 v4, v62  }
0x160: {  	s31 =	simm.s32 $0x20  }
0x161: {  	v7 =	vmov s31;
	v5 =	vmul.f32 v5, v63;
	v4 =	vadd.f32 v4, v6  }
0x162: {  	s17 =	simm.s32 $0x30;
	v1 =	vshll.u32 v7, $0x7  }
.LBB2_4:
0x163: {  	p0 =	sne.s32 s17, $0xF0;
	v1 =	vor.u32 v0, v1;
	v4 =	vadd.f32 v5, v4;
	v2 =	vmul.f32 v3, v2;
	_ =	sdelay $0x1  }
0x164: {  	v3 =	vor.u32 $0x1, v1;
	v2 =	vadd.f32 v2, v4  }
0x165: {  	s16 =	sadd.s32 $0x10, s16  }
0x166: {  	v4 =	vor.u32 $0x2, v1;
	[tilespmem:s16+$0x0] =	vst v2  }
0x167: {  	v2 =	vld.idx.msk [tilespmem:v1+s2+$0x0], $0xffff  }
0x168: {  	v6 =	vor.u32 $0x3, v1;
	v5 =	vld.idx.msk [tilespmem:v1+s1+$0x0], $0xffff  }
0x169: {  	v7 =	vld.idx.msk [tilespmem:v3+s1+$0x0], $0xffff  }
0x16a: {  	v8 =	vor.u32 $0x4, v1;
	v3 =	vld.idx.msk [tilespmem:v3+s2+$0x0], $0xffff  }
0x16b: {  	v9 =	vld.idx.msk [tilespmem:v4+s1+$0x0], $0xffff  }
0x16c: {  	v10 =	vor.u32 $0x5, v1;
	v4 =	vld.idx.msk [tilespmem:v4+s2+$0x0], $0xffff  }
0x16d: {  	v11 =	vld.idx.msk [tilespmem:v6+s1+$0x0], $0xffff  }
0x16e: {  	v2 =	vmul.f32 v2, v5;
	v5 =	vld.idx.msk [tilespmem:v6+s2+$0x0], $0xffff;
	v6 =	vor.u32 $0x6, v1  }
0x16f: {  	v12 =	vld.idx.msk [tilespmem:v8+s1+$0x0], $0xffff  }
0x170: {  	v2 =	vadd.f32 $0.0e+00, v2;
	v3 =	vmul.f32 v3, v7;
	v7 =	vld.idx.msk [tilespmem:v8+s2+$0x0], $0xffff;
	v8 =	vor.u32 $0x7, v1  }
0x171: {  	v13 =	vld.idx.msk [tilespmem:v10+s1+$0x0], $0xffff  }
0x172: {  	v2 =	vadd.f32 v3, v2;
	v3 =	vmul.f32 v4, v9;
	v9 =	vor.u32 $0x8, v1;
	v4 =	vld.idx.msk [tilespmem:v10+s2+$0x0], $0xffff  }
0x173: {  	v10 =	vld.idx.msk [tilespmem:v6+s1+$0x0], $0xffff  }
0x174: {  	v2 =	vadd.f32 v3, v2;
	v3 =	vmul.f32 v5, v11;
	v5 =	vld.idx.msk [tilespmem:v6+s2+$0x0], $0xffff;
	v6 =	vor.u32 $0x9, v1  }
0x175: {  	v11 =	vld.idx.msk [tilespmem:v8+s1+$0x0], $0xffff  }
0x176: {  	v2 =	vadd.f32 v3, v2;
	v3 =	vmul.f32 v7, v12;
	v7 =	vld.idx.msk [tilespmem:v8+s2+$0x0], $0xffff;
	v8 =	vor.u32 $0xA, v1  }
0x177: {  	v12 =	vld.idx.msk [tilespmem:v9+s1+$0x0], $0xffff  }
0x178: {  	v2 =	vadd.f32 v3, v2;
	v3 =	vmul.f32 v4, v13;
	v4 =	vld.idx.msk [tilespmem:v9+s2+$0x0], $0xffff;
	v9 =	vor.u32 $0xB, v1  }
0x179: {  	v13 =	vld.idx.msk [tilespmem:v6+s1+$0x0], $0xffff  }
0x17a: {  	v2 =	vadd.f32 v3, v2;
	v3 =	vmul.f32 v5, v10;
	v5 =	vld.idx.msk [tilespmem:v6+s2+$0x0], $0xffff;
	v6 =	vor.u32 $0xC, v1  }
0x17b: {  	v10 =	vld.idx.msk [tilespmem:v8+s1+$0x0], $0xffff  }
0x17c: {  	v2 =	vadd.f32 v3, v2;
	v3 =	vmul.f32 v7, v11;
	v7 =	vld.idx.msk [tilespmem:v8+s2+$0x0], $0xffff;
	v8 =	vor.u32 $0xD, v1  }
0x17d: {  	v11 =	vld.idx.msk [tilespmem:v9+s1+$0x0], $0xffff  }
0x17e: {  	v2 =	vadd.f32 v3, v2;
	v3 =	vmul.f32 v4, v12;
	v4 =	vld.idx.msk [tilespmem:v9+s2+$0x0], $0xffff;
	v9 =	vor.u32 $0xE, v1  }
0x17f: {  	v12 =	vld.idx.msk [tilespmem:v6+s1+$0x0], $0xffff  }
0x180: {  	v2 =	vadd.f32 v3, v2;
	v3 =	vmul.f32 v5, v13;
	v5 =	vld.idx.msk [tilespmem:v6+s2+$0x0], $0xffff;
	v6 =	vor.u32 $0xF, v1  }
0x181: {  	v13 =	vld.idx.msk [tilespmem:v8+s1+$0x0], $0xffff  }
0x182: {  	v2 =	vadd.f32 v3, v2;
	v3 =	vmul.f32 v7, v10;
	v7 =	vld.idx.msk [tilespmem:v8+s2+$0x0], $0xffff;
	v8 =	vor.u32 $0x10, v1  }
0x183: {  	v10 =	vld.idx.msk [tilespmem:v9+s1+$0x0], $0xffff  }
0x184: {  	v2 =	vadd.f32 v3, v2;
	v3 =	vmul.f32 v4, v11;
	v4 =	vld.idx.msk [tilespmem:v9+s2+$0x0], $0xffff;
	v9 =	vor.u32 $0x11, v1  }
0x185: {  	v11 =	vld.idx.msk [tilespmem:v6+s1+$0x0], $0xffff  }
0x186: {  	v2 =	vadd.f32 v3, v2;
	v3 =	vmul.f32 v5, v12;
	v5 =	vld.idx.msk [tilespmem:v6+s2+$0x0], $0xffff;
	v6 =	vor.u32 $0x12, v1  }
0x187: {  	v12 =	vld.idx.msk [tilespmem:v8+s1+$0x0], $0xffff  }
0x188: {  	v2 =	vadd.f32 v3, v2;
	v3 =	vmul.f32 v7, v13;
	v7 =	vld.idx.msk [tilespmem:v8+s2+$0x0], $0xffff;
	v8 =	vor.u32 $0x13, v1  }
0x189: {  	v13 =	vld.idx.msk [tilespmem:v9+s1+$0x0], $0xffff  }
0x18a: {  	v2 =	vadd.f32 v3, v2;
	v3 =	vmul.f32 v4, v10;
	v4 =	vld.idx.msk [tilespmem:v9+s2+$0x0], $0xffff;
	v9 =	vor.u32 $0x14, v1  }
0x18b: {  	v10 =	vld.idx.msk [tilespmem:v6+s1+$0x0], $0xffff  }
0x18c: {  	v2 =	vadd.f32 v3, v2;
	v3 =	vmul.f32 v5, v11;
	v5 =	vld.idx.msk [tilespmem:v6+s2+$0x0], $0xffff;
	v6 =	vor.u32 $0x15, v1  }
0x18d: {  	v11 =	vld.idx.msk [tilespmem:v8+s1+$0x0], $0xffff  }
0x18e: {  	v2 =	vadd.f32 v3, v2;
	v3 =	vmul.f32 v7, v12;
	v7 =	vld.idx.msk [tilespmem:v8+s2+$0x0], $0xffff;
	v8 =	vor.u32 $0x16, v1  }
0x18f: {  	v12 =	vld.idx.msk [tilespmem:v9+s1+$0x0], $0xffff  }
0x190: {  	v2 =	vadd.f32 v3, v2;
	v3 =	vmul.f32 v4, v13;
	v4 =	vld.idx.msk [tilespmem:v9+s2+$0x0], $0xffff;
	v9 =	vor.u32 $0x17, v1  }
0x191: {  	v13 =	vld.idx.msk [tilespmem:v6+s1+$0x0], $0xffff  }
0x192: {  	v2 =	vadd.f32 v3, v2;
	v3 =	vmul.f32 v5, v10;
	v5 =	vld.idx.msk [tilespmem:v6+s2+$0x0], $0xffff;
	v6 =	vor.u32 $0x18, v1  }
0x193: {  	v10 =	vld.idx.msk [tilespmem:v8+s1+$0x0], $0xffff  }
0x194: {  	v2 =	vadd.f32 v3, v2;
	v3 =	vmul.f32 v7, v11;
	v7 =	vld.idx.msk [tilespmem:v8+s2+$0x0], $0xffff;
	v8 =	vor.u32 $0x19, v1  }
0x195: {  	v11 =	vld.idx.msk [tilespmem:v9+s1+$0x0], $0xffff  }
0x196: {  	v2 =	vadd.f32 v3, v2;
	v3 =	vmul.f32 v4, v12;
	v4 =	vld.idx.msk [tilespmem:v9+s2+$0x0], $0xffff;
	v9 =	vor.u32 $0x1A, v1  }
0x197: {  	v12 =	vld.idx.msk [tilespmem:v6+s1+$0x0], $0xffff  }
0x198: {  	v2 =	vadd.f32 v3, v2;
	v3 =	vmul.f32 v5, v13;
	v5 =	vld.idx.msk [tilespmem:v6+s2+$0x0], $0xffff;
	v6 =	vor.u32 $0x1B, v1  }
0x199: {  	v13 =	vld.idx.msk [tilespmem:v8+s1+$0x0], $0xffff  }
0x19a: {  	v2 =	vadd.f32 v3, v2;
	v3 =	vmul.f32 v7, v10;
	v7 =	vld.idx.msk [tilespmem:v8+s2+$0x0], $0xffff;
	v8 =	vor.u32 $0x1C, v1  }
0x19b: {  	v10 =	vld.idx.msk [tilespmem:v9+s1+$0x0], $0xffff  }
0x19c: {  	v2 =	vadd.f32 v3, v2;
	v3 =	vmul.f32 v4, v11;
	v4 =	vld.idx.msk [tilespmem:v9+s2+$0x0], $0xffff;
	v9 =	vor.u32 $0x1D, v1  }
0x19d: {  	v11 =	vld.idx.msk [tilespmem:v6+s1+$0x0], $0xffff  }
0x19e: {  	v2 =	vadd.f32 v3, v2;
	v3 =	vmul.f32 v5, v12;
	v5 =	vld.idx.msk [tilespmem:v6+s2+$0x0], $0xffff;
	v6 =	vor.u32 $0x1E, v1  }
0x19f: {  	v12 =	vld.idx.msk [tilespmem:v8+s1+$0x0], $0xffff  }
0x1a0: {  	v1 =	vor.u32 $0x1F, v1;
	v2 =	vadd.f32 v3, v2;
	v3 =	vmul.f32 v7, v13;
	v7 =	vld.idx.msk [tilespmem:v8+s2+$0x0], $0xffff  }
0x1a1: {  	v8 =	vld.idx.msk [tilespmem:v9+s1+$0x0], $0xffff  }
0x1a2: {  	v2 =	vadd.f32 v3, v2;
	v3 =	vmul.f32 v4, v10;
	v4 =	vld.idx.msk [tilespmem:v9+s2+$0x0], $0xffff  }
0x1a3: {  	v9 =	vld.idx.msk [tilespmem:v6+s1+$0x0], $0xffff  }
0x1a4: {  	v3 =	vadd.f32 v3, v2;
	v5 =	vmul.f32 v5, v11;
	v6 =	vld.idx.msk [tilespmem:v6+s2+$0x0], $0xffff  }
0x1a5: {  	v2 =	vld.idx.msk [tilespmem:v1+s1+$0x0], $0xffff  }
0x1a6: {  	v5 =	vadd.f32 v5, v3;
	v7 =	vmul.f32 v7, v12;
	v3 =	vld.idx.msk [tilespmem:v1+s2+$0x0], $0xffff  }
.Ltmp1:
0x1a7: {  	(pc) =	sbr.rel @p0 .LBB2_4-.Ltmp1, $3  }
0x1a8: {  	v1 =	vadd.f32 v7, v5;
	v4 =	vmul.f32 v4, v8;
	_ =	sdelay $0x1  }
0x1a9: {  	v7 =	vmov s17;
	v4 =	vadd.f32 v4, v1;
	v5 =	vmul.f32 v6, v9  }
0x1aa: {  	s17 =	sadd.s32 $0x10, s17;
	v1 =	vshll.u32 v7, $0x7  }
0x1ab: {  	v1 =	vor.u32 v0, v1;
	v4 =	vadd.f32 v5, v4;
	v2 =	vmul.f32 v3, v2;
	_ =	sdelay $0x1  }
0x1ac: {  	v3 =	vor.u32 $0x1, v1;
	v2 =	vadd.f32 v2, v4  }
0x1ad: {  	s0 =	sadd.s32 $0x10, s16  }
0x1ae: {  	v31 =	vor.u32 $0x2, v1;
	[tilespmem:s0+$0x0] =	vst v2  }
0x1af: {  	v2 =	vld.idx.msk [tilespmem:v1+s2+$0x0], $0xffff  }
0x1b0: {  	v6 =	vor.u32 $0x3, v1;
	v32 =	vld.idx.msk [tilespmem:v1+s1+$0x0], $0xffff  }
0x1b1: {  	v7 =	vld.idx.msk [tilespmem:v3+s1+$0x0], $0xffff  }
0x1b2: {  	v8 =	vor.u32 $0x4, v1;
	v3 =	vld.idx.msk [tilespmem:v3+s2+$0x0], $0xffff  }
0x1b3: {  	v9 =	vld.idx.msk [tilespmem:v31+s1+$0x0], $0xffff  }
0x1b4: {  	v10 =	vor.u32 $0x5, v1;
	v4 =	vld.idx.msk [tilespmem:v31+s2+$0x0], $0xffff  }
0x1b5: {  	v11 =	vld.idx.msk [tilespmem:v6+s1+$0x0], $0xffff;
	v2 =	vmul.f32 v2, v32  }
0x1b6: {  	v34 =	vor.u32 $0x6, v1;
	v33 =	vld.idx.msk [tilespmem:v6+s2+$0x0], $0xffff  }
0x1b7: {  	v12 =	vld.idx.msk [tilespmem:v8+s1+$0x0], $0xffff;
	v3 =	vmul.f32 v3, v7;
	v2 =	vadd.f32 $0.0e+00, v2  }
0x1b8: {  	v36 =	vor.u32 $0x7, v1;
	v35 =	vld.idx.msk [tilespmem:v8+s2+$0x0], $0xffff  }
0x1b9: {  	v13 =	vld.idx.msk [tilespmem:v10+s1+$0x0], $0xffff;
	v2 =	vadd.f32 v3, v2;
	v3 =	vmul.f32 v4, v9  }
0x1ba: {  	v38 =	vor.u32 $0x8, v1;
	v37 =	vld.idx.msk [tilespmem:v10+s2+$0x0], $0xffff  }
0x1bb: {  	v39 =	vld.idx.msk [tilespmem:v34+s1+$0x0], $0xffff;
	v2 =	vadd.f32 v3, v2;
	v3 =	vmul.f32 v33, v11  }
0x1bc: {  	v41 =	vor.u32 $0x9, v1;
	v40 =	vld.idx.msk [tilespmem:v34+s2+$0x0], $0xffff  }
0x1bd: {  	v42 =	vld.idx.msk [tilespmem:v36+s1+$0x0], $0xffff;
	v2 =	vadd.f32 v3, v2;
	v3 =	vmul.f32 v35, v12  }
0x1be: {  	v44 =	vor.u32 $0xA, v1;
	v43 =	vld.idx.msk [tilespmem:v36+s2+$0x0], $0xffff  }
0x1bf: {  	v45 =	vld.idx.msk [tilespmem:v38+s1+$0x0], $0xffff;
	v2 =	vadd.f32 v3, v2;
	v3 =	vmul.f32 v37, v13  }
0x1c0: {  	v47 =	vor.u32 $0xB, v1;
	v46 =	vld.idx.msk [tilespmem:v38+s2+$0x0], $0xffff  }
0x1c1: {  	v48 =	vld.idx.msk [tilespmem:v41+s1+$0x0], $0xffff;
	v2 =	vadd.f32 v3, v2;
	v3 =	vmul.f32 v40, v39  }
0x1c2: {  	v50 =	vor.u32 $0xC, v1;
	v49 =	vld.idx.msk [tilespmem:v41+s2+$0x0], $0xffff  }
0x1c3: {  	v51 =	vld.idx.msk [tilespmem:v44+s1+$0x0], $0xffff;
	v2 =	vadd.f32 v3, v2;
	v3 =	vmul.f32 v43, v42  }
0x1c4: {  	v53 =	vor.u32 $0xD, v1;
	v52 =	vld.idx.msk [tilespmem:v44+s2+$0x0], $0xffff  }
0x1c5: {  	v54 =	vld.idx.msk [tilespmem:v47+s1+$0x0], $0xffff;
	v2 =	vadd.f32 v3, v2;
	v3 =	vmul.f32 v46, v45  }
0x1c6: {  	v56 =	vor.u32 $0xE, v1;
	v55 =	vld.idx.msk [tilespmem:v47+s2+$0x0], $0xffff  }
0x1c7: {  	v57 =	vld.idx.msk [tilespmem:v50+s1+$0x0], $0xffff;
	v2 =	vadd.f32 v3, v2;
	v3 =	vmul.f32 v49, v48  }
0x1c8: {  	v59 =	vor.u32 $0xF, v1;
	v58 =	vld.idx.msk [tilespmem:v50+s2+$0x0], $0xffff  }
0x1c9: {  	v60 =	vld.idx.msk [tilespmem:v53+s1+$0x0], $0xffff;
	v2 =	vadd.f32 v3, v2;
	v3 =	vmul.f32 v52, v51  }
0x1ca: {  	v62 =	vor.u32 $0x10, v1;
	v61 =	vld.idx.msk [tilespmem:v53+s2+$0x0], $0xffff  }
0x1cb: {  	v63 =	vld.idx.msk [tilespmem:v56+s1+$0x0], $0xffff;
	v2 =	vadd.f32 v3, v2;
	v3 =	vmul.f32 v55, v54  }
0x1cc: {  	v17 =	vor.u32 $0x11, v1;
	v16 =	vld.idx.msk [tilespmem:v56+s2+$0x0], $0xffff  }
0x1cd: {  	v18 =	vld.idx.msk [tilespmem:v59+s1+$0x0], $0xffff;
	v2 =	vadd.f32 v3, v2;
	v3 =	vmul.f32 v58, v57  }
0x1ce: {  	v20 =	vor.u32 $0x12, v1;
	v19 =	vld.idx.msk [tilespmem:v59+s2+$0x0], $0xffff  }
0x1cf: {  	v21 =	vld.idx.msk [tilespmem:v62+s1+$0x0], $0xffff;
	v2 =	vadd.f32 v3, v2;
	v3 =	vmul.f32 v61, v60  }
0x1d0: {  	v23 =	vor.u32 $0x13, v1;
	v22 =	vld.idx.msk [tilespmem:v62+s2+$0x0], $0xffff  }
0x1d1: {  	v24 =	vld.idx.msk [tilespmem:v17+s1+$0x0], $0xffff;
	v2 =	vadd.f32 v3, v2;
	v3 =	vmul.f32 v16, v63  }
0x1d2: {  	v26 =	vor.u32 $0x14, v1;
	v25 =	vld.idx.msk [tilespmem:v17+s2+$0x0], $0xffff  }
0x1d3: {  	v27 =	vld.idx.msk [tilespmem:v20+s1+$0x0], $0xffff;
	v2 =	vadd.f32 v3, v2;
	v3 =	vmul.f32 v19, v18  }
0x1d4: {  	v29 =	vor.u32 $0x15, v1;
	v28 =	vld.idx.msk [tilespmem:v20+s2+$0x0], $0xffff  }
0x1d5: {  	v30 =	vld.idx.msk [tilespmem:v23+s1+$0x0], $0xffff;
	v2 =	vadd.f32 v3, v2;
	v3 =	vmul.f32 v22, v21  }
0x1d6: {  	v31 =	vld.idx.msk [tilespmem:v23+s2+$0x0], $0xffff;
	v32 =	vor.u32 $0x16, v1  }
0x1d7: {  	v34 =	vld.idx.msk [tilespmem:v26+s2+$0x0], $0xffff;
	v2 =	vadd.f32 v3, v2;
	v3 =	vmul.f32 v25, v24  }
0x1d8: {  	v33 =	vld.idx.msk [tilespmem:v26+s1+$0x0], $0xffff;
	v35 =	vor.u32 $0x17, v1  }
0x1d9: {  	v36 =	vld.idx.msk [tilespmem:v29+s1+$0x0], $0xffff;
	v2 =	vadd.f32 v3, v2;
	v3 =	vmul.f32 v28, v27  }
0x1da: {  	v38 =	vor.u32 $0x18, v1;
	v37 =	vld.idx.msk [tilespmem:v29+s2+$0x0], $0xffff  }
0x1db: {  	v39 =	vld.idx.msk [tilespmem:v32+s1+$0x0], $0xffff;
	v2 =	vadd.f32 v3, v2;
	v3 =	vmul.f32 v31, v30  }
0x1dc: {  	v41 =	vor.u32 $0x19, v1;
	v40 =	vld.idx.msk [tilespmem:v32+s2+$0x0], $0xffff  }
0x1dd: {  	v42 =	vld.idx.msk [tilespmem:v35+s1+$0x0], $0xffff;
	v2 =	vadd.f32 v3, v2;
	v3 =	vmul.f32 v34, v33  }
0x1de: {  	v44 =	vor.u32 $0x1A, v1;
	v43 =	vld.idx.msk [tilespmem:v35+s2+$0x0], $0xffff  }
0x1df: {  	v45 =	vld.idx.msk [tilespmem:v38+s1+$0x0], $0xffff;
	v2 =	vadd.f32 v3, v2;
	v3 =	vmul.f32 v37, v36  }
0x1e0: {  	v47 =	vor.u32 $0x1B, v1;
	v46 =	vld.idx.msk [tilespmem:v38+s2+$0x0], $0xffff  }
0x1e1: {  	v48 =	vld.idx.msk [tilespmem:v41+s1+$0x0], $0xffff;
	v2 =	vadd.f32 v3, v2;
	v3 =	vmul.f32 v40, v39  }
0x1e2: {  	v50 =	vor.u32 $0x1C, v1;
	v49 =	vld.idx.msk [tilespmem:v41+s2+$0x0], $0xffff  }
0x1e3: {  	v51 =	vld.idx.msk [tilespmem:v44+s1+$0x0], $0xffff;
	v2 =	vadd.f32 v3, v2;
	v3 =	vmul.f32 v43, v42  }
0x1e4: {  	v53 =	vor.u32 $0x1D, v1;
	v52 =	vld.idx.msk [tilespmem:v44+s2+$0x0], $0xffff  }
0x1e5: {  	v54 =	vld.idx.msk [tilespmem:v47+s1+$0x0], $0xffff;
	v2 =	vadd.f32 v3, v2;
	v3 =	vmul.f32 v46, v45  }
0x1e6: {  	v56 =	vor.u32 $0x1E, v1;
	v55 =	vld.idx.msk [tilespmem:v47+s2+$0x0], $0xffff  }
0x1e7: {  	v57 =	vld.idx.msk [tilespmem:v50+s1+$0x0], $0xffff;
	v2 =	vadd.f32 v3, v2;
	v3 =	vmul.f32 v49, v48  }
0x1e8: {  	v1 =	vor.u32 $0x1F, v1;
	v58 =	vld.idx.msk [tilespmem:v50+s2+$0x0], $0xffff  }
0x1e9: {  	v59 =	vld.idx.msk [tilespmem:v53+s1+$0x0], $0xffff;
	v2 =	vadd.f32 v3, v2;
	v3 =	vmul.f32 v52, v51  }
0x1ea: {  	v60 =	vld.idx.msk [tilespmem:v53+s2+$0x0], $0xffff  }
0x1eb: {  	v62 =	vld.idx.msk [tilespmem:v56+s2+$0x0], $0xffff;
	v2 =	vadd.f32 v3, v2;
	v3 =	vmul.f32 v55, v54  }
0x1ec: {  	v61 =	vld.idx.msk [tilespmem:v56+s1+$0x0], $0xffff  }
0x1ed: {  	v63 =	vld.idx.msk [tilespmem:v1+s1+$0x0], $0xffff;
	v2 =	vadd.f32 v3, v2;
	v3 =	vmul.f32 v58, v57  }
0x1ee: {  	v1 =	vld.idx.msk [tilespmem:v1+s2+$0x0], $0xffff  }
0x1ef: {  	v2 =	vadd.f32 v3, v2;
	v3 =	vmul.f32 v60, v59;
	_ =	sdelay $0x1  }
0x1f0: {  	v2 =	vadd.f32 v3, v2;
	v3 =	vmul.f32 v62, v61;
	_ =	sdelay $0x1  }
0x1f1: {  	v1 =	vmul.f32 v1, v63;
	v2 =	vadd.f32 v3, v2;
	_ =	sdelay $0x1  }
0x1f2: {  	v1 =	vadd.f32 v1, v2  }
0x1f3: {  	s0 =	sadd.s32 $0x10, s0  }
0x1f4: {  	s23 =	simm.s32 $0x100;
	[tilespmem:s0+$0x0] =	vst v1  }
0x1f5: {  	s24 =	simm.s32 $0x300;
	v1 =	vld [tilespmem:s23+$0x0]  }
0x1f6: {  	v3 =	vld [tilespmem:s24+$0x0];
	_ =	sdelay $0x3  }
0x1f7: {  	v2 =	vshll.u32 v1, $0x4  }
0x1f8: {  	v1 =	vshll.u32 v3, $0x4;
	(v2sf) =	vpush v2, $0x0  }
0x1f9: {  	(v2sf) =	vpush v1, $0x0  }
0x1fa: {  	(v2sf) =	vpush v2, $0x1;
	_ =	sdelay $0x1  }
0x1fb: {  	(v2sf) =	vpush v1, $0x1;
	_ =	sdelay $0x3  }
0x1fc: {  	(v2sf) =	vpush v2, $0x2;
	_ =	sdelay $0x1  }
0x1fd: {  	(v2sf) =	vpush v1, $0x2  }
0x1fe: {  	s17 =	simm.s32 $0x2000;
	s16 =	simm.s32 $0x0;
	s25 =	simm.s32 $0x8400;
	(v2sf) =	vpush v2, $0x3  }
0x1ff: {  	s5 =	simm.s32 $0x680;
	s6 =	simm.s32 $0x400;
	s12 =	rddreg [dreg:$0x6]  }
0x200: {  	s8 =	simm.s32 $0x600;
	s9 =	simm.s32 $0x580;
	s4 =	rddreg [dreg:$0x5]  }
0x201: {  	s29 =	simm.s32 $0x480;
	s13 =	simm.s32 $0x500;
	s18 =	simm.s32 $0x8500  }
0x202: {  	s2 =	simm.s32 $0x880;
	s0 =	simm.s32 $0x8900;
	s7 =	spop (v2sf);
	(v2sf) =	vpush v1, $0x3  }
0x203: {  	s23 =	simm.s32 $0x8600;
	s7 =	sand.u32 $0x1FFFFFF0, s7;
	s10 =	spop (v2sf)  }
0x204: {  	(v2sf) =	vpush v2, $0x4;
	s7 =	sadd.s32 s12, s7;
	s26 =	sand.u32 $0x1FFFFFF0, s10;
	s28 =	spop (v2sf)  }
0x205: {  	(v2sf) =	vpush v1, $0x4;
	[tilespmem:s6], [sflag:$0x1] =	stream.linear.gather [hbm4b:s7+s3], $0x80, $0x38;
	[tilespmem:$0x10600] =	vst v63  }
0x206: {  	s7 =	sadd.s32 s4, s26;
	s10 =	sand.u32 $0x1FFFFFF0, s28;
	s11 =	spop (v2sf)  }
0x207: {  	(v2sf) =	vpush v2, $0x5;
	[tilespmem:s25], [sflag:$0x2] =	stream.linear.gather [hbm4b:s7+s3], $0x80, $0x38;
	[tilespmem:$0x10600] =	vst v63  }
0x208: {  	s6 =	simm.s32 $0x8580;
	s30 =	sadd.s32 s12, s10;
	s31 =	sand.u32 $0x1FFFFFF0, s11;
	(v2sf) =	vpush v1, $0x5  }
0x209: {  	[tilespmem:s29], [sflag:$0x1] =	stream.linear.gather [hbm4b:s30+s3], $0x80, $0x38;
	[tilespmem:$0x10600] =	vst v63  }
0x20a: {  	s11 =	spop (v2sf);
	s7 =	simm.s32 $0x8480;
	s10 =	sadd.s32 s4, s31;
	(v2sf) =	vpush v2, $0x6  }
0x20b: {  	[tilespmem:s7], [sflag:$0x2] =	stream.linear.gather [hbm4b:s10+s3], $0x80, $0x38;
	[tilespmem:$0x10600] =	vst v63  }
0x20c: {  	s14 =	spop (v2sf);
	s31 =	simm.s32 $0x700;
	s7 =	sand.u32 $0x1FFFFFF0, s11  }
0x20d: {  	s15 =	spop (v2sf);
	s10 =	sand.u32 $0x1FFFFFF0, s14;
	s7 =	sadd.s32 s12, s7  }
0x20e: {  	(v2sf) =	vpush v1, $0x6;
	[tilespmem:s13], [sflag:$0x1] =	stream.linear.gather [hbm4b:s7+s3], $0x80, $0x38;
	[tilespmem:$0x10600] =	vst v63  }
0x20f: {  	s20 =	sand.u32 $0x1FFFFFF0, s15;
	s29 =	simm.s32 $0x8680;
	s19 =	sadd.s32 s4, s10  }
0x210: {  	[tilespmem:s18], [sflag:$0x2] =	stream.linear.gather [hbm4b:s19+s3], $0x80, $0x38;
	[tilespmem:$0x10600] =	vst v63  }
0x211: {  	s22 =	sadd.s32 s12, s20;
	s20 =	simm.s32 $0x8700;
	s21 =	spop (v2sf)  }
0x212: {  	(v2sf) =	vpush v2, $0x7;
	[tilespmem:s9], [sflag:$0x1] =	stream.linear.gather [hbm4b:s22+s3], $0x80, $0x38;
	[tilespmem:$0x10600] =	vst v63  }
0x213: {  	s11 =	simm.s32 $0x8A00;
	s1 =	sand.u32 $0x1FFFFFF0, s21;
	s24 =	spop (v2sf)  }
0x214: {  	s13 =	simm.s32 $0xA80;
	(v2sf) =	vpush v1, $0x7;
	s1 =	sadd.s32 s4, s1;
	s25 =	spop (v2sf)  }
0x215: {  	(v2sf) =	vpush v2, $0x8;
	[tilespmem:s6], [sflag:$0x2] =	stream.linear.gather [hbm4b:s1+s3], $0x80, $0x38;
	[tilespmem:$0x10600] =	vst v63  }
0x216: {  	s9 =	sand.u32 $0x1FFFFFF0, s24;
	s28 =	sand.u32 $0x1FFFFFF0, s25;
	s30 =	spop (v2sf)  }
0x217: {  	s26 =	sadd.s32 s12, s9;
	(v2sf) =	vpush v1, $0x8;
	s6 =	sadd.s32 s4, s28;
	s9 =	spop (v2sf)  }
0x218: {  	(v2sf) =	vpush v2, $0x9;
	[tilespmem:s8], [sflag:$0x1] =	stream.linear.gather [hbm4b:s26+s3], $0x80, $0x38;
	[tilespmem:$0x10600] =	vst v63  }
0x219: {  	s8 =	sand.u32 $0x1FFFFFF0, s30;
	s10 =	spop (v2sf);
	s26 =	simm.s32 $0x8780  }
0x21a: {  	(v2sf) =	vpush v1, $0x9;
	[tilespmem:s23], [sflag:$0x2] =	stream.linear.gather [hbm4b:s6+s3], $0x80, $0x38;
	[tilespmem:$0x10600] =	vst v63  }
0x21b: {  	s7 =	sadd.s32 s12, s8;
	s8 =	sand.u32 $0x1FFFFFF0, s9;
	s15 =	sand.u32 $0x1FFFFFF0, s10;
	(v2sf) =	vpush v2, $0xA  }
0x21c: {  	[tilespmem:s5], [sflag:$0x1] =	stream.linear.gather [hbm4b:s7+s3], $0x80, $0x38;
	[tilespmem:$0x10600] =	vst v63  }
0x21d: {  	s9 =	simm.s32 $0x8A80;
	s18 =	spop (v2sf);
	s14 =	sadd.s32 s4, s8;
	(v2sf) =	vpush v1, $0xA  }
0x21e: {  	[tilespmem:s29], [sflag:$0x2] =	stream.linear.gather [hbm4b:s14+s3], $0x80, $0x38;
	[tilespmem:$0x10600] =	vst v63  }
0x21f: {  	s10 =	simm.s32 $0x8880;
	s19 =	sadd.s32 s12, s15;
	s1 =	sand.u32 $0x1FFFFFF0, s18  }
0x220: {  	[tilespmem:s31], [sflag:$0x1] =	stream.linear.gather [hbm4b:s19+s3], $0x80, $0x38;
	[tilespmem:$0x10600] =	vst v63  }
0x221: {  	s23 =	simm.s32 $0x780;
	s1 =	sadd.s32 s4, s1;
	s21 =	spop (v2sf)  }
0x222: {  	[tilespmem:s20], [sflag:$0x2] =	stream.linear.gather [hbm4b:s1+s3], $0x80, $0x38;
	[tilespmem:$0x10600] =	vst v63  }
0x223: {  	s15 =	simm.s32 $0x900;
	(v2sf) =	vpush v2, $0xB;
	s7 =	sand.u32 $0x1FFFFFF0, s21;
	s22 =	spop (v2sf)  }
0x224: {  	s5 =	simm.s32 $0x8980;
	s24 =	sadd.s32 s12, s7;
	s28 =	spop (v2sf)  }
0x225: {  	(v2sf) =	vpush v1, $0xB;
	[tilespmem:s23], [sflag:$0x1] =	stream.linear.gather [hbm4b:s24+s3], $0x80, $0x38;
	[tilespmem:$0x10600] =	vst v63  }
0x226: {  	s29 =	simm.s32 $0x800;
	s25 =	sand.u32 $0x1FFFFFF0, s22;
	s30 =	spop (v2sf)  }
0x227: {  	s7 =	sadd.s32 s4, s25;
	s6 =	sand.u32 $0x1FFFFFF0, s28;
	s31 =	spop (v2sf)  }
0x228: {  	(v2sf) =	vpush v2, $0xC;
	[tilespmem:s26], [sflag:$0x2] =	stream.linear.gather [hbm4b:s7+s3], $0x80, $0x38;
	[tilespmem:$0x10600] =	vst v63  }
0x229: {  	s6 =	sadd.s32 s12, s6;
	s7 =	sand.u32 $0x1FFFFFF0, s30;
	s14 =	spop (v2sf)  }
0x22a: {  	(v2sf) =	vpush v1, $0xC;
	s8 =	sand.u32 $0x1FFFFFF0, s31;
	s26 =	simm.s32 $0x980;
	s18 =	spop (v2sf)  }
0x22b: {  	[tilespmem:s29], [sflag:$0x1] =	stream.linear.gather [hbm4b:s6+s3], $0x80, $0x38;
	[tilespmem:$0x10600] =	vst v63  }
0x22c: {  	s7 =	sadd.s32 s4, s7;
	s6 =	simm.s32 $0x8800;
	s19 =	spop (v2sf)  }
0x22d: {  	[tilespmem:s6], [sflag:$0x2] =	stream.linear.gather [hbm4b:s7+s3], $0x80, $0x38;
	[tilespmem:$0x10600] =	vst v63  }
0x22e: {  	s21 =	sand.u32 $0x1FFFFFF0, s19;
	s7 =	sadd.s32 s12, s8;
	s6 =	sand.u32 $0x1FFFFFF0, s14  }
0x22f: {  	[tilespmem:s2], [sflag:$0x1] =	stream.linear.gather [hbm4b:s7+s3], $0x80, $0x38;
	[tilespmem:$0x10600] =	vst v63  }
0x230: {  	s23 =	sadd.s32 s4, s21;
	s6 =	sadd.s32 s4, s6;
	s7 =	sand.u32 $0x1FFFFFF0, s18  }
0x231: {  	[tilespmem:s10], [sflag:$0x2] =	stream.linear.gather [hbm4b:s6+s3], $0x80, $0x38;
	[tilespmem:$0x10600] =	vst v63  }
0x232: {  	s21 =	simm.s32 $0x110;
	s20 =	sadd.s32 s12, s7;
	s22 =	spop (v2sf)  }
0x233: {  	[tilespmem:s15], [sflag:$0x1] =	stream.linear.gather [hbm4b:s20+s3], $0x80, $0x38;
	[tilespmem:$0x10600] =	vst v63  }
0x234: {  	s24 =	sand.u32 $0x1FFFFFF0, s22;
	s25 =	spop (v2sf);
	s22 =	simm.s32 $0x310  }
0x235: {  	(v2sf) =	vpush v2, $0xD;
	[tilespmem:s0], [sflag:$0x2] =	stream.linear.gather [hbm4b:s23+s3], $0x80, $0x38;
	[tilespmem:$0x10600] =	vst v63  }
0x236: {  	(v2sf) =	vpush v1, $0xD;
	s28 =	sadd.s32 s12, s24;
	s29 =	sand.u32 $0x1FFFFFF0, s25;
	s25 =	simm.s32 $0xA00  }
0x237: {  	(v2sf) =	vpush v2, $0xE;
	s24 =	simm.s32 $0xB00;
	s23 =	simm.s32 $0x8B00;
	s31 =	spop (v2sf)  }
0x238: {  	(v2sf) =	vpush v1, $0xE;
	[tilespmem:s26], [sflag:$0x1] =	stream.linear.gather [hbm4b:s28+s3], $0x80, $0x38;
	[tilespmem:$0x10600] =	vst v63  }
0x239: {  	s30 =	sadd.s32 s4, s29;
	(v2sf) =	vpush v2, $0xF;
	s0 =	sand.u32 $0x1FFFFFF0, s31;
	s2 =	spop (v2sf)  }
0x23a: {  	(v2sf) =	vpush v1, $0xF;
	[tilespmem:s5], [sflag:$0x2] =	stream.linear.gather [hbm4b:s30+s3], $0x80, $0x38;
	[tilespmem:$0x10600] =	vst v63  }
.LBB2_6:
0x23b: {  	_ =	sdelay $0x3  }
0x23c: {  	s4 =	rddreg [dreg:$0x6]  }
0x23d: {  	s1 =	sand.u32 $0x1FFFFFF0, s2;
	s12 =	rddreg [dreg:$0x5];
	s0 =	sadd.s32 s4, s0  }
0x23e: {  	[tilespmem:s25], [sflag:$0x1] =	stream.linear.gather [hbm4b:s0+s3], $0x80, $0x38;
	[tilespmem:$0x10600] =	vst v63  }
0x23f: {  	s10 =	sadd.s32 s12, s1  }
0x240: {  	[tilespmem:s11], [sflag:$0x2] =	stream.linear.gather [hbm4b:s10+s3], $0x80, $0x38;
	[tilespmem:$0x10600] =	vst v63  }
0x241: {  	s8 =	spop (v2sf)  }
0x242: {  	s14 =	sand.u32 $0x1FFFFFF0, s8;
	s15 =	spop (v2sf)  }
0x243: {  	s18 =	sadd.s32 s4, s14;
	s19 =	sand.u32 $0x1FFFFFF0, s15;
	s20 =	spop (v2sf)  }
0x244: {  	[tilespmem:s13], [sflag:$0x1] =	stream.linear.gather [hbm4b:s18+s3], $0x80, $0x38;
	[tilespmem:$0x10600] =	vst v63  }
0x245: {  	s25 =	sadd.s32 s12, s19;
	s26 =	sand.u32 $0x1FFFFFF0, s20;
	s28 =	spop (v2sf)  }
0x246: {  	[tilespmem:s9], [sflag:$0x2] =	stream.linear.gather [hbm4b:s25+s3], $0x80, $0x38;
	[tilespmem:$0x10600] =	vst v63  }
0x247: {  	s29 =	sadd.s32 s4, s26;
	s30 =	sand.u32 $0x1FFFFFF0, s28;
	s31 =	spop (v2sf)  }
0x248: {  	[tilespmem:s24], [sflag:$0x1] =	stream.linear.gather [hbm4b:s29+s3], $0x80, $0x38;
	[tilespmem:$0x10600] =	vst v63  }
0x249: {  	s1 =	sadd.s32 s12, s30;
	s2 =	sand.u32 $0x1FFFFFF0, s31;
	s5 =	spop (v2sf)  }
0x24a: {  	[tilespmem:s23], [sflag:$0x2] =	stream.linear.gather [hbm4b:s1+s3], $0x80, $0x38;
	[tilespmem:$0x10600] =	vst v63  }
0x24b: {  	s6 =	sadd.s32 $0xB80, s16;
	s1 =	sadd.s32 s4, s2;
	s2 =	sand.u32 $0x1FFFFFF0, s5  }
0x24c: {  	[tilespmem:s6], [sflag:$0x1] =	stream.linear.gather [hbm4b:s1+s3], $0x80, $0x38;
	[tilespmem:$0x10600] =	vst v63  }
0x24d: {  	s7 =	sadd.s32 $0x8B80, s16;
	s8 =	sadd.s32 s12, s2  }
0x24e: {  	[tilespmem:s7], [sflag:$0x2] =	stream.linear.gather [hbm4b:s8+s3], $0x80, $0x38;
	[tilespmem:$0x10600] =	vst v63  }
0x24f: {  	v1 =	vld [tilespmem:s21+$0x0]  }
0x250: {  	v3 =	vld [tilespmem:s22+$0x0];
	_ =	sdelay $0x3  }
0x251: {  	v2 =	vshll.u32 v1, $0x4  }
0x252: {  	s9 =	smov.u32 s17;
	v1 =	vshll.u32 v3, $0x4;
	(v2sf) =	vpush v2, $0x0  }
0x253: {  	s16 =	sshra.s32 s9, $0x2;
	(v2sf) =	vpush v1, $0x0  }
0x254: {  	p0 =	sne.s32 s17, $0x1E000;
	s17 =	sadd.s32 $0x2000, s17;
	s30 =	sadd.s32 $0x8400, s16;
	(v2sf) =	vpush v2, $0x1  }
0x255: {  	s0 =	sadd.s32 $0x880, s16;
	s14 =	sadd.s32 $0x400, s16;
	s9 =	sadd.s32 $0x600, s16  }
0x256: {  	s10 =	sadd.s32 $0x8900, s16;
	s18 =	sadd.s32 $0x580, s16;
	s29 =	sadd.s32 $0x500, s16;
	(v2sf) =	vpush v1, $0x1  }
0x257: {  	s15 =	sadd.s32 $0x8600, s16;
	s11 =	sadd.s32 $0xA80, s16;
	[dreg:$0xc] =	wrdreg s0  }
0x258: {  	s31 =	sadd.s32 $0x8480, s16;
	s28 =	sadd.s32 $0x8500, s16;
	[dreg:$0x8] =	wrdreg s10;
	(v2sf) =	vpush v2, $0x2  }
0x259: {  	s13 =	sadd.s32 $0x8980, s16;
	s19 =	sadd.s32 $0x8880, s16;
	[dreg:$0x11] =	wrdreg s11  }
0x25a: {  	s20 =	sadd.s32 $0x900, s16;
	s25 =	sadd.s32 $0xA00, s16;
	[dreg:$0xa] =	wrdreg s13;
	(v2sf) =	vpush v1, $0x2  }
0x25b: {  	s26 =	sadd.s32 $0x480, s16;
	s24 =	sadd.s32 $0x800, s16;
	[dreg:$0x10] =	wrdreg s19  }
0x25c: {  	s0 =	sadd.s32 $0x8580, s16;
	s11 =	sadd.s32 $0x8680, s16;
	[dreg:$0xe] =	wrdreg s20;
	(v2sf) =	vpush v2, $0x3  }
0x25d: {  	s10 =	sadd.s32 $0x700, s16;
	[dreg:$0x17] =	wrdreg s24;
	s24 =	sadd.s32 $0xB00, s16  }
0x25e: {  	s13 =	sadd.s32 $0x980, s16;
	s5 =	sadd.s32 $0x680, s16;
	s23 =	sadd.s32 $0x8800, s16;
	(v2sf) =	vpush v1, $0x3  }
0x25f: {  	[dreg:$0x13] =	wrdreg s13;
	s13 =	simm.s32 $0x0;
	s2 =	sadd.s32 $0x8A00, s16  }
0x260: {  	[dreg:$0x15] =	wrdreg s23;
	s23 =	sadd.s32 $0x8B00, s16;
	s1 =	sadd.s32 $0x8A80, s16;
	(v2sf) =	vpush v2, $0x4  }
0x261: {  	s6 =	sadd.s32 $0x8780, s16;
	s8 =	sadd.s32 $0x8700, s16;
	s19 =	spop (v2sf)  }
0x262: {  	s7 =	sadd.s32 $0x780, s16;
	s19 =	sand.u32 $0x1FFFFFF0, s19;
	s20 =	spop (v2sf);
	(v2sf) =	vpush v1, $0x4  }
0x263: {  	s19 =	sadd.s32 s4, s19;
	s20 =	sand.u32 $0x1FFFFFF0, s20;
	s3 =	spop (v2sf)  }
0x264: {  	(v2sf) =	vpush v2, $0x5;
	[tilespmem:s14], [sflag:$0x1] =	stream.linear.gather [hbm4b:s19+s13], $0x80, $0x38;
	[tilespmem:$0x10600] =	vst v63  }
0x265: {  	s19 =	sadd.s32 s12, s20;
	s3 =	sand.u32 $0x1FFFFFF0, s3;
	s20 =	spop (v2sf)  }
0x266: {  	[tilespmem:s30], [sflag:$0x2] =	stream.linear.gather [hbm4b:s19+s13], $0x80, $0x38;
	[tilespmem:$0x10600] =	vst v63  }
0x267: {  	(v2sf) =	vpush v1, $0x5;
	s3 =	sadd.s32 s4, s3;
	s20 =	sand.u32 $0x1FFFFFF0, s20;
	s30 =	spop (v2sf)  }
0x268: {  	(v2sf) =	vpush v2, $0x6;
	[tilespmem:s26], [sflag:$0x1] =	stream.linear.gather [hbm4b:s3+s13], $0x80, $0x38;
	[tilespmem:$0x10600] =	vst v63  }
0x269: {  	s14 =	sadd.s32 s12, s20;
	s19 =	sand.u32 $0x1FFFFFF0, s30;
	s20 =	spop (v2sf)  }
0x26a: {  	(v2sf) =	vpush v1, $0x6;
	[tilespmem:s31], [sflag:$0x2] =	stream.linear.gather [hbm4b:s14+s13], $0x80, $0x38;
	[tilespmem:$0x10600] =	vst v63  }
0x26b: {  	s26 =	sadd.s32 s4, s19;
	s30 =	sand.u32 $0x1FFFFFF0, s20;
	s31 =	spop (v2sf)  }
0x26c: {  	(v2sf) =	vpush v2, $0x7;
	[tilespmem:s29], [sflag:$0x1] =	stream.linear.gather [hbm4b:s26+s13], $0x80, $0x38;
	[tilespmem:$0x10600] =	vst v63  }
0x26d: {  	s14 =	sadd.s32 s12, s30;
	s20 =	sand.u32 $0x1FFFFFF0, s31;
	s26 =	spop (v2sf)  }
0x26e: {  	(v2sf) =	vpush v1, $0x7;
	[tilespmem:s28], [sflag:$0x2] =	stream.linear.gather [hbm4b:s14+s13], $0x80, $0x38;
	[tilespmem:$0x10600] =	vst v63  }
0x26f: {  	s29 =	sadd.s32 s4, s20;
	s30 =	sand.u32 $0x1FFFFFF0, s26;
	s31 =	spop (v2sf)  }
0x270: {  	[tilespmem:s18], [sflag:$0x1] =	stream.linear.gather [hbm4b:s29+s13], $0x80, $0x38;
	[tilespmem:$0x10600] =	vst v63  }
0x271: {  	s21 =	sadd.s32 $0x10, s21;
	s20 =	sadd.s32 s12, s30;
	s28 =	spop (v2sf)  }
0x272: {  	(v2sf) =	vpush v2, $0x8;
	[tilespmem:s0], [sflag:$0x2] =	stream.linear.gather [hbm4b:s20+s13], $0x80, $0x38;
	[tilespmem:$0x10600] =	vst v63  }
0x273: {  	s22 =	sadd.s32 $0x10, s22;
	s26 =	sand.u32 $0x1FFFFFF0, s31;
	s31 =	spop (v2sf)  }
0x274: {  	s29 =	sadd.s32 s4, s26;
	(v2sf) =	vpush v1, $0x8;
	s30 =	sand.u32 $0x1FFFFFF0, s28;
	s19 =	sand.u32 $0x1FFFFFF0, s31  }
0x275: {  	(v2sf) =	vpush v2, $0x9;
	[tilespmem:s9], [sflag:$0x1] =	stream.linear.gather [hbm4b:s29+s13], $0x80, $0x38;
	[tilespmem:$0x10600] =	vst v63  }
0x276: {  	s18 =	sadd.s32 s12, s30;
	s20 =	spop (v2sf);
	s26 =	sadd.s32 s4, s19  }
0x277: {  	(v2sf) =	vpush v1, $0x9;
	s28 =	sand.u32 $0x1FFFFFF0, s20;
	s9 =	smov.u32 s1;
	s29 =	spop (v2sf)  }
0x278: {  	[tilespmem:s15], [sflag:$0x2] =	stream.linear.gather [hbm4b:s18+s13], $0x80, $0x38;
	[tilespmem:$0x10600] =	vst v63  }
0x279: {  	s30 =	sadd.s32 s12, s28;
	s31 =	sand.u32 $0x1FFFFFF0, s29;
	s1 =	spop (v2sf)  }
0x27a: {  	[tilespmem:s5], [sflag:$0x1] =	stream.linear.gather [hbm4b:s26+s13], $0x80, $0x38;
	[tilespmem:$0x10600] =	vst v63  }
0x27b: {  	s14 =	sadd.s32 s4, s31;
	s15 =	sand.u32 $0x1FFFFFF0, s1;
	s18 =	spop (v2sf)  }
0x27c: {  	(v2sf) =	vpush v2, $0xA;
	[tilespmem:s11], [sflag:$0x2] =	stream.linear.gather [hbm4b:s30+s13], $0x80, $0x38;
	[tilespmem:$0x10600] =	vst v63  }
0x27d: {  	s19 =	sadd.s32 s12, s15;
	s11 =	smov.u32 s2;
	s26 =	spop (v2sf)  }
0x27e: {  	(v2sf) =	vpush v1, $0xA;
	[tilespmem:s10], [sflag:$0x1] =	stream.linear.gather [hbm4b:s14+s13], $0x80, $0x38;
	[tilespmem:$0x10600] =	vst v63  }
0x27f: {  	s20 =	sand.u32 $0x1FFFFFF0, s18;
	s18 =	rddreg [dreg:$0x15];
	s29 =	sand.u32 $0x1FFFFFF0, s26  }
0x280: {  	[tilespmem:s8], [sflag:$0x2] =	stream.linear.gather [hbm4b:s19+s13], $0x80, $0x38;
	[tilespmem:$0x10600] =	vst v63  }
0x281: {  	s28 =	sadd.s32 s4, s20;
	s30 =	spop (v2sf);
	s31 =	sadd.s32 s12, s29  }
0x282: {  	(v2sf) =	vpush v2, $0xB;
	[tilespmem:s7], [sflag:$0x1] =	stream.linear.gather [hbm4b:s28+s13], $0x80, $0x38;
	[tilespmem:$0x10600] =	vst v63  }
0x283: {  	s1 =	sand.u32 $0x1FFFFFF0, s30;
	s8 =	rddreg [dreg:$0x17];
	s2 =	spop (v2sf)  }
0x284: {  	(v2sf) =	vpush v1, $0xB;
	s3 =	sadd.s32 s4, s1;
	s28 =	rddreg [dreg:$0xc];
	s7 =	spop (v2sf)  }
0x285: {  	(v2sf) =	vpush v2, $0xC;
	[tilespmem:s6], [sflag:$0x2] =	stream.linear.gather [hbm4b:s31+s13], $0x80, $0x38;
	[tilespmem:$0x10600] =	vst v63  }
0x286: {  	s6 =	sand.u32 $0x1FFFFFF0, s2;
	s14 =	sand.u32 $0x1FFFFFF0, s7;
	s15 =	spop (v2sf)  }
0x287: {  	(v2sf) =	vpush v1, $0xC;
	s10 =	sadd.s32 s12, s6;
	s19 =	sadd.s32 s4, s14;
	s6 =	rddreg [dreg:$0x10]  }
0x288: {  	[tilespmem:s8], [sflag:$0x1] =	stream.linear.gather [hbm4b:s3+s13], $0x80, $0x38;
	[tilespmem:$0x10600] =	vst v63  }
0x289: {  	s20 =	sand.u32 $0x1FFFFFF0, s15;
	s14 =	rddreg [dreg:$0xe];
	s3 =	simm.s32 $0x0  }
0x28a: {  	[tilespmem:s18], [sflag:$0x2] =	stream.linear.gather [hbm4b:s10+s13], $0x80, $0x38;
	[tilespmem:$0x10600] =	vst v63  }
0x28b: {  	s26 =	spop (v2sf);
	s29 =	sadd.s32 s12, s20;
	s20 =	rddreg [dreg:$0x8]  }
0x28c: {  	[tilespmem:s28], [sflag:$0x1] =	stream.linear.gather [hbm4b:s19+s3], $0x80, $0x38;
	[tilespmem:$0x10600] =	vst v63  }
0x28d: {  	s30 =	sand.u32 $0x1FFFFFF0, s26;
	s31 =	spop (v2sf);
	s13 =	rddreg [dreg:$0x11]  }
0x28e: {  	[tilespmem:s6], [sflag:$0x2] =	stream.linear.gather [hbm4b:s29+s3], $0x80, $0x38;
	[tilespmem:$0x10600] =	vst v63  }
0x28f: {  	s7 =	sadd.s32 s4, s30;
	s8 =	sand.u32 $0x1FFFFFF0, s31;
	s30 =	rddreg [dreg:$0x13]  }
0x290: {  	[tilespmem:s14], [sflag:$0x1] =	stream.linear.gather [hbm4b:s7+s3], $0x80, $0x38;
	[tilespmem:$0x10600] =	vst v63  }
0x291: {  	s31 =	rddreg [dreg:$0xa];
	s15 =	sadd.s32 s12, s8;
	s10 =	spop (v2sf)  }
0x292: {  	(v2sf) =	vpush v2, $0xD;
	[tilespmem:s20], [sflag:$0x2] =	stream.linear.gather [hbm4b:s15+s3], $0x80, $0x38;
	[tilespmem:$0x10600] =	vst v63  }
.Ltmp2:
0x293: {  	(v2sf) =	vpush v1, $0xD;
	s18 =	sand.u32 $0x1FFFFFF0, s10;
	s19 =	spop (v2sf);
	(pc) =	sbr.rel @p0 .LBB2_6-.Ltmp2, $4  }
0x294: {  	(v2sf) =	vpush v2, $0xE;
	s26 =	sadd.s32 s4, s18;
	s28 =	sand.u32 $0x1FFFFFF0, s19;
	s29 =	spop (v2sf)  }
0x295: {  	(v2sf) =	vpush v1, $0xE;
	[tilespmem:s30], [sflag:$0x1] =	stream.linear.gather [hbm4b:s26+s3], $0x80, $0x38;
	[tilespmem:$0x10600] =	vst v63  }
0x296: {  	(v2sf) =	vpush v2, $0xF;
	s1 =	sadd.s32 s12, s28;
	s0 =	sand.u32 $0x1FFFFFF0, s29;
	s2 =	spop (v2sf)  }
0x297: {  	(v2sf) =	vpush v1, $0xF;
	[tilespmem:s31], [sflag:$0x2] =	stream.linear.gather [hbm4b:s1+s3], $0x80, $0x38;
	[tilespmem:$0x10600] =	vst v63  }
0x298: {  	_ =	sdelay $0x3  }
0x299: {  	s4 =	rddreg [dreg:$0x6]  }
0x29a: {  	s1 =	sand.u32 $0x1FFFFFF0, s2;
	s5 =	rddreg [dreg:$0x5];
	s0 =	sadd.s32 s4, s0  }
0x29b: {  	[tilespmem:s25], [sflag:$0x1] =	stream.linear.gather [hbm4b:s0+s3], $0x80, $0x38;
	[tilespmem:$0x10600] =	vst v63  }
0x29c: {  	s7 =	sadd.s32 s5, s1  }
0x29d: {  	[tilespmem:s11], [sflag:$0x2] =	stream.linear.gather [hbm4b:s7+s3], $0x80, $0x38;
	[tilespmem:$0x10600] =	vst v63  }
0x29e: {  	s6 =	spop (v2sf)  }
0x29f: {  	s26 =	sadd.s32 $0xB80, s16;
	s8 =	sand.u32 $0x1FFFFFF0, s6;
	s10 =	spop (v2sf)  }
0x2a0: {  	s11 =	sadd.s32 s4, s8;
	s12 =	sand.u32 $0x1FFFFFF0, s10;
	s14 =	spop (v2sf)  }
0x2a1: {  	[tilespmem:s13], [sflag:$0x1] =	stream.linear.gather [hbm4b:s11+s3], $0x80, $0x38;
	[tilespmem:$0x10600] =	vst v63  }
0x2a2: {  	s15 =	sadd.s32 s5, s12;
	s17 =	sand.u32 $0x1FFFFFF0, s14;
	s18 =	spop (v2sf)  }
0x2a3: {  	[tilespmem:s9], [sflag:$0x2] =	stream.linear.gather [hbm4b:s15+s3], $0x80, $0x38;
	[tilespmem:$0x10600] =	vst v63  }
0x2a4: {  	s19 =	sadd.s32 s4, s17;
	s20 =	sand.u32 $0x1FFFFFF0, s18;
	s21 =	spop (v2sf)  }
0x2a5: {  	[tilespmem:s24], [sflag:$0x1] =	stream.linear.gather [hbm4b:s19+s3], $0x80, $0x38;
	[tilespmem:$0x10600] =	vst v63  }
0x2a6: {  	s22 =	sadd.s32 s5, s20;
	s25 =	spop (v2sf);
	s24 =	sand.u32 $0x1FFFFFF0, s21  }
0x2a7: {  	[tilespmem:s23], [sflag:$0x2] =	stream.linear.gather [hbm4b:s22+s3], $0x80, $0x38;
	[tilespmem:$0x10600] =	vst v63  }
0x2a8: {  	s28 =	sadd.s32 $0x8B80, s16;
	s2 =	sand.u32 $0x1FFFFFF0, s25;
	s1 =	sadd.s32 s4, s24  }
0x2a9: {  	[tilespmem:s26], [sflag:$0x1] =	stream.linear.gather [hbm4b:s1+s3], $0x80, $0x38;
	[tilespmem:$0x10600] =	vst v63  }
0x2aa: {  	s16 =	simm.s32 $0x0;
	s30 =	simm.s32 $0x1;
	s29 =	sadd.s32 s5, s2  }
0x2ab: {  	v1 =	vmov s16;
	[tilespmem:s28], [sflag:$0x2] =	stream.linear.gather [hbm4b:s29+s3], $0x80, $0x38;
	[tilespmem:$0x10600] =	vst v63  }
0x2ac: {  	v1 =	vshll.u32 v1, $0x7;
	_ =	swait.ge [sflag:s30], $0x8000  }
0x2ad: {  	v1 =	vor.u32 v0, v1;
	[sflag:s30] =	ssyncset.done $0x0  }
0x2ae: {  	s31 =	simm.s32 $0x2;
	[sflag:s30] =	ssyncadd.s32 $0xFFFF8000  }
0x2af: {  	v2 =	vor.u32 $0x1, v1;
	_ =	swait.ge [sflag:s31], $0x8000  }
0x2b0: {  	[sflag:s31] =	ssyncset.done $0x0  }
0x2b1: {  	v3 =	vor.u32 $0x2, v1;
	s2 =	simm.s32 $0x8400;
	[sflag:s31] =	ssyncadd.s32 $0xFFFF8000  }
0x2b2: {  	s1 =	simm.s32 $0x400;
	v4 =	vld.idx.msk [tilespmem:v1+s2+$0x0], $0xffff  }
0x2b3: {  	v6 =	vor.u32 $0x3, v1;
	v5 =	vld.idx.msk [tilespmem:v1+s1+$0x0], $0xffff  }
0x2b4: {  	v7 =	vld.idx.msk [tilespmem:v2+s1+$0x0], $0xffff  }
0x2b5: {  	v8 =	vor.u32 $0x4, v1;
	v2 =	vld.idx.msk [tilespmem:v2+s2+$0x0], $0xffff  }
0x2b6: {  	v9 =	vld.idx.msk [tilespmem:v3+s1+$0x0], $0xffff  }
0x2b7: {  	v10 =	vor.u32 $0x5, v1;
	v3 =	vld.idx.msk [tilespmem:v3+s2+$0x0], $0xffff  }
0x2b8: {  	v11 =	vld.idx.msk [tilespmem:v6+s1+$0x0], $0xffff;
	v4 =	vmul.f32 v4, v5  }
0x2b9: {  	v5 =	vld.idx.msk [tilespmem:v6+s2+$0x0], $0xffff;
	v6 =	vor.u32 $0x6, v1  }
0x2ba: {  	v12 =	vld.idx.msk [tilespmem:v8+s1+$0x0], $0xffff;
	v2 =	vmul.f32 v2, v7;
	v4 =	vadd.f32 $0.0e+00, v4  }
0x2bb: {  	v23 =	vor.u32 $0x7, v1;
	v7 =	vld.idx.msk [tilespmem:v8+s2+$0x0], $0xffff  }
0x2bc: {  	v13 =	vld.idx.msk [tilespmem:v10+s1+$0x0], $0xffff;
	v3 =	vmul.f32 v3, v9;
	v2 =	vadd.f32 v2, v4  }
0x2bd: {  	v24 =	vor.u32 $0x8, v1;
	v4 =	vld.idx.msk [tilespmem:v10+s2+$0x0], $0xffff  }
0x2be: {  	v25 =	vld.idx.msk [tilespmem:v6+s1+$0x0], $0xffff;
	v2 =	vadd.f32 v3, v2;
	v3 =	vmul.f32 v5, v11  }
0x2bf: {  	v5 =	vld.idx.msk [tilespmem:v6+s2+$0x0], $0xffff;
	v6 =	vor.u32 $0x9, v1  }
0x2c0: {  	v26 =	vld.idx.msk [tilespmem:v23+s1+$0x0], $0xffff;
	v2 =	vadd.f32 v3, v2;
	v3 =	vmul.f32 v7, v12  }
0x2c1: {  	v27 =	vor.u32 $0xA, v1;
	v7 =	vld.idx.msk [tilespmem:v23+s2+$0x0], $0xffff  }
0x2c2: {  	v28 =	vld.idx.msk [tilespmem:v24+s1+$0x0], $0xffff;
	v2 =	vadd.f32 v3, v2;
	v3 =	vmul.f32 v4, v13  }
0x2c3: {  	v29 =	vor.u32 $0xB, v1;
	v4 =	vld.idx.msk [tilespmem:v24+s2+$0x0], $0xffff  }
0x2c4: {  	v30 =	vld.idx.msk [tilespmem:v6+s1+$0x0], $0xffff;
	v2 =	vadd.f32 v3, v2;
	v3 =	vmul.f32 v5, v25  }
0x2c5: {  	v5 =	vld.idx.msk [tilespmem:v6+s2+$0x0], $0xffff;
	v6 =	vor.u32 $0xC, v1  }
0x2c6: {  	v31 =	vld.idx.msk [tilespmem:v27+s1+$0x0], $0xffff;
	v2 =	vadd.f32 v3, v2;
	v3 =	vmul.f32 v7, v26  }
0x2c7: {  	v32 =	vor.u32 $0xD, v1;
	v7 =	vld.idx.msk [tilespmem:v27+s2+$0x0], $0xffff  }
0x2c8: {  	v33 =	vld.idx.msk [tilespmem:v29+s1+$0x0], $0xffff;
	v2 =	vadd.f32 v3, v2;
	v3 =	vmul.f32 v4, v28  }
0x2c9: {  	v34 =	vor.u32 $0xE, v1;
	v4 =	vld.idx.msk [tilespmem:v29+s2+$0x0], $0xffff  }
0x2ca: {  	v35 =	vld.idx.msk [tilespmem:v6+s1+$0x0], $0xffff;
	v2 =	vadd.f32 v3, v2;
	v3 =	vmul.f32 v5, v30  }
0x2cb: {  	v5 =	vld.idx.msk [tilespmem:v6+s2+$0x0], $0xffff;
	v6 =	vor.u32 $0xF, v1  }
0x2cc: {  	v36 =	vld.idx.msk [tilespmem:v32+s1+$0x0], $0xffff;
	v2 =	vadd.f32 v3, v2;
	v3 =	vmul.f32 v7, v31  }
0x2cd: {  	v37 =	vor.u32 $0x10, v1;
	v7 =	vld.idx.msk [tilespmem:v32+s2+$0x0], $0xffff  }
0x2ce: {  	v38 =	vld.idx.msk [tilespmem:v34+s1+$0x0], $0xffff;
	v2 =	vadd.f32 v3, v2;
	v3 =	vmul.f32 v4, v33  }
0x2cf: {  	v39 =	vor.u32 $0x11, v1;
	v4 =	vld.idx.msk [tilespmem:v34+s2+$0x0], $0xffff  }
0x2d0: {  	v40 =	vld.idx.msk [tilespmem:v6+s1+$0x0], $0xffff;
	v2 =	vadd.f32 v3, v2;
	v3 =	vmul.f32 v5, v35  }
0x2d1: {  	v5 =	vld.idx.msk [tilespmem:v6+s2+$0x0], $0xffff;
	v6 =	vor.u32 $0x12, v1  }
0x2d2: {  	v41 =	vld.idx.msk [tilespmem:v37+s1+$0x0], $0xffff;
	v2 =	vadd.f32 v3, v2;
	v3 =	vmul.f32 v7, v36  }
0x2d3: {  	v42 =	vor.u32 $0x13, v1;
	v7 =	vld.idx.msk [tilespmem:v37+s2+$0x0], $0xffff  }
0x2d4: {  	v43 =	vld.idx.msk [tilespmem:v39+s1+$0x0], $0xffff;
	v2 =	vadd.f32 v3, v2;
	v3 =	vmul.f32 v4, v38  }
0x2d5: {  	v44 =	vor.u32 $0x14, v1;
	v4 =	vld.idx.msk [tilespmem:v39+s2+$0x0], $0xffff  }
0x2d6: {  	v45 =	vld.idx.msk [tilespmem:v6+s1+$0x0], $0xffff;
	v2 =	vadd.f32 v3, v2;
	v3 =	vmul.f32 v5, v40  }
0x2d7: {  	v5 =	vld.idx.msk [tilespmem:v6+s2+$0x0], $0xffff;
	v6 =	vor.u32 $0x15, v1  }
0x2d8: {  	v46 =	vld.idx.msk [tilespmem:v42+s1+$0x0], $0xffff;
	v2 =	vadd.f32 v3, v2;
	v3 =	vmul.f32 v7, v41  }
0x2d9: {  	v47 =	vor.u32 $0x16, v1;
	v7 =	vld.idx.msk [tilespmem:v42+s2+$0x0], $0xffff  }
0x2da: {  	v48 =	vld.idx.msk [tilespmem:v44+s1+$0x0], $0xffff;
	v2 =	vadd.f32 v3, v2;
	v3 =	vmul.f32 v4, v43  }
0x2db: {  	v49 =	vor.u32 $0x17, v1;
	v4 =	vld.idx.msk [tilespmem:v44+s2+$0x0], $0xffff  }
0x2dc: {  	v50 =	vld.idx.msk [tilespmem:v6+s1+$0x0], $0xffff;
	v2 =	vadd.f32 v3, v2;
	v3 =	vmul.f32 v5, v45  }
0x2dd: {  	v5 =	vld.idx.msk [tilespmem:v6+s2+$0x0], $0xffff;
	v6 =	vor.u32 $0x18, v1  }
0x2de: {  	v51 =	vld.idx.msk [tilespmem:v47+s1+$0x0], $0xffff;
	v2 =	vadd.f32 v3, v2;
	v3 =	vmul.f32 v7, v46  }
0x2df: {  	v52 =	vor.u32 $0x19, v1;
	v7 =	vld.idx.msk [tilespmem:v47+s2+$0x0], $0xffff  }
0x2e0: {  	v53 =	vld.idx.msk [tilespmem:v49+s1+$0x0], $0xffff;
	v2 =	vadd.f32 v3, v2;
	v3 =	vmul.f32 v4, v48  }
0x2e1: {  	v54 =	vor.u32 $0x1A, v1;
	v4 =	vld.idx.msk [tilespmem:v49+s2+$0x0], $0xffff  }
0x2e2: {  	v55 =	vld.idx.msk [tilespmem:v6+s1+$0x0], $0xffff;
	v2 =	vadd.f32 v3, v2;
	v3 =	vmul.f32 v5, v50  }
0x2e3: {  	v5 =	vld.idx.msk [tilespmem:v6+s2+$0x0], $0xffff;
	v6 =	vor.u32 $0x1B, v1  }
0x2e4: {  	v56 =	vld.idx.msk [tilespmem:v52+s1+$0x0], $0xffff;
	v2 =	vadd.f32 v3, v2;
	v3 =	vmul.f32 v7, v51  }
0x2e5: {  	v57 =	vor.u32 $0x1C, v1;
	v7 =	vld.idx.msk [tilespmem:v52+s2+$0x0], $0xffff  }
0x2e6: {  	v58 =	vld.idx.msk [tilespmem:v54+s1+$0x0], $0xffff;
	v2 =	vadd.f32 v3, v2;
	v3 =	vmul.f32 v4, v53  }
0x2e7: {  	v4 =	vld.idx.msk [tilespmem:v54+s2+$0x0], $0xffff  }
0x2e8: {  	v60 =	vld.idx.msk [tilespmem:v6+s1+$0x0], $0xffff;
	v2 =	vadd.f32 v3, v2;
	v3 =	vmul.f32 v5, v55  }
0x2e9: {  	v59 =	vor.u32 $0x1D, v1;
	v5 =	vld.idx.msk [tilespmem:v6+s2+$0x0], $0xffff  }
0x2ea: {  	v61 =	vld.idx.msk [tilespmem:v57+s1+$0x0], $0xffff;
	v2 =	vadd.f32 v3, v2;
	v3 =	vmul.f32 v7, v56  }
0x2eb: {  	v6 =	vor.u32 $0x1E, v1;
	v7 =	vld.idx.msk [tilespmem:v57+s2+$0x0], $0xffff  }
0x2ec: {  	v2 =	vadd.f32 v3, v2;
	v3 =	vmul.f32 v4, v58  }
0x2ed: {  	v1 =	vor.u32 $0x1F, v1  }
0x2ee: {  	v62 =	vld.idx.msk [tilespmem:v59+s1+$0x0], $0xffff;
	v2 =	vadd.f32 v3, v2;
	v3 =	vmul.f32 v5, v60  }
0x2ef: {  	v4 =	vld.idx.msk [tilespmem:v59+s2+$0x0], $0xffff  }
0x2f0: {  	v63 =	vld.idx.msk [tilespmem:v6+s1+$0x0], $0xffff;
	v2 =	vadd.f32 v3, v2;
	v3 =	vmul.f32 v7, v61  }
0x2f1: {  	v5 =	vld.idx.msk [tilespmem:v6+s2+$0x0], $0xffff  }
0x2f2: {  	v6 =	vadd.f32 v3, v2;
	v2 =	vld.idx.msk [tilespmem:v1+s1+$0x0], $0xffff  }
0x2f3: {  	v3 =	vld.idx.msk [tilespmem:v1+s2+$0x0], $0xffff  }
0x2f4: {  	v4 =	vmul.f32 v4, v62  }
0x2f5: {  	s17 =	simm.s32 $0x10  }
0x2f6: {  	v7 =	vmov s17;
	v5 =	vmul.f32 v5, v63;
	v4 =	vadd.f32 v4, v6  }
0x2f7: {  	s18 =	simm.s32 $0x20;
	v1 =	vshll.u32 v7, $0x7  }
.LBB2_8:
0x2f8: {  	p0 =	sne.s32 s18, $0xF0;
	v1 =	vor.u32 v0, v1;
	v4 =	vadd.f32 v5, v4;
	v2 =	vmul.f32 v3, v2;
	_ =	sdelay $0x1  }
0x2f9: {  	v3 =	vor.u32 $0x1, v1;
	v2 =	vadd.f32 v2, v4  }
0x2fa: {  	s0 =	sand.u32 $0xF0, s16;
	s16 =	smov.u32 s17;
	s17 =	smov.u32 s18  }
0x2fb: {  	v4 =	vor.u32 $0x2, v1;
	[tilespmem:s0+$0x10500] =	vst v2  }
0x2fc: {  	v2 =	vld.idx.msk [tilespmem:v1+s2+$0x0], $0xffff  }
0x2fd: {  	v6 =	vor.u32 $0x3, v1;
	v5 =	vld.idx.msk [tilespmem:v1+s1+$0x0], $0xffff  }
0x2fe: {  	v7 =	vld.idx.msk [tilespmem:v3+s1+$0x0], $0xffff  }
0x2ff: {  	v8 =	vor.u32 $0x4, v1;
	v3 =	vld.idx.msk [tilespmem:v3+s2+$0x0], $0xffff  }
0x300: {  	v9 =	vld.idx.msk [tilespmem:v4+s1+$0x0], $0xffff  }
0x301: {  	v10 =	vor.u32 $0x5, v1;
	v4 =	vld.idx.msk [tilespmem:v4+s2+$0x0], $0xffff  }
0x302: {  	v11 =	vld.idx.msk [tilespmem:v6+s1+$0x0], $0xffff  }
0x303: {  	v2 =	vmul.f32 v2, v5;
	v5 =	vld.idx.msk [tilespmem:v6+s2+$0x0], $0xffff;
	v6 =	vor.u32 $0x6, v1  }
0x304: {  	v12 =	vld.idx.msk [tilespmem:v8+s1+$0x0], $0xffff  }
0x305: {  	v2 =	vadd.f32 $0.0e+00, v2;
	v3 =	vmul.f32 v3, v7;
	v7 =	vld.idx.msk [tilespmem:v8+s2+$0x0], $0xffff;
	v8 =	vor.u32 $0x7, v1  }
0x306: {  	v13 =	vld.idx.msk [tilespmem:v10+s1+$0x0], $0xffff  }
0x307: {  	v2 =	vadd.f32 v3, v2;
	v3 =	vmul.f32 v4, v9;
	v9 =	vor.u32 $0x8, v1;
	v4 =	vld.idx.msk [tilespmem:v10+s2+$0x0], $0xffff  }
0x308: {  	v10 =	vld.idx.msk [tilespmem:v6+s1+$0x0], $0xffff  }
0x309: {  	v2 =	vadd.f32 v3, v2;
	v3 =	vmul.f32 v5, v11;
	v5 =	vld.idx.msk [tilespmem:v6+s2+$0x0], $0xffff;
	v6 =	vor.u32 $0x9, v1  }
0x30a: {  	v11 =	vld.idx.msk [tilespmem:v8+s1+$0x0], $0xffff  }
0x30b: {  	v2 =	vadd.f32 v3, v2;
	v3 =	vmul.f32 v7, v12;
	v7 =	vld.idx.msk [tilespmem:v8+s2+$0x0], $0xffff;
	v8 =	vor.u32 $0xA, v1  }
0x30c: {  	v12 =	vld.idx.msk [tilespmem:v9+s1+$0x0], $0xffff  }
0x30d: {  	v2 =	vadd.f32 v3, v2;
	v3 =	vmul.f32 v4, v13;
	v4 =	vld.idx.msk [tilespmem:v9+s2+$0x0], $0xffff;
	v9 =	vor.u32 $0xB, v1  }
0x30e: {  	v13 =	vld.idx.msk [tilespmem:v6+s1+$0x0], $0xffff  }
0x30f: {  	v2 =	vadd.f32 v3, v2;
	v3 =	vmul.f32 v5, v10;
	v5 =	vld.idx.msk [tilespmem:v6+s2+$0x0], $0xffff;
	v6 =	vor.u32 $0xC, v1  }
0x310: {  	v10 =	vld.idx.msk [tilespmem:v8+s1+$0x0], $0xffff  }
0x311: {  	v2 =	vadd.f32 v3, v2;
	v3 =	vmul.f32 v7, v11;
	v7 =	vld.idx.msk [tilespmem:v8+s2+$0x0], $0xffff;
	v8 =	vor.u32 $0xD, v1  }
0x312: {  	v11 =	vld.idx.msk [tilespmem:v9+s1+$0x0], $0xffff  }
0x313: {  	v2 =	vadd.f32 v3, v2;
	v3 =	vmul.f32 v4, v12;
	v4 =	vld.idx.msk [tilespmem:v9+s2+$0x0], $0xffff;
	v9 =	vor.u32 $0xE, v1  }
0x314: {  	v12 =	vld.idx.msk [tilespmem:v6+s1+$0x0], $0xffff  }
0x315: {  	v2 =	vadd.f32 v3, v2;
	v3 =	vmul.f32 v5, v13;
	v5 =	vld.idx.msk [tilespmem:v6+s2+$0x0], $0xffff;
	v6 =	vor.u32 $0xF, v1  }
0x316: {  	v13 =	vld.idx.msk [tilespmem:v8+s1+$0x0], $0xffff  }
0x317: {  	v2 =	vadd.f32 v3, v2;
	v3 =	vmul.f32 v7, v10;
	v7 =	vld.idx.msk [tilespmem:v8+s2+$0x0], $0xffff;
	v8 =	vor.u32 $0x10, v1  }
0x318: {  	v10 =	vld.idx.msk [tilespmem:v9+s1+$0x0], $0xffff  }
0x319: {  	v2 =	vadd.f32 v3, v2;
	v3 =	vmul.f32 v4, v11;
	v4 =	vld.idx.msk [tilespmem:v9+s2+$0x0], $0xffff;
	v9 =	vor.u32 $0x11, v1  }
0x31a: {  	v11 =	vld.idx.msk [tilespmem:v6+s1+$0x0], $0xffff  }
0x31b: {  	v2 =	vadd.f32 v3, v2;
	v3 =	vmul.f32 v5, v12;
	v5 =	vld.idx.msk [tilespmem:v6+s2+$0x0], $0xffff;
	v6 =	vor.u32 $0x12, v1  }
0x31c: {  	v12 =	vld.idx.msk [tilespmem:v8+s1+$0x0], $0xffff  }
0x31d: {  	v2 =	vadd.f32 v3, v2;
	v3 =	vmul.f32 v7, v13;
	v7 =	vld.idx.msk [tilespmem:v8+s2+$0x0], $0xffff;
	v8 =	vor.u32 $0x13, v1  }
0x31e: {  	v13 =	vld.idx.msk [tilespmem:v9+s1+$0x0], $0xffff  }
0x31f: {  	v2 =	vadd.f32 v3, v2;
	v3 =	vmul.f32 v4, v10;
	v4 =	vld.idx.msk [tilespmem:v9+s2+$0x0], $0xffff;
	v9 =	vor.u32 $0x14, v1  }
0x320: {  	v10 =	vld.idx.msk [tilespmem:v6+s1+$0x0], $0xffff  }
0x321: {  	v2 =	vadd.f32 v3, v2;
	v3 =	vmul.f32 v5, v11;
	v5 =	vld.idx.msk [tilespmem:v6+s2+$0x0], $0xffff;
	v6 =	vor.u32 $0x15, v1  }
0x322: {  	v11 =	vld.idx.msk [tilespmem:v8+s1+$0x0], $0xffff  }
0x323: {  	v2 =	vadd.f32 v3, v2;
	v3 =	vmul.f32 v7, v12;
	v7 =	vld.idx.msk [tilespmem:v8+s2+$0x0], $0xffff;
	v8 =	vor.u32 $0x16, v1  }
0x324: {  	v12 =	vld.idx.msk [tilespmem:v9+s1+$0x0], $0xffff  }
0x325: {  	v2 =	vadd.f32 v3, v2;
	v3 =	vmul.f32 v4, v13;
	v4 =	vld.idx.msk [tilespmem:v9+s2+$0x0], $0xffff;
	v9 =	vor.u32 $0x17, v1  }
0x326: {  	v13 =	vld.idx.msk [tilespmem:v6+s1+$0x0], $0xffff  }
0x327: {  	v2 =	vadd.f32 v3, v2;
	v3 =	vmul.f32 v5, v10;
	v5 =	vld.idx.msk [tilespmem:v6+s2+$0x0], $0xffff;
	v6 =	vor.u32 $0x18, v1  }
0x328: {  	v10 =	vld.idx.msk [tilespmem:v8+s1+$0x0], $0xffff  }
0x329: {  	v2 =	vadd.f32 v3, v2;
	v3 =	vmul.f32 v7, v11;
	v7 =	vld.idx.msk [tilespmem:v8+s2+$0x0], $0xffff;
	v8 =	vor.u32 $0x19, v1  }
0x32a: {  	v11 =	vld.idx.msk [tilespmem:v9+s1+$0x0], $0xffff  }
0x32b: {  	v2 =	vadd.f32 v3, v2;
	v3 =	vmul.f32 v4, v12;
	v4 =	vld.idx.msk [tilespmem:v9+s2+$0x0], $0xffff;
	v9 =	vor.u32 $0x1A, v1  }
0x32c: {  	v12 =	vld.idx.msk [tilespmem:v6+s1+$0x0], $0xffff  }
0x32d: {  	v2 =	vadd.f32 v3, v2;
	v3 =	vmul.f32 v5, v13;
	v5 =	vld.idx.msk [tilespmem:v6+s2+$0x0], $0xffff;
	v6 =	vor.u32 $0x1B, v1  }
0x32e: {  	v13 =	vld.idx.msk [tilespmem:v8+s1+$0x0], $0xffff  }
0x32f: {  	v2 =	vadd.f32 v3, v2;
	v3 =	vmul.f32 v7, v10;
	v7 =	vld.idx.msk [tilespmem:v8+s2+$0x0], $0xffff;
	v8 =	vor.u32 $0x1C, v1  }
0x330: {  	v10 =	vld.idx.msk [tilespmem:v9+s1+$0x0], $0xffff  }
0x331: {  	v2 =	vadd.f32 v3, v2;
	v3 =	vmul.f32 v4, v11;
	v4 =	vld.idx.msk [tilespmem:v9+s2+$0x0], $0xffff;
	v9 =	vor.u32 $0x1D, v1  }
0x332: {  	v11 =	vld.idx.msk [tilespmem:v6+s1+$0x0], $0xffff  }
0x333: {  	v2 =	vadd.f32 v3, v2;
	v3 =	vmul.f32 v5, v12;
	v5 =	vld.idx.msk [tilespmem:v6+s2+$0x0], $0xffff;
	v6 =	vor.u32 $0x1E, v1  }
0x334: {  	v12 =	vld.idx.msk [tilespmem:v8+s1+$0x0], $0xffff  }
0x335: {  	v1 =	vor.u32 $0x1F, v1;
	v2 =	vadd.f32 v3, v2;
	v3 =	vmul.f32 v7, v13;
	v7 =	vld.idx.msk [tilespmem:v8+s2+$0x0], $0xffff  }
0x336: {  	v8 =	vld.idx.msk [tilespmem:v9+s1+$0x0], $0xffff  }
0x337: {  	v2 =	vadd.f32 v3, v2;
	v3 =	vmul.f32 v4, v10;
	v4 =	vld.idx.msk [tilespmem:v9+s2+$0x0], $0xffff  }
0x338: {  	v9 =	vld.idx.msk [tilespmem:v6+s1+$0x0], $0xffff  }
0x339: {  	v3 =	vadd.f32 v3, v2;
	v5 =	vmul.f32 v5, v11;
	v6 =	vld.idx.msk [tilespmem:v6+s2+$0x0], $0xffff  }
0x33a: {  	v2 =	vld.idx.msk [tilespmem:v1+s1+$0x0], $0xffff  }
0x33b: {  	v5 =	vadd.f32 v5, v3;
	v7 =	vmul.f32 v7, v12;
	v3 =	vld.idx.msk [tilespmem:v1+s2+$0x0], $0xffff  }
.Ltmp3:
0x33c: {  	(pc) =	sbr.rel @p0 .LBB2_8-.Ltmp3, $3  }
0x33d: {  	v1 =	vadd.f32 v7, v5;
	v4 =	vmul.f32 v4, v8;
	_ =	sdelay $0x1  }
0x33e: {  	v7 =	vmov s18;
	v4 =	vadd.f32 v4, v1;
	v5 =	vmul.f32 v6, v9  }
0x33f: {  	s18 =	sadd.s32 $0x10, s18;
	v1 =	vshll.u32 v7, $0x7  }
0x340: {  	v1 =	vor.u32 v0, v1;
	v4 =	vadd.f32 v5, v4;
	v2 =	vmul.f32 v3, v2;
	_ =	sdelay $0x1  }
0x341: {  	v3 =	vor.u32 $0x1, v1;
	v2 =	vadd.f32 v2, v4  }
0x342: {  	s0 =	sand.u32 $0xF0, s16  }
0x343: {  	v31 =	vor.u32 $0x2, v1;
	[tilespmem:s0+$0x10500] =	vst v2  }
0x344: {  	v2 =	vld.idx.msk [tilespmem:v1+s2+$0x0], $0xffff  }
0x345: {  	v6 =	vor.u32 $0x3, v1;
	v32 =	vld.idx.msk [tilespmem:v1+s1+$0x0], $0xffff  }
0x346: {  	v7 =	vld.idx.msk [tilespmem:v3+s1+$0x0], $0xffff  }
0x347: {  	v8 =	vor.u32 $0x4, v1;
	v3 =	vld.idx.msk [tilespmem:v3+s2+$0x0], $0xffff  }
0x348: {  	v9 =	vld.idx.msk [tilespmem:v31+s1+$0x0], $0xffff  }
0x349: {  	v10 =	vor.u32 $0x5, v1;
	v4 =	vld.idx.msk [tilespmem:v31+s2+$0x0], $0xffff  }
0x34a: {  	v11 =	vld.idx.msk [tilespmem:v6+s1+$0x0], $0xffff;
	v2 =	vmul.f32 v2, v32  }
0x34b: {  	v34 =	vor.u32 $0x6, v1;
	v33 =	vld.idx.msk [tilespmem:v6+s2+$0x0], $0xffff  }
0x34c: {  	v12 =	vld.idx.msk [tilespmem:v8+s1+$0x0], $0xffff;
	v3 =	vmul.f32 v3, v7;
	v2 =	vadd.f32 $0.0e+00, v2  }
0x34d: {  	v36 =	vor.u32 $0x7, v1;
	v35 =	vld.idx.msk [tilespmem:v8+s2+$0x0], $0xffff  }
0x34e: {  	v13 =	vld.idx.msk [tilespmem:v10+s1+$0x0], $0xffff;
	v2 =	vadd.f32 v3, v2;
	v3 =	vmul.f32 v4, v9  }
0x34f: {  	v38 =	vor.u32 $0x8, v1;
	v37 =	vld.idx.msk [tilespmem:v10+s2+$0x0], $0xffff  }
0x350: {  	v39 =	vld.idx.msk [tilespmem:v34+s1+$0x0], $0xffff;
	v2 =	vadd.f32 v3, v2;
	v3 =	vmul.f32 v33, v11  }
0x351: {  	v41 =	vor.u32 $0x9, v1;
	v40 =	vld.idx.msk [tilespmem:v34+s2+$0x0], $0xffff  }
0x352: {  	v42 =	vld.idx.msk [tilespmem:v36+s1+$0x0], $0xffff;
	v2 =	vadd.f32 v3, v2;
	v3 =	vmul.f32 v35, v12  }
0x353: {  	v44 =	vor.u32 $0xA, v1;
	v43 =	vld.idx.msk [tilespmem:v36+s2+$0x0], $0xffff  }
0x354: {  	v45 =	vld.idx.msk [tilespmem:v38+s1+$0x0], $0xffff;
	v2 =	vadd.f32 v3, v2;
	v3 =	vmul.f32 v37, v13  }
0x355: {  	v47 =	vor.u32 $0xB, v1;
	v46 =	vld.idx.msk [tilespmem:v38+s2+$0x0], $0xffff  }
0x356: {  	v48 =	vld.idx.msk [tilespmem:v41+s1+$0x0], $0xffff;
	v2 =	vadd.f32 v3, v2;
	v3 =	vmul.f32 v40, v39  }
0x357: {  	v50 =	vor.u32 $0xC, v1;
	v49 =	vld.idx.msk [tilespmem:v41+s2+$0x0], $0xffff  }
0x358: {  	v51 =	vld.idx.msk [tilespmem:v44+s1+$0x0], $0xffff;
	v2 =	vadd.f32 v3, v2;
	v3 =	vmul.f32 v43, v42  }
0x359: {  	v53 =	vor.u32 $0xD, v1;
	v52 =	vld.idx.msk [tilespmem:v44+s2+$0x0], $0xffff  }
0x35a: {  	v54 =	vld.idx.msk [tilespmem:v47+s1+$0x0], $0xffff;
	v2 =	vadd.f32 v3, v2;
	v3 =	vmul.f32 v46, v45  }
0x35b: {  	v56 =	vor.u32 $0xE, v1;
	v55 =	vld.idx.msk [tilespmem:v47+s2+$0x0], $0xffff  }
0x35c: {  	v57 =	vld.idx.msk [tilespmem:v50+s1+$0x0], $0xffff;
	v2 =	vadd.f32 v3, v2;
	v3 =	vmul.f32 v49, v48  }
0x35d: {  	v59 =	vor.u32 $0xF, v1;
	v58 =	vld.idx.msk [tilespmem:v50+s2+$0x0], $0xffff  }
0x35e: {  	v60 =	vld.idx.msk [tilespmem:v53+s1+$0x0], $0xffff;
	v2 =	vadd.f32 v3, v2;
	v3 =	vmul.f32 v52, v51  }
0x35f: {  	v62 =	vor.u32 $0x10, v1;
	v61 =	vld.idx.msk [tilespmem:v53+s2+$0x0], $0xffff  }
0x360: {  	v63 =	vld.idx.msk [tilespmem:v56+s1+$0x0], $0xffff;
	v2 =	vadd.f32 v3, v2;
	v3 =	vmul.f32 v55, v54  }
0x361: {  	v17 =	vor.u32 $0x11, v1;
	v16 =	vld.idx.msk [tilespmem:v56+s2+$0x0], $0xffff  }
0x362: {  	v18 =	vld.idx.msk [tilespmem:v59+s1+$0x0], $0xffff;
	v2 =	vadd.f32 v3, v2;
	v3 =	vmul.f32 v58, v57  }
0x363: {  	v20 =	vor.u32 $0x12, v1;
	v19 =	vld.idx.msk [tilespmem:v59+s2+$0x0], $0xffff  }
0x364: {  	v21 =	vld.idx.msk [tilespmem:v62+s1+$0x0], $0xffff;
	v2 =	vadd.f32 v3, v2;
	v3 =	vmul.f32 v61, v60  }
0x365: {  	v23 =	vor.u32 $0x13, v1;
	v22 =	vld.idx.msk [tilespmem:v62+s2+$0x0], $0xffff  }
0x366: {  	v24 =	vld.idx.msk [tilespmem:v17+s1+$0x0], $0xffff;
	v2 =	vadd.f32 v3, v2;
	v3 =	vmul.f32 v16, v63  }
0x367: {  	v26 =	vor.u32 $0x14, v1;
	v25 =	vld.idx.msk [tilespmem:v17+s2+$0x0], $0xffff  }
0x368: {  	v27 =	vld.idx.msk [tilespmem:v20+s1+$0x0], $0xffff;
	v2 =	vadd.f32 v3, v2;
	v3 =	vmul.f32 v19, v18  }
0x369: {  	v29 =	vor.u32 $0x15, v1;
	v28 =	vld.idx.msk [tilespmem:v20+s2+$0x0], $0xffff  }
0x36a: {  	v30 =	vld.idx.msk [tilespmem:v23+s1+$0x0], $0xffff;
	v2 =	vadd.f32 v3, v2;
	v3 =	vmul.f32 v22, v21  }
0x36b: {  	v31 =	vld.idx.msk [tilespmem:v23+s2+$0x0], $0xffff;
	v32 =	vor.u32 $0x16, v1  }
0x36c: {  	v34 =	vld.idx.msk [tilespmem:v26+s2+$0x0], $0xffff;
	v2 =	vadd.f32 v3, v2;
	v3 =	vmul.f32 v25, v24  }
0x36d: {  	v33 =	vld.idx.msk [tilespmem:v26+s1+$0x0], $0xffff;
	v35 =	vor.u32 $0x17, v1  }
0x36e: {  	v36 =	vld.idx.msk [tilespmem:v29+s1+$0x0], $0xffff;
	v2 =	vadd.f32 v3, v2;
	v3 =	vmul.f32 v28, v27  }
0x36f: {  	v38 =	vor.u32 $0x18, v1;
	v37 =	vld.idx.msk [tilespmem:v29+s2+$0x0], $0xffff  }
0x370: {  	v39 =	vld.idx.msk [tilespmem:v32+s1+$0x0], $0xffff;
	v2 =	vadd.f32 v3, v2;
	v3 =	vmul.f32 v31, v30  }
0x371: {  	v41 =	vor.u32 $0x19, v1;
	v40 =	vld.idx.msk [tilespmem:v32+s2+$0x0], $0xffff  }
0x372: {  	v42 =	vld.idx.msk [tilespmem:v35+s1+$0x0], $0xffff;
	v2 =	vadd.f32 v3, v2;
	v3 =	vmul.f32 v34, v33  }
0x373: {  	v44 =	vor.u32 $0x1A, v1;
	v43 =	vld.idx.msk [tilespmem:v35+s2+$0x0], $0xffff  }
0x374: {  	v45 =	vld.idx.msk [tilespmem:v38+s1+$0x0], $0xffff;
	v2 =	vadd.f32 v3, v2;
	v3 =	vmul.f32 v37, v36  }
0x375: {  	v47 =	vor.u32 $0x1B, v1;
	v46 =	vld.idx.msk [tilespmem:v38+s2+$0x0], $0xffff  }
0x376: {  	v48 =	vld.idx.msk [tilespmem:v41+s1+$0x0], $0xffff;
	v2 =	vadd.f32 v3, v2;
	v3 =	vmul.f32 v40, v39  }
0x377: {  	v50 =	vor.u32 $0x1C, v1;
	v49 =	vld.idx.msk [tilespmem:v41+s2+$0x0], $0xffff  }
0x378: {  	v51 =	vld.idx.msk [tilespmem:v44+s1+$0x0], $0xffff;
	v2 =	vadd.f32 v3, v2;
	v3 =	vmul.f32 v43, v42  }
0x379: {  	v53 =	vor.u32 $0x1D, v1;
	v52 =	vld.idx.msk [tilespmem:v44+s2+$0x0], $0xffff  }
0x37a: {  	v54 =	vld.idx.msk [tilespmem:v47+s1+$0x0], $0xffff;
	v2 =	vadd.f32 v3, v2;
	v3 =	vmul.f32 v46, v45  }
0x37b: {  	v56 =	vor.u32 $0x1E, v1;
	v55 =	vld.idx.msk [tilespmem:v47+s2+$0x0], $0xffff  }
0x37c: {  	v57 =	vld.idx.msk [tilespmem:v50+s1+$0x0], $0xffff;
	v2 =	vadd.f32 v3, v2;
	v3 =	vmul.f32 v49, v48  }
0x37d: {  	v1 =	vor.u32 $0x1F, v1;
	v58 =	vld.idx.msk [tilespmem:v50+s2+$0x0], $0xffff  }
0x37e: {  	v59 =	vld.idx.msk [tilespmem:v53+s1+$0x0], $0xffff;
	v2 =	vadd.f32 v3, v2;
	v3 =	vmul.f32 v52, v51  }
0x37f: {  	v60 =	vld.idx.msk [tilespmem:v53+s2+$0x0], $0xffff  }
0x380: {  	v62 =	vld.idx.msk [tilespmem:v56+s2+$0x0], $0xffff;
	v2 =	vadd.f32 v3, v2;
	v3 =	vmul.f32 v55, v54  }
0x381: {  	v61 =	vld.idx.msk [tilespmem:v56+s1+$0x0], $0xffff  }
0x382: {  	v63 =	vld.idx.msk [tilespmem:v1+s1+$0x0], $0xffff;
	v2 =	vadd.f32 v3, v2;
	v3 =	vmul.f32 v58, v57  }
0x383: {  	v1 =	vld.idx.msk [tilespmem:v1+s2+$0x0], $0xffff  }
0x384: {  	v2 =	vadd.f32 v3, v2;
	v3 =	vmul.f32 v60, v59;
	_ =	sdelay $0x1  }
0x385: {  	v2 =	vadd.f32 v3, v2;
	v3 =	vmul.f32 v62, v61;
	_ =	sdelay $0x1  }
0x386: {  	v1 =	vmul.f32 v1, v63;
	v2 =	vadd.f32 v3, v2;
	_ =	sdelay $0x1  }
0x387: {  	v1 =	vadd.f32 v1, v2  }
0x388: {  	s26 =	sand.u32 $0xF0, s17  }
0x389: {  	s28 =	rddreg [dreg:$0x1b];
	s29 =	simm.s32 $0x10400;
	s2 =	simm.s32 $0x3;
	[tilespmem:s26+$0x10500] =	vst v1  }
0x38a: {  	[hbm4b:s28+s3] =	stream.linear.scatter [tilespmem:s29], [sflag:$0x3], $0x200, $0x38;
	[tilespmem:$0x10600] =	vst v63  }
0x38b: {  	_ =	swait.ge [sflag:s2], $0x200  }
0x38c: {  	s30 =	rddreg [dreg:$0x1d]  }
0x38d: {  	s31 =	rddreg [dreg:$0x1c];
	s1 =	sadd.s32 $0x1, s30  }
0x38e: {  	p0 =	sne.s32 s1, s31  }
.Ltmp4:
0x38f: {  	_ = 	snop;
	(pc) =	sbr.rel @p0 .LBB2_1-.Ltmp4, $3  }
0x390: {  	_ =	sdelay $0x1  }
0x391: {  	[sflag:s2] =	ssyncset.done $0x0  }
0x392: {  	[sflag:s2] =	ssyncadd.s32 $0xFFFFFE00  }
0x393: {  	_ =	sfence.sel $0x180000  }
0x394: {  	[bflag:$0x0] =	sbarrier.arrive $0xFFFF  }
0x395: {  	_ =	strace $0x90000047  }
0x396: {  	s0 =	stileid.u32;
	[bflag:$0x2] =	sbarrier.arrive $0xFFFF  }
0x397: {  	p0 =	sne.s32 s0, $0x0;
	s0 =	rddreg [dreg:$0x4]  }
0x398: {  	s0 =	sadd.s32 @!p0 $0x100000, s0  }
0x399: {  	[sflag:s0] =	ssyncadd.tile.s32 @!p0 $0x1;
	_ =	shalt  }
.Lfunc_end2:
_tile_overlayer_lowered:
.L_overlay_start_2:
0x39a: {  	(tag) =	ssettag $0x2  }
0x39b: {  	s0 =	rddreg [dreg:$0x0];
	s2 =	stileid.u32  }
0x39c: {  	s1 =	rddreg [dreg:$0x1];
	p0 =	sne.s32 s2, $0x0  }
0x39d: {  	s3 =	rddreg [dreg:$0x2];
	[bflag:$0x3] =	sbarrier.arrive $0xFFFF;
	s2 =	simm.s32 @!p0 $0x1C03  }
0x39e: {  	[timem:s3], [sflag:s2] =	dma.local @!p0 [hbm:s0], s1  }
0x39f: {  	s0 =	simm.s32 @!p0 $0x3  }
0x3a0: {  	_ =	swait.ge @!p0 [sflag:s0], s1  }
0x3a1: {  	s1 =	ssub.s32 @!p0 $0x0, s1;
	[sflag:s0] =	ssyncset.done @!p0 $0x0  }
0x3a2: {  	[sflag:s0] =	ssyncadd.s32 @!p0 s1  }
0x3a3: {  	[bflag:$0x3] =	sbarrier.arrive $0xFFFF  }
0x3a4: {  	_ =	shalt  }

</sc_bundles>
